<compile_context>
chip_gen: v7x
topology: tpu7x:2x2x1
jax: 0.10.2.dev20260603
libtpu: 0.0.44.dev20260713+nightly
codegen_flags: <defaults>
</compile_context>

<pallas_src>
import functools

import jax
import jax.numpy as jnp
from jax import lax
from jax.experimental import pallas as pl
from jax.experimental.pallas import tpu as pltpu
from jax.experimental.pallas import tpu_sc as plsc

_NC = 2
_NS = 16
_NW = _NC * _NS
_L = 16
_B = 64
_NBUF = 6

_LO = 1.1920930376163597e-07
_HI = 16.118095651262775


def _per_sample_loss(u):
    e = jnp.exp(-jnp.abs(u))
    s = e / (e + 2.0)
    s2 = s * s
    p = 2.0 * s * (1.0 + s2 * (1.0 / 3.0 + s2 * (0.2 + s2 * (1.0 / 7.0 + s2 * (1.0 / 9.0)))))
    ps = jnp.maximum(u, 0.0) + p
    return jnp.clip(ps, _LO, _HI)


@functools.lru_cache(maxsize=None)
def _build(n, c):
    per_w = -(-n // (_NW * 8)) * 8
    assert c % 128 == 0 and n % 8 == 0
    assert n - (_NW - 1) * per_w >= _B
    cb = c // _L
    mesh = plsc.VectorSubcoreMesh(core_axis_name="c", subcore_axis_name="s")
    params = pltpu.CompilerParams(
        use_tc_tiling_on_sc=True, needs_layout_passes=False)

    @functools.partial(
        pl.kernel,
        out_type=jax.ShapeDtypeStruct((_NW * 2 * c,), jnp.float32),
        mesh=mesh,
        compiler_params=params,
        scratch_types=[
            pltpu.VMEM((per_w,), jnp.int32),
            pltpu.VMEM((_NBUF, _B, c), jnp.float32),
            pltpu.VMEM((c,), jnp.float32),
            pltpu.VMEM((_L * c,), jnp.float32),
            pltpu.VMEM((_L * c,), jnp.float32),
            pltpu.VMEM((2 * c,), jnp.float32),
            [pltpu.SemaphoreType.DMA] * _NBUF,
        ],
    )
    def k1(close_hbm, y_hbm, md_hbm, part_hbm,
           y_v, blk_v, md_v, sbin_v, cbin_v, fold_v, sems):
        wid = lax.axis_index("s") * _NC + lax.axis_index("c")
        base = wid * per_w
        rows_w = jnp.minimum(per_w, n - base)
        nfull = rows_w // _B
        thresh = base + nfull * _B
        nblk = nfull + 1
        ybase = pl.multiple_of(jnp.minimum(base, n - per_w), 8)
        pltpu.sync_copy(y_hbm.at[pl.ds(ybase, per_w)], y_v)
        pltpu.sync_copy(md_hbm, md_v)
        iota = lax.iota(jnp.int32, _L)
        zf = jnp.zeros((_L,), jnp.float32)
        onef = jnp.full((_L,), 1.0, jnp.float32)

        def zero_body(j, _):
            sbin_v[pl.ds(j * _L, _L)] = zf
            cbin_v[pl.ds(j * _L, _L)] = zf
            return 0
        lax.fori_loop(0, _L * c // _L, zero_body, 0)

        def r0_of(k):
            r0 = jnp.where(k < nfull, base + k * _B, base + rows_w - _B)
            return pl.multiple_of(r0, 8)

        def copy_of(k, slot):
            return pltpu.make_async_copy(
                close_hbm.at[pl.ds(r0_of(k), _B), :], blk_v.at[slot], sems[slot])

        def start(k):
            for slot in range(_NBUF):
                @pl.when(k % _NBUF == slot)
                def _():
                    copy_of(k, slot).start()

        for b in range(_NBUF - 1):
            @pl.when(b < nblk)
            def _():
                copy_of(b, b).start()

        def blk_body(k, _):
            @pl.when(k + _NBUF - 1 < nblk)
            def _():
                start(k + _NBUF - 1)
            for slot in range(_NBUF):
                @pl.when(k % _NBUF == slot)
                def _():
                    copy_of(k, slot).wait()
            r0 = r0_of(k)
            buf = blk_v.at[k % _NBUF]
            for q in range(_B // _L):
                row = r0 + q * _L + iota
                keep = row >= jnp.where(k < nfull, 0, thresh)
                yv = y_v[pl.ds(r0 - ybase + q * _L, _L)]
                rl = q * _L + iota
                g = plsc.load_gather(buf, [rl, yv])
                md = plsc.load_gather(md_v, [yv])
                ps = _per_sample_loss(md - g)
                bidx = iota * c + yv
                plsc.addupdate_scatter(sbin_v, [bidx], ps, mask=keep)
                plsc.addupdate_scatter(cbin_v, [bidx], onef, mask=keep)
            return 0
        lax.fori_loop(0, nblk, blk_body, 0)

        def fold_body(b, _):
            accs = zf
            accc = zf
            for l in range(_L):
                accs = accs + sbin_v[pl.ds(l * c + b * _L, _L)]
                accc = accc + cbin_v[pl.ds(l * c + b * _L, _L)]
            fold_v[pl.ds(b * _L, _L)] = accs
            fold_v[pl.ds(c + b * _L, _L)] = accc
            return 0
        lax.fori_loop(0, cb, fold_body, 0)
        pltpu.sync_copy(fold_v, part_hbm.at[pl.ds(wid * 2 * c, 2 * c)])

    @functools.partial(
        pl.kernel,
        out_type=jax.ShapeDtypeStruct((_L,), jnp.float32),
        mesh=mesh,
        compiler_params=params,
        scratch_types=[
            pltpu.VMEM((_NW * 2 * c,), jnp.float32),
            pltpu.VMEM((_L,), jnp.float32),
        ],
    )
    def k2(part_hbm, out_hbm, buf_v, out_v):
        wid = lax.axis_index("s") * _NC + lax.axis_index("c")

        @pl.when(wid == 0)
        def _():
            pltpu.sync_copy(part_hbm, buf_v)
            zf = jnp.zeros((_L,), jnp.float32)
            onef = jnp.full((_L,), 1.0, jnp.float32)

            def red_body(b, car):
                macc, jacc = car
                accs = zf
                accc = zf
                for w in range(_NW):
                    accs = accs + buf_v[pl.ds(w * 2 * c + b * _L, _L)]
                    accc = accc + buf_v[pl.ds(w * 2 * c + c + b * _L, _L)]
                ne = accc > 0.0
                mean = jnp.where(ne, accs / jnp.maximum(accc, 1.0), zf)
                return macc + mean, jacc + jnp.where(ne, onef, zf)

            macc, jacc = lax.fori_loop(0, cb, red_body, (zf, zf))
            out_v[...] = (zf + jnp.sum(macc)) / jnp.maximum(zf + jnp.sum(jacc), 1.0)
            pltpu.sync_copy(out_v, out_hbm)

    def run(close_er, y, max_dis, margin):
        md_plus = max_dis + margin.astype(jnp.float32)
        part = k1(close_er, y.astype(jnp.int32), md_plus)
        return k2(part)[0]

    return run


def kernel(close_er, y, max_dis, margin):
    n, c = close_er.shape
    return _build(n, c)(close_er, y, max_dis, jnp.asarray(margin))

# --- scband reference (transcript-rebuilt; emitter-appended) ---
"""Pipeline reference for scband-criterion-g-28441273434488 (READ-ONLY COPY).

The authoritative reference and input builder live on the scoring server;
editing this copy changes nothing except your own understanding.
"""

import jax, jax.numpy as jnp
import numpy as np

N = 100000
C = 256

def setup_inputs(seed: int = 0) -> dict:
    key = jax.random.key(seed)
    k1, k2, k3, k4 = jax.random.split(key, 4)
    close_er = jax.random.normal(k1, (N, C), dtype=jnp.float32)
    y = jax.random.randint(k2, (N,), 0, C, dtype=jnp.int32)
    max_dis = jax.random.normal(k3, (C,), dtype=jnp.float32)
    margin = jax.random.uniform(k4, (), dtype=jnp.float32)
    return {"close_er": close_er, "y": y, "max_dis": max_dis, "margin": margin}

def reference(close_er, y, max_dis, margin):
    # Vectorized, faithful translation of the per-class python loop:
    # for each class i, over samples n with y[n]==i:
    #   gap = sigmoid(close_er[n, i] - max_dis[i] - margin)
    #   gap = clamp(gap, 1e-7, 1-1e-7); class loss = mean(-log(gap))
    # total loss = sum over nonempty classes / number of nonempty classes
    num_classes = max_dis.shape[0]
    n = close_er.shape[0]
    # gather close_er[n, y[n]] and max_dis[y[n]]
    gathered = jnp.take_along_axis(close_er, y[:, None].astype(jnp.int32), axis=1)[:, 0]
    v = gathered - jnp.take(max_dis, y, axis=0) - margin
    gap = jax.nn.sigmoid(v)
    gap = jnp.clip(gap, 1e-07, 1.0 - 1e-07)
    per_sample = -jnp.log(gap)
    class_sums = jax.ops.segment_sum(per_sample, y, num_segments=num_classes)
    class_counts = jax.ops.segment_sum(jnp.ones((n,), dtype=jnp.float32), y, num_segments=num_classes)
    nonempty = class_counts > 0
    class_means = jnp.where(nonempty, class_sums / jnp.maximum(class_counts, 1.0), 0.0)
    j = jnp.maximum(nonempty.sum().astype(jnp.float32), 1.0)
    loss = class_means.sum() / j
    return loss

if False:  # reference __main__ guard neutralized (emitter)
    out = reference(**setup_inputs())
    print(out)

if __name__ == "__main__":
    import jax
    _d = setup_inputs()
    print(jax.jit(kernel)(*tuple(_d.values())))

</pallas_src>

<mosaic_0001>
#map = affine_map<(d0, d1) -> (0, 0)>
#map1 = affine_map<(d0, d1) -> (0)>
module attributes {stable_mosaic.version = 14 : i64} {
  func.func @k1(%arg0: i32, %arg1: i32, %arg2: memref<100000x256xf32, #tpu.memory_space<hbm>>, %arg3: memref<100000xi32, #tpu.memory_space<hbm>>, %arg4: memref<256xf32, #tpu.memory_space<hbm>>, %arg5: memref<16384xf32, #tpu.memory_space<hbm>>, %arg6: memref<3128xi32, #tpu.memory_space<vmem>>, %arg7: memref<6x64x256xf32, #tpu.memory_space<vmem>>, %arg8: memref<256xf32, #tpu.memory_space<vmem>>, %arg9: memref<4096xf32, #tpu.memory_space<vmem>>, %arg10: memref<4096xf32, #tpu.memory_space<vmem>>, %arg11: memref<512xf32, #tpu.memory_space<vmem>>, %arg12: memref<!tpu.dma_semaphore, #tpu.memory_space<semaphore_mem>>, %arg13: memref<!tpu.dma_semaphore, #tpu.memory_space<semaphore_mem>>, %arg14: memref<!tpu.dma_semaphore, #tpu.memory_space<semaphore_mem>>, %arg15: memref<!tpu.dma_semaphore, #tpu.memory_space<semaphore_mem>>, %arg16: memref<!tpu.dma_semaphore, #tpu.memory_space<semaphore_mem>>, %arg17: memref<!tpu.dma_semaphore, #tpu.memory_space<semaphore_mem>>) attributes {dimension_semantics = [#tpu.dimension_semantics<core_parallel>, #tpu.dimension_semantics<subcore_parallel>], iteration_bounds = array<i64: 2, 16>, scalar_prefetch = 0 : i64, scratch_operands = 12 : i64, tpu.core_type = #tpu.core_type<sc_vector_subcore>, window_params = [{transform_indices = #map}, {transform_indices = #map1}, {transform_indices = #map1}, {transform_indices = #map1}]} {
    %mul3A = arith.constant 2 : i32
    %mul3A_0 = arith.muli %arg1, %mul3A : i32
    %add3A = arith.addi %mul3A_0, %arg0 : i32
    %mul3A_1 = arith.constant 3128 : i32
    %mul3A_2 = arith.muli %add3A, %mul3A_1 : i32
    %sub3A = arith.constant 100000 : i32
    %sub3A_3 = arith.subi %sub3A, %mul3A_2 : i32
    %min3A = arith.constant 3128 : i32
    %min3A_4 = arith.minsi %min3A, %sub3A_3 : i32
    %jit3A = arith.constant 64 : i32
    %div3A = arith.divsi %min3A_4, %jit3A : i32
    %sign3A = arith.constant 0 : i32
    %sign3A_5 = arith.cmpi sgt, %min3A_4, %sign3A : i32
    %sign3A_6 = arith.extui %sign3A_5 : i1 to i32
    %sign3A_7 = arith.constant 0 : i32
    %sign3A_8 = arith.cmpi slt, %min3A_4, %sign3A_7 : i32
    %sign3A_9 = arith.extui %sign3A_8 : i1 to i32
    %sign3A_10 = arith.subi %sign3A_6, %sign3A_9 : i32
    %sign3A_11 = arith.constant 0 : i32
    %sign3A_12 = arith.cmpi sgt, %jit3A, %sign3A_11 : i32
    %sign3A_13 = arith.extui %sign3A_12 : i1 to i32
    %sign3A_14 = arith.constant 0 : i32
    %sign3A_15 = arith.cmpi slt, %jit3A, %sign3A_14 : i32
    %sign3A_16 = arith.extui %sign3A_15 : i1 to i32
    %sign3A_17 = arith.subi %sign3A_13, %sign3A_16 : i32
    %ne3A = arith.cmpi ne, %sign3A_10, %sign3A_17 : i32
    %rem3A = arith.remsi %min3A_4, %jit3A : i32
    %ne3A_18 = arith.constant 0 : i32
    %ne3A_19 = arith.cmpi ne, %rem3A, %ne3A_18 : i32
    %and3A = arith.andi %ne3A, %ne3A_19 : i1
    %sub3A_20 = arith.constant 1 : i32
    %sub3A_21 = arith.subi %div3A, %sub3A_20 : i32
    %select_n3A = arith.select %and3A, %sub3A_21, %div3A : i32
    %mul3A_22 = arith.constant 64 : i32
    %mul3A_23 = arith.muli %select_n3A, %mul3A_22 : i32
    %add3A_24 = arith.addi %mul3A_2, %mul3A_23 : i32
    %add3A_25 = arith.constant 1 : i32
    %add3A_26 = arith.addi %select_n3A, %add3A_25 : i32
    %min3A_27 = arith.constant 96872 : i32
    %min3A_28 = arith.minsi %mul3A_2, %min3A_27 : i32
    %multiple_of3A = tpu.assume_multiple %min3A_28, 8 : i32
    "tpu.region"() ({
      %run_scoped3A = tpu.sem_alloc : memref<!tpu.dma_semaphore, #tpu.memory_space<semaphore_mem>>
      %dma_start3A = tpu.memref_slice %arg3[%multiple_of3A] : memref<100000xi32, #tpu.memory_space<hbm>> -> memref<3128xi32, #tpu.memory_space<hbm>>
      %dma_start3A_82 = tpu.memref_slice %arg3[%multiple_of3A] : memref<100000xi32, #tpu.memory_space<hbm>> -> memref<3128xi32, #tpu.memory_space<hbm>>
      tpu.enqueue_dma source(%dma_start3A_82 : memref<3128xi32, #tpu.memory_space<hbm>>) target(%arg6 : memref<3128xi32, #tpu.memory_space<vmem>>) target_semaphore(%run_scoped3A : memref<!tpu.dma_semaphore, #tpu.memory_space<semaphore_mem>>)
      %dma_wait3A = tpu.memref_slice %arg3[%multiple_of3A] : memref<100000xi32, #tpu.memory_space<hbm>> -> memref<3128xi32, #tpu.memory_space<hbm>>
      %dma_wait3A_83 = tpu.memref_slice %arg3[%multiple_of3A] : memref<100000xi32, #tpu.memory_space<hbm>> -> memref<3128xi32, #tpu.memory_space<hbm>>
      tpu.wait_dma2 semaphore(%run_scoped3A : memref<!tpu.dma_semaphore, #tpu.memory_space<semaphore_mem>>) src(%dma_wait3A_83 : memref<3128xi32, #tpu.memory_space<hbm>>) dst(%arg6 : memref<3128xi32, #tpu.memory_space<vmem>>)
      tpu.yield
    }) : () -> ()
    "tpu.region"() ({
      %run_scoped3A = tpu.sem_alloc : memref<!tpu.dma_semaphore, #tpu.memory_space<semaphore_mem>>
      tpu.enqueue_dma source(%arg4 : memref<256xf32, #tpu.memory_space<hbm>>) target(%arg8 : memref<256xf32, #tpu.memory_space<vmem>>) target_semaphore(%run_scoped3A : memref<!tpu.dma_semaphore, #tpu.memory_space<semaphore_mem>>)
      tpu.wait_dma2 semaphore(%run_scoped3A : memref<!tpu.dma_semaphore, #tpu.memory_space<semaphore_mem>>) src(%arg4 : memref<256xf32, #tpu.memory_space<hbm>>) dst(%arg8 : memref<256xf32, #tpu.memory_space<vmem>>)
      tpu.yield
    }) : () -> ()
    %iota3A = tpu.iota {dimensions = array<i32: 0>} : vector<16xi32>
    %broadcast_in_dim3A = arith.constant 0.000000e+00 : f32
    %broadcast_in_dim3A_29 = vector.broadcast %broadcast_in_dim3A : f32 to vector<16xf32>
    %broadcast_in_dim3A_30 = arith.constant 1.000000e+00 : f32
    %broadcast_in_dim3A_31 = vector.broadcast %broadcast_in_dim3A_30 : f32 to vector<16xf32>
    %scan3A = arith.constant 0 : i32
    %scan3A_32 = arith.constant 0 : i32
    %scan3A_33 = arith.constant 256 : i32
    %scan3A_34 = arith.addi %scan3A_32, %scan3A_33 : i32
    %scan3A_35 = arith.constant 1 : i32
    %scan3A_36 = scf.for %scan3A_82 = %scan3A_32 to %scan3A_34 step %scan3A_35 iter_args(%scan3A_83 = %scan3A) -> (i32)  : i32 {
      %mul3A_84 = arith.constant 16 : i32
      %mul3A_85 = arith.muli %scan3A_82, %mul3A_84 : i32
      %swap3A = arith.index_cast %mul3A_85 : i32 to index
      %swap3A_86 = tpu.vector_load %arg9[%swap3A] {strides = array<i32>} : memref<4096xf32, #tpu.memory_space<vmem>>, vector<16xf32>,
      tpu.vector_store %arg9[%swap3A], %broadcast_in_dim3A_29 {strides = array<i32>} : memref<4096xf32, #tpu.memory_space<vmem>>, vector<16xf32>,
      %mul3A_87 = arith.constant 16 : i32
      %mul3A_88 = arith.muli %scan3A_82, %mul3A_87 : i32
      %swap3A_89 = arith.index_cast %mul3A_88 : i32 to index
      %swap3A_90 = tpu.vector_load %arg10[%swap3A_89] {strides = array<i32>} : memref<4096xf32, #tpu.memory_space<vmem>>, vector<16xf32>,
      tpu.vector_store %arg10[%swap3A_89], %broadcast_in_dim3A_29 {strides = array<i32>} : memref<4096xf32, #tpu.memory_space<vmem>>, vector<16xf32>,
      %scan3A_91 = arith.constant 0 : i32
      scf.yield %scan3A_91 : i32
    }
    %scan3A_37 = arith.constant 256 : i32
    %gt3A = arith.constant 0 : i32
    %gt3A_38 = arith.cmpi sgt, %add3A_26, %gt3A : i32
    %convert_element_type3A = arith.extui %gt3A_38 : i1 to i32
    %cond3A = arith.constant 0 : i32
    %cond3A_39 = arith.cmpi ne, %convert_element_type3A, %cond3A : i32
    scf.if %cond3A_39 {
      %gt3A_82 = arith.constant 0 : i32
      %gt3A_83 = arith.cmpi sgt, %select_n3A, %gt3A_82 : i32
      %add3A_84 = arith.constant 0 : i32
      %add3A_85 = arith.addi %mul3A_2, %add3A_84 : i32
      %add3A_86 = arith.addi %mul3A_2, %min3A_4 : i32
      %sub3A_87 = arith.constant 64 : i32
      %sub3A_88 = arith.subi %add3A_86, %sub3A_87 : i32
      %select_n3A_89 = arith.select %gt3A_83, %add3A_85, %sub3A_88 : i32
      %multiple_of3A_90 = tpu.assume_multiple %select_n3A_89, 8 : i32
      %dma_start3A = arith.constant 0 : i32
      %dma_start3A_91 = arith.constant 0 : i32
      %dma_start3A_92 = arith.constant 0 : i32
      %dma_start3A_93 = tpu.memref_slice %arg7[%dma_start3A, %dma_start3A_91, %dma_start3A_92] : memref<6x64x256xf32, #tpu.memory_space<vmem>> -> memref<1x64x256xf32, #tpu.memory_space<vmem>>
      %dma_start3A_94 = tpu.memref_squeeze %dma_start3A_93 : memref<1x64x256xf32, #tpu.memory_space<vmem>> -> memref<64x256xf32, #tpu.memory_space<vmem>>
      %dma_start3A_95 = arith.constant 0 : i32
      %dma_start3A_96 = tpu.memref_slice %arg2[%multiple_of3A_90, %dma_start3A_95] : memref<100000x256xf32, #tpu.memory_space<hbm>> -> memref<64x256xf32, #tpu.memory_space<hbm>>
      %dma_start3A_97 = arith.constant 0 : i32
      %dma_start3A_98 = arith.constant 0 : i32
      %dma_start3A_99 = tpu.memref_slice %arg7[%dma_start3A, %dma_start3A_97, %dma_start3A_98] : memref<6x64x256xf32, #tpu.memory_space<vmem>> -> memref<1x64x256xf32, #tpu.memory_space<vmem>>
      %dma_start3A_100 = tpu.memref_squeeze %dma_start3A_99 : memref<1x64x256xf32, #tpu.memory_space<vmem>> -> memref<64x256xf32, #tpu.memory_space<vmem>>
      %dma_start3A_101 = arith.constant 0 : i32
      %dma_start3A_102 = tpu.memref_slice %arg2[%multiple_of3A_90, %dma_start3A_101] : memref<100000x256xf32, #tpu.memory_space<hbm>> -> memref<64x256xf32, #tpu.memory_space<hbm>>
      tpu.enqueue_dma source(%dma_start3A_102 : memref<64x256xf32, #tpu.memory_space<hbm>>) target(%dma_start3A_100 : memref<64x256xf32, #tpu.memory_space<vmem>>) target_semaphore(%arg12 : memref<!tpu.dma_semaphore, #tpu.memory_space<semaphore_mem>>)
    } else {
    }
    %gt3A_40 = arith.constant 1 : i32
    %gt3A_41 = arith.cmpi sgt, %add3A_26, %gt3A_40 : i32
    %convert_element_type3A_42 = arith.extui %gt3A_41 : i1 to i32
    %cond3A_43 = arith.constant 0 : i32
    %cond3A_44 = arith.cmpi ne, %convert_element_type3A_42, %cond3A_43 : i32
    scf.if %cond3A_44 {
      %gt3A_82 = arith.constant 1 : i32
      %gt3A_83 = arith.cmpi sgt, %select_n3A, %gt3A_82 : i32
      %add3A_84 = arith.constant 64 : i32
      %add3A_85 = arith.addi %mul3A_2, %add3A_84 : i32
      %add3A_86 = arith.addi %mul3A_2, %min3A_4 : i32
      %sub3A_87 = arith.constant 64 : i32
      %sub3A_88 = arith.subi %add3A_86, %sub3A_87 : i32
      %select_n3A_89 = arith.select %gt3A_83, %add3A_85, %sub3A_88 : i32
      %multiple_of3A_90 = tpu.assume_multiple %select_n3A_89, 8 : i32
      %dma_start3A = arith.constant 1 : i32
      %dma_start3A_91 = arith.constant 0 : i32
      %dma_start3A_92 = arith.constant 0 : i32
      %dma_start3A_93 = tpu.memref_slice %arg7[%dma_start3A, %dma_start3A_91, %dma_start3A_92] : memref<6x64x256xf32, #tpu.memory_space<vmem>> -> memref<1x64x256xf32, #tpu.memory_space<vmem>>
      %dma_start3A_94 = tpu.memref_squeeze %dma_start3A_93 : memref<1x64x256xf32, #tpu.memory_space<vmem>> -> memref<64x256xf32, #tpu.memory_space<vmem>>
      %dma_start3A_95 = arith.constant 0 : i32
      %dma_start3A_96 = tpu.memref_slice %arg2[%multiple_of3A_90, %dma_start3A_95] : memref<100000x256xf32, #tpu.memory_space<hbm>> -> memref<64x256xf32, #tpu.memory_space<hbm>>
      %dma_start3A_97 = arith.constant 0 : i32
      %dma_start3A_98 = arith.constant 0 : i32
      %dma_start3A_99 = tpu.memref_slice %arg7[%dma_start3A, %dma_start3A_97, %dma_start3A_98] : memref<6x64x256xf32, #tpu.memory_space<vmem>> -> memref<1x64x256xf32, #tpu.memory_space<vmem>>
      %dma_start3A_100 = tpu.memref_squeeze %dma_start3A_99 : memref<1x64x256xf32, #tpu.memory_space<vmem>> -> memref<64x256xf32, #tpu.memory_space<vmem>>
      %dma_start3A_101 = arith.constant 0 : i32
      %dma_start3A_102 = tpu.memref_slice %arg2[%multiple_of3A_90, %dma_start3A_101] : memref<100000x256xf32, #tpu.memory_space<hbm>> -> memref<64x256xf32, #tpu.memory_space<hbm>>
      tpu.enqueue_dma source(%dma_start3A_102 : memref<64x256xf32, #tpu.memory_space<hbm>>) target(%dma_start3A_100 : memref<64x256xf32, #tpu.memory_space<vmem>>) target_semaphore(%arg13 : memref<!tpu.dma_semaphore, #tpu.memory_space<semaphore_mem>>)
    } else {
    }
    %gt3A_45 = arith.constant 2 : i32
    %gt3A_46 = arith.cmpi sgt, %add3A_26, %gt3A_45 : i32
    %convert_element_type3A_47 = arith.extui %gt3A_46 : i1 to i32
    %cond3A_48 = arith.constant 0 : i32
    %cond3A_49 = arith.cmpi ne, %convert_element_type3A_47, %cond3A_48 : i32
    scf.if %cond3A_49 {
      %gt3A_82 = arith.constant 2 : i32
      %gt3A_83 = arith.cmpi sgt, %select_n3A, %gt3A_82 : i32
      %add3A_84 = arith.constant 128 : i32
      %add3A_85 = arith.addi %mul3A_2, %add3A_84 : i32
      %add3A_86 = arith.addi %mul3A_2, %min3A_4 : i32
      %sub3A_87 = arith.constant 64 : i32
      %sub3A_88 = arith.subi %add3A_86, %sub3A_87 : i32
      %select_n3A_89 = arith.select %gt3A_83, %add3A_85, %sub3A_88 : i32
      %multiple_of3A_90 = tpu.assume_multiple %select_n3A_89, 8 : i32
      %dma_start3A = arith.constant 2 : i32
      %dma_start3A_91 = arith.constant 0 : i32
      %dma_start3A_92 = arith.constant 0 : i32
      %dma_start3A_93 = tpu.memref_slice %arg7[%dma_start3A, %dma_start3A_91, %dma_start3A_92] : memref<6x64x256xf32, #tpu.memory_space<vmem>> -> memref<1x64x256xf32, #tpu.memory_space<vmem>>
      %dma_start3A_94 = tpu.memref_squeeze %dma_start3A_93 : memref<1x64x256xf32, #tpu.memory_space<vmem>> -> memref<64x256xf32, #tpu.memory_space<vmem>>
      %dma_start3A_95 = arith.constant 0 : i32
      %dma_start3A_96 = tpu.memref_slice %arg2[%multiple_of3A_90, %dma_start3A_95] : memref<100000x256xf32, #tpu.memory_space<hbm>> -> memref<64x256xf32, #tpu.memory_space<hbm>>
      %dma_start3A_97 = arith.constant 0 : i32
      %dma_start3A_98 = arith.constant 0 : i32
      %dma_start3A_99 = tpu.memref_slice %arg7[%dma_start3A, %dma_start3A_97, %dma_start3A_98] : memref<6x64x256xf32, #tpu.memory_space<vmem>> -> memref<1x64x256xf32, #tpu.memory_space<vmem>>
      %dma_start3A_100 = tpu.memref_squeeze %dma_start3A_99 : memref<1x64x256xf32, #tpu.memory_space<vmem>> -> memref<64x256xf32, #tpu.memory_space<vmem>>
      %dma_start3A_101 = arith.constant 0 : i32
      %dma_start3A_102 = tpu.memref_slice %arg2[%multiple_of3A_90, %dma_start3A_101] : memref<100000x256xf32, #tpu.memory_space<hbm>> -> memref<64x256xf32, #tpu.memory_space<hbm>>
      tpu.enqueue_dma source(%dma_start3A_102 : memref<64x256xf32, #tpu.memory_space<hbm>>) target(%dma_start3A_100 : memref<64x256xf32, #tpu.memory_space<vmem>>) target_semaphore(%arg14 : memref<!tpu.dma_semaphore, #tpu.memory_space<semaphore_mem>>)
    } else {
    }
    %gt3A_50 = arith.constant 3 : i32
    %gt3A_51 = arith.cmpi sgt, %add3A_26, %gt3A_50 : i32
    %convert_element_type3A_52 = arith.extui %gt3A_51 : i1 to i32
    %cond3A_53 = arith.constant 0 : i32
    %cond3A_54 = arith.cmpi ne, %convert_element_type3A_52, %cond3A_53 : i32
    scf.if %cond3A_54 {
      %gt3A_82 = arith.constant 3 : i32
      %gt3A_83 = arith.cmpi sgt, %select_n3A, %gt3A_82 : i32
      %add3A_84 = arith.constant 192 : i32
      %add3A_85 = arith.addi %mul3A_2, %add3A_84 : i32
      %add3A_86 = arith.addi %mul3A_2, %min3A_4 : i32
      %sub3A_87 = arith.constant 64 : i32
      %sub3A_88 = arith.subi %add3A_86, %sub3A_87 : i32
      %select_n3A_89 = arith.select %gt3A_83, %add3A_85, %sub3A_88 : i32
      %multiple_of3A_90 = tpu.assume_multiple %select_n3A_89, 8 : i32
      %dma_start3A = arith.constant 3 : i32
      %dma_start3A_91 = arith.constant 0 : i32
      %dma_start3A_92 = arith.constant 0 : i32
      %dma_start3A_93 = tpu.memref_slice %arg7[%dma_start3A, %dma_start3A_91, %dma_start3A_92] : memref<6x64x256xf32, #tpu.memory_space<vmem>> -> memref<1x64x256xf32, #tpu.memory_space<vmem>>
      %dma_start3A_94 = tpu.memref_squeeze %dma_start3A_93 : memref<1x64x256xf32, #tpu.memory_space<vmem>> -> memref<64x256xf32, #tpu.memory_space<vmem>>
      %dma_start3A_95 = arith.constant 0 : i32
      %dma_start3A_96 = tpu.memref_slice %arg2[%multiple_of3A_90, %dma_start3A_95] : memref<100000x256xf32, #tpu.memory_space<hbm>> -> memref<64x256xf32, #tpu.memory_space<hbm>>
      %dma_start3A_97 = arith.constant 0 : i32
      %dma_start3A_98 = arith.constant 0 : i32
      %dma_start3A_99 = tpu.memref_slice %arg7[%dma_start3A, %dma_start3A_97, %dma_start3A_98] : memref<6x64x256xf32, #tpu.memory_space<vmem>> -> memref<1x64x256xf32, #tpu.memory_space<vmem>>
      %dma_start3A_100 = tpu.memref_squeeze %dma_start3A_99 : memref<1x64x256xf32, #tpu.memory_space<vmem>> -> memref<64x256xf32, #tpu.memory_space<vmem>>
      %dma_start3A_101 = arith.constant 0 : i32
      %dma_start3A_102 = tpu.memref_slice %arg2[%multiple_of3A_90, %dma_start3A_101] : memref<100000x256xf32, #tpu.memory_space<hbm>> -> memref<64x256xf32, #tpu.memory_space<hbm>>
      tpu.enqueue_dma source(%dma_start3A_102 : memref<64x256xf32, #tpu.memory_space<hbm>>) target(%dma_start3A_100 : memref<64x256xf32, #tpu.memory_space<vmem>>) target_semaphore(%arg15 : memref<!tpu.dma_semaphore, #tpu.memory_space<semaphore_mem>>)
    } else {
    }
    %gt3A_55 = arith.constant 4 : i32
    %gt3A_56 = arith.cmpi sgt, %add3A_26, %gt3A_55 : i32
    %convert_element_type3A_57 = arith.extui %gt3A_56 : i1 to i32
    %cond3A_58 = arith.constant 0 : i32
    %cond3A_59 = arith.cmpi ne, %convert_element_type3A_57, %cond3A_58 : i32
    scf.if %cond3A_59 {
      %gt3A_82 = arith.constant 4 : i32
      %gt3A_83 = arith.cmpi sgt, %select_n3A, %gt3A_82 : i32
      %add3A_84 = arith.constant 256 : i32
      %add3A_85 = arith.addi %mul3A_2, %add3A_84 : i32
      %add3A_86 = arith.addi %mul3A_2, %min3A_4 : i32
      %sub3A_87 = arith.constant 64 : i32
      %sub3A_88 = arith.subi %add3A_86, %sub3A_87 : i32
      %select_n3A_89 = arith.select %gt3A_83, %add3A_85, %sub3A_88 : i32
      %multiple_of3A_90 = tpu.assume_multiple %select_n3A_89, 8 : i32
      %dma_start3A = arith.constant 4 : i32
      %dma_start3A_91 = arith.constant 0 : i32
      %dma_start3A_92 = arith.constant 0 : i32
      %dma_start3A_93 = tpu.memref_slice %arg7[%dma_start3A, %dma_start3A_91, %dma_start3A_92] : memref<6x64x256xf32, #tpu.memory_space<vmem>> -> memref<1x64x256xf32, #tpu.memory_space<vmem>>
      %dma_start3A_94 = tpu.memref_squeeze %dma_start3A_93 : memref<1x64x256xf32, #tpu.memory_space<vmem>> -> memref<64x256xf32, #tpu.memory_space<vmem>>
      %dma_start3A_95 = arith.constant 0 : i32
      %dma_start3A_96 = tpu.memref_slice %arg2[%multiple_of3A_90, %dma_start3A_95] : memref<100000x256xf32, #tpu.memory_space<hbm>> -> memref<64x256xf32, #tpu.memory_space<hbm>>
      %dma_start3A_97 = arith.constant 0 : i32
      %dma_start3A_98 = arith.constant 0 : i32
      %dma_start3A_99 = tpu.memref_slice %arg7[%dma_start3A, %dma_start3A_97, %dma_start3A_98] : memref<6x64x256xf32, #tpu.memory_space<vmem>> -> memref<1x64x256xf32, #tpu.memory_space<vmem>>
      %dma_start3A_100 = tpu.memref_squeeze %dma_start3A_99 : memref<1x64x256xf32, #tpu.memory_space<vmem>> -> memref<64x256xf32, #tpu.memory_space<vmem>>
      %dma_start3A_101 = arith.constant 0 : i32
      %dma_start3A_102 = tpu.memref_slice %arg2[%multiple_of3A_90, %dma_start3A_101] : memref<100000x256xf32, #tpu.memory_space<hbm>> -> memref<64x256xf32, #tpu.memory_space<hbm>>
      tpu.enqueue_dma source(%dma_start3A_102 : memref<64x256xf32, #tpu.memory_space<hbm>>) target(%dma_start3A_100 : memref<64x256xf32, #tpu.memory_space<vmem>>) target_semaphore(%arg16 : memref<!tpu.dma_semaphore, #tpu.memory_space<semaphore_mem>>)
    } else {
    }
    %while3A = arith.constant 0 : i32
    %while3A_60 = arith.constant 0 : i32
    %while3A_61 = arith.subi %add3A_26, %while3A : i32
    %while3A_62 = arith.addi %while3A, %while3A_61 : i32
    %while3A_63 = arith.constant 1 : i32
    %while3A_64 = arith.divsi %while3A_61, %while3A_63 : i32
    %while3A_65 = arith.muli %while3A_64, %while3A_63 : i32
    %while3A_66 = arith.addi %while3A, %while3A_65 : i32
    %while3A_67 = arith.constant 1 : i32
    %while3A_68 = scf.for %while3A_82 = %while3A to %while3A_66 step %while3A_67 iter_args(%while3A_83 = %while3A_60) -> (i32)  : i32 {
      %add3A_84 = arith.constant 6 : i32
      %add3A_85 = arith.addi %while3A_82, %add3A_84 : i32
      %sub3A_86 = arith.constant 1 : i32
      %sub3A_87 = arith.subi %add3A_85, %sub3A_86 : i32
      %lt3A = arith.cmpi slt, %sub3A_87, %add3A_26 : i32
      %convert_element_type3A_88 = arith.extui %lt3A : i1 to i32
      %cond3A_89 = arith.constant 0 : i32
      %cond3A_90 = arith.cmpi ne, %convert_element_type3A_88, %cond3A_89 : i32
      scf.if %cond3A_90 {
        %add3A_515 = arith.constant 6 : i32
        %add3A_516 = arith.addi %while3A_82, %add3A_515 : i32
        %sub3A_517 = arith.constant 1 : i32
        %sub3A_518 = arith.subi %add3A_516, %sub3A_517 : i32
        %jit3A_519 = arith.constant 6 : i32
        %eq3A_520 = arith.constant 0 : i32
        %eq3A_521 = arith.cmpi eq, %jit3A_519, %eq3A_520 : i32
        %jit3A_522 = arith.constant 1 : i32
        %select_n3A_523 = arith.select %eq3A_521, %jit3A_522, %jit3A_519 : i32
        %rem3A_524 = arith.remsi %sub3A_518, %select_n3A_523 : i32
        %ne3A_525 = arith.constant 0 : i32
        %ne3A_526 = arith.cmpi ne, %rem3A_524, %ne3A_525 : i32
        %lt3A_527 = arith.constant 0 : i32
        %lt3A_528 = arith.cmpi slt, %rem3A_524, %lt3A_527 : i32
        %lt3A_529 = arith.constant 0 : i32
        %lt3A_530 = arith.cmpi slt, %select_n3A_523, %lt3A_529 : i32
        %ne3A_531 = arith.xori %lt3A_528, %lt3A_530 : i1
        %and3A_532 = arith.andi %ne3A_531, %ne3A_526 : i1
        %add3A_533 = arith.addi %rem3A_524, %select_n3A_523 : i32
        %select_n3A_534 = arith.select %and3A_532, %add3A_533, %rem3A_524 : i32
        %eq3A_535 = arith.constant 0 : i32
        %eq3A_536 = arith.cmpi eq, %select_n3A_534, %eq3A_535 : i32
        %convert_element_type3A_537 = arith.extui %eq3A_536 : i1 to i32
        %cond3A_538 = arith.constant 0 : i32
        %cond3A_539 = arith.cmpi ne, %convert_element_type3A_537, %cond3A_538 : i32
        scf.if %cond3A_539 {
          %lt3A_645 = arith.cmpi slt, %sub3A_518, %select_n3A : i32
          %mul3A_646 = arith.constant 64 : i32
          %mul3A_647 = arith.muli %sub3A_518, %mul3A_646 : i32
          %add3A_648 = arith.addi %mul3A_2, %mul3A_647 : i32
          %add3A_649 = arith.addi %mul3A_2, %min3A_4 : i32
          %sub3A_650 = arith.constant 64 : i32
          %sub3A_651 = arith.subi %add3A_649, %sub3A_650 : i32
          %select_n3A_652 = arith.select %lt3A_645, %add3A_648, %sub3A_651 : i32
          %multiple_of3A_653 = tpu.assume_multiple %select_n3A_652, 8 : i32
          %dma_start3A = arith.constant 0 : i32
          %dma_start3A_654 = arith.constant 0 : i32
          %dma_start3A_655 = arith.constant 0 : i32
          %dma_start3A_656 = tpu.memref_slice %arg7[%dma_start3A, %dma_start3A_654, %dma_start3A_655] : memref<6x64x256xf32, #tpu.memory_space<vmem>> -> memref<1x64x256xf32, #tpu.memory_space<vmem>>
          %dma_start3A_657 = tpu.memref_squeeze %dma_start3A_656 : memref<1x64x256xf32, #tpu.memory_space<vmem>> -> memref<64x256xf32, #tpu.memory_space<vmem>>
          %dma_start3A_658 = arith.constant 0 : i32
          %dma_start3A_659 = tpu.memref_slice %arg2[%multiple_of3A_653, %dma_start3A_658] : memref<100000x256xf32, #tpu.memory_space<hbm>> -> memref<64x256xf32, #tpu.memory_space<hbm>>
          %dma_start3A_660 = arith.constant 0 : i32
          %dma_start3A_661 = arith.constant 0 : i32
          %dma_start3A_662 = tpu.memref_slice %arg7[%dma_start3A, %dma_start3A_660, %dma_start3A_661] : memref<6x64x256xf32, #tpu.memory_space<vmem>> -> memref<1x64x256xf32, #tpu.memory_space<vmem>>
          %dma_start3A_663 = tpu.memref_squeeze %dma_start3A_662 : memref<1x64x256xf32, #tpu.memory_space<vmem>> -> memref<64x256xf32, #tpu.memory_space<vmem>>
          %dma_start3A_664 = arith.constant 0 : i32
          %dma_start3A_665 = tpu.memref_slice %arg2[%multiple_of3A_653, %dma_start3A_664] : memref<100000x256xf32, #tpu.memory_space<hbm>> -> memref<64x256xf32, #tpu.memory_space<hbm>>
          tpu.enqueue_dma source(%dma_start3A_665 : memref<64x256xf32, #tpu.memory_space<hbm>>) target(%dma_start3A_663 : memref<64x256xf32, #tpu.memory_space<vmem>>) target_semaphore(%arg12 : memref<!tpu.dma_semaphore, #tpu.memory_space<semaphore_mem>>)
        } else {
        }
        %jit3A_540 = arith.constant 6 : i32
        %eq3A_541 = arith.constant 0 : i32
        %eq3A_542 = arith.cmpi eq, %jit3A_540, %eq3A_541 : i32
        %jit3A_543 = arith.constant 1 : i32
        %select_n3A_544 = arith.select %eq3A_542, %jit3A_543, %jit3A_540 : i32
        %rem3A_545 = arith.remsi %sub3A_518, %select_n3A_544 : i32
        %ne3A_546 = arith.constant 0 : i32
        %ne3A_547 = arith.cmpi ne, %rem3A_545, %ne3A_546 : i32
        %lt3A_548 = arith.constant 0 : i32
        %lt3A_549 = arith.cmpi slt, %rem3A_545, %lt3A_548 : i32
        %lt3A_550 = arith.constant 0 : i32
        %lt3A_551 = arith.cmpi slt, %select_n3A_544, %lt3A_550 : i32
        %ne3A_552 = arith.xori %lt3A_549, %lt3A_551 : i1
        %and3A_553 = arith.andi %ne3A_552, %ne3A_547 : i1
        %add3A_554 = arith.addi %rem3A_545, %select_n3A_544 : i32
        %select_n3A_555 = arith.select %and3A_553, %add3A_554, %rem3A_545 : i32
        %eq3A_556 = arith.constant 1 : i32
        %eq3A_557 = arith.cmpi eq, %select_n3A_555, %eq3A_556 : i32
        %convert_element_type3A_558 = arith.extui %eq3A_557 : i1 to i32
        %cond3A_559 = arith.constant 0 : i32
        %cond3A_560 = arith.cmpi ne, %convert_element_type3A_558, %cond3A_559 : i32
        scf.if %cond3A_560 {
          %lt3A_645 = arith.cmpi slt, %sub3A_518, %select_n3A : i32
          %mul3A_646 = arith.constant 64 : i32
          %mul3A_647 = arith.muli %sub3A_518, %mul3A_646 : i32
          %add3A_648 = arith.addi %mul3A_2, %mul3A_647 : i32
          %add3A_649 = arith.addi %mul3A_2, %min3A_4 : i32
          %sub3A_650 = arith.constant 64 : i32
          %sub3A_651 = arith.subi %add3A_649, %sub3A_650 : i32
          %select_n3A_652 = arith.select %lt3A_645, %add3A_648, %sub3A_651 : i32
          %multiple_of3A_653 = tpu.assume_multiple %select_n3A_652, 8 : i32
          %dma_start3A = arith.constant 1 : i32
          %dma_start3A_654 = arith.constant 0 : i32
          %dma_start3A_655 = arith.constant 0 : i32
          %dma_start3A_656 = tpu.memref_slice %arg7[%dma_start3A, %dma_start3A_654, %dma_start3A_655] : memref<6x64x256xf32, #tpu.memory_space<vmem>> -> memref<1x64x256xf32, #tpu.memory_space<vmem>>
          %dma_start3A_657 = tpu.memref_squeeze %dma_start3A_656 : memref<1x64x256xf32, #tpu.memory_space<vmem>> -> memref<64x256xf32, #tpu.memory_space<vmem>>
          %dma_start3A_658 = arith.constant 0 : i32
          %dma_start3A_659 = tpu.memref_slice %arg2[%multiple_of3A_653, %dma_start3A_658] : memref<100000x256xf32, #tpu.memory_space<hbm>> -> memref<64x256xf32, #tpu.memory_space<hbm>>
          %dma_start3A_660 = arith.constant 0 : i32
          %dma_start3A_661 = arith.constant 0 : i32
          %dma_start3A_662 = tpu.memref_slice %arg7[%dma_start3A, %dma_start3A_660, %dma_start3A_661] : memref<6x64x256xf32, #tpu.memory_space<vmem>> -> memref<1x64x256xf32, #tpu.memory_space<vmem>>
          %dma_start3A_663 = tpu.memref_squeeze %dma_start3A_662 : memref<1x64x256xf32, #tpu.memory_space<vmem>> -> memref<64x256xf32, #tpu.memory_space<vmem>>
          %dma_start3A_664 = arith.constant 0 : i32
          %dma_start3A_665 = tpu.memref_slice %arg2[%multiple_of3A_653, %dma_start3A_664] : memref<100000x256xf32, #tpu.memory_space<hbm>> -> memref<64x256xf32, #tpu.memory_space<hbm>>
          tpu.enqueue_dma source(%dma_start3A_665 : memref<64x256xf32, #tpu.memory_space<hbm>>) target(%dma_start3A_663 : memref<64x256xf32, #tpu.memory_space<vmem>>) target_semaphore(%arg13 : memref<!tpu.dma_semaphore, #tpu.memory_space<semaphore_mem>>)
        } else {
        }
        %jit3A_561 = arith.constant 6 : i32
        %eq3A_562 = arith.constant 0 : i32
        %eq3A_563 = arith.cmpi eq, %jit3A_561, %eq3A_562 : i32
        %jit3A_564 = arith.constant 1 : i32
        %select_n3A_565 = arith.select %eq3A_563, %jit3A_564, %jit3A_561 : i32
        %rem3A_566 = arith.remsi %sub3A_518, %select_n3A_565 : i32
        %ne3A_567 = arith.constant 0 : i32
        %ne3A_568 = arith.cmpi ne, %rem3A_566, %ne3A_567 : i32
        %lt3A_569 = arith.constant 0 : i32
        %lt3A_570 = arith.cmpi slt, %rem3A_566, %lt3A_569 : i32
        %lt3A_571 = arith.constant 0 : i32
        %lt3A_572 = arith.cmpi slt, %select_n3A_565, %lt3A_571 : i32
        %ne3A_573 = arith.xori %lt3A_570, %lt3A_572 : i1
        %and3A_574 = arith.andi %ne3A_573, %ne3A_568 : i1
        %add3A_575 = arith.addi %rem3A_566, %select_n3A_565 : i32
        %select_n3A_576 = arith.select %and3A_574, %add3A_575, %rem3A_566 : i32
        %eq3A_577 = arith.constant 2 : i32
        %eq3A_578 = arith.cmpi eq, %select_n3A_576, %eq3A_577 : i32
        %convert_element_type3A_579 = arith.extui %eq3A_578 : i1 to i32
        %cond3A_580 = arith.constant 0 : i32
        %cond3A_581 = arith.cmpi ne, %convert_element_type3A_579, %cond3A_580 : i32
        scf.if %cond3A_581 {
          %lt3A_645 = arith.cmpi slt, %sub3A_518, %select_n3A : i32
          %mul3A_646 = arith.constant 64 : i32
          %mul3A_647 = arith.muli %sub3A_518, %mul3A_646 : i32
          %add3A_648 = arith.addi %mul3A_2, %mul3A_647 : i32
          %add3A_649 = arith.addi %mul3A_2, %min3A_4 : i32
          %sub3A_650 = arith.constant 64 : i32
          %sub3A_651 = arith.subi %add3A_649, %sub3A_650 : i32
          %select_n3A_652 = arith.select %lt3A_645, %add3A_648, %sub3A_651 : i32
          %multiple_of3A_653 = tpu.assume_multiple %select_n3A_652, 8 : i32
          %dma_start3A = arith.constant 2 : i32
          %dma_start3A_654 = arith.constant 0 : i32
          %dma_start3A_655 = arith.constant 0 : i32
          %dma_start3A_656 = tpu.memref_slice %arg7[%dma_start3A, %dma_start3A_654, %dma_start3A_655] : memref<6x64x256xf32, #tpu.memory_space<vmem>> -> memref<1x64x256xf32, #tpu.memory_space<vmem>>
          %dma_start3A_657 = tpu.memref_squeeze %dma_start3A_656 : memref<1x64x256xf32, #tpu.memory_space<vmem>> -> memref<64x256xf32, #tpu.memory_space<vmem>>
          %dma_start3A_658 = arith.constant 0 : i32
          %dma_start3A_659 = tpu.memref_slice %arg2[%multiple_of3A_653, %dma_start3A_658] : memref<100000x256xf32, #tpu.memory_space<hbm>> -> memref<64x256xf32, #tpu.memory_space<hbm>>
          %dma_start3A_660 = arith.constant 0 : i32
          %dma_start3A_661 = arith.constant 0 : i32
          %dma_start3A_662 = tpu.memref_slice %arg7[%dma_start3A, %dma_start3A_660, %dma_start3A_661] : memref<6x64x256xf32, #tpu.memory_space<vmem>> -> memref<1x64x256xf32, #tpu.memory_space<vmem>>
          %dma_start3A_663 = tpu.memref_squeeze %dma_start3A_662 : memref<1x64x256xf32, #tpu.memory_space<vmem>> -> memref<64x256xf32, #tpu.memory_space<vmem>>
          %dma_start3A_664 = arith.constant 0 : i32
          %dma_start3A_665 = tpu.memref_slice %arg2[%multiple_of3A_653, %dma_start3A_664] : memref<100000x256xf32, #tpu.memory_space<hbm>> -> memref<64x256xf32, #tpu.memory_space<hbm>>
          tpu.enqueue_dma source(%dma_start3A_665 : memref<64x256xf32, #tpu.memory_space<hbm>>) target(%dma_start3A_663 : memref<64x256xf32, #tpu.memory_space<vmem>>) target_semaphore(%arg14 : memref<!tpu.dma_semaphore, #tpu.memory_space<semaphore_mem>>)
        } else {
        }
        %jit3A_582 = arith.constant 6 : i32
        %eq3A_583 = arith.constant 0 : i32
        %eq3A_584 = arith.cmpi eq, %jit3A_582, %eq3A_583 : i32
        %jit3A_585 = arith.constant 1 : i32
        %select_n3A_586 = arith.select %eq3A_584, %jit3A_585, %jit3A_582 : i32
        %rem3A_587 = arith.remsi %sub3A_518, %select_n3A_586 : i32
        %ne3A_588 = arith.constant 0 : i32
        %ne3A_589 = arith.cmpi ne, %rem3A_587, %ne3A_588 : i32
        %lt3A_590 = arith.constant 0 : i32
        %lt3A_591 = arith.cmpi slt, %rem3A_587, %lt3A_590 : i32
        %lt3A_592 = arith.constant 0 : i32
        %lt3A_593 = arith.cmpi slt, %select_n3A_586, %lt3A_592 : i32
        %ne3A_594 = arith.xori %lt3A_591, %lt3A_593 : i1
        %and3A_595 = arith.andi %ne3A_594, %ne3A_589 : i1
        %add3A_596 = arith.addi %rem3A_587, %select_n3A_586 : i32
        %select_n3A_597 = arith.select %and3A_595, %add3A_596, %rem3A_587 : i32
        %eq3A_598 = arith.constant 3 : i32
        %eq3A_599 = arith.cmpi eq, %select_n3A_597, %eq3A_598 : i32
        %convert_element_type3A_600 = arith.extui %eq3A_599 : i1 to i32
        %cond3A_601 = arith.constant 0 : i32
        %cond3A_602 = arith.cmpi ne, %convert_element_type3A_600, %cond3A_601 : i32
        scf.if %cond3A_602 {
          %lt3A_645 = arith.cmpi slt, %sub3A_518, %select_n3A : i32
          %mul3A_646 = arith.constant 64 : i32
          %mul3A_647 = arith.muli %sub3A_518, %mul3A_646 : i32
          %add3A_648 = arith.addi %mul3A_2, %mul3A_647 : i32
          %add3A_649 = arith.addi %mul3A_2, %min3A_4 : i32
          %sub3A_650 = arith.constant 64 : i32
          %sub3A_651 = arith.subi %add3A_649, %sub3A_650 : i32
          %select_n3A_652 = arith.select %lt3A_645, %add3A_648, %sub3A_651 : i32
          %multiple_of3A_653 = tpu.assume_multiple %select_n3A_652, 8 : i32
          %dma_start3A = arith.constant 3 : i32
          %dma_start3A_654 = arith.constant 0 : i32
          %dma_start3A_655 = arith.constant 0 : i32
          %dma_start3A_656 = tpu.memref_slice %arg7[%dma_start3A, %dma_start3A_654, %dma_start3A_655] : memref<6x64x256xf32, #tpu.memory_space<vmem>> -> memref<1x64x256xf32, #tpu.memory_space<vmem>>
          %dma_start3A_657 = tpu.memref_squeeze %dma_start3A_656 : memref<1x64x256xf32, #tpu.memory_space<vmem>> -> memref<64x256xf32, #tpu.memory_space<vmem>>
          %dma_start3A_658 = arith.constant 0 : i32
          %dma_start3A_659 = tpu.memref_slice %arg2[%multiple_of3A_653, %dma_start3A_658] : memref<100000x256xf32, #tpu.memory_space<hbm>> -> memref<64x256xf32, #tpu.memory_space<hbm>>
          %dma_start3A_660 = arith.constant 0 : i32
          %dma_start3A_661 = arith.constant 0 : i32
          %dma_start3A_662 = tpu.memref_slice %arg7[%dma_start3A, %dma_start3A_660, %dma_start3A_661] : memref<6x64x256xf32, #tpu.memory_space<vmem>> -> memref<1x64x256xf32, #tpu.memory_space<vmem>>
          %dma_start3A_663 = tpu.memref_squeeze %dma_start3A_662 : memref<1x64x256xf32, #tpu.memory_space<vmem>> -> memref<64x256xf32, #tpu.memory_space<vmem>>
          %dma_start3A_664 = arith.constant 0 : i32
          %dma_start3A_665 = tpu.memref_slice %arg2[%multiple_of3A_653, %dma_start3A_664] : memref<100000x256xf32, #tpu.memory_space<hbm>> -> memref<64x256xf32, #tpu.memory_space<hbm>>
          tpu.enqueue_dma source(%dma_start3A_665 : memref<64x256xf32, #tpu.memory_space<hbm>>) target(%dma_start3A_663 : memref<64x256xf32, #tpu.memory_space<vmem>>) target_semaphore(%arg15 : memref<!tpu.dma_semaphore, #tpu.memory_space<semaphore_mem>>)
        } else {
        }
        %jit3A_603 = arith.constant 6 : i32
        %eq3A_604 = arith.constant 0 : i32
        %eq3A_605 = arith.cmpi eq, %jit3A_603, %eq3A_604 : i32
        %jit3A_606 = arith.constant 1 : i32
        %select_n3A_607 = arith.select %eq3A_605, %jit3A_606, %jit3A_603 : i32
        %rem3A_608 = arith.remsi %sub3A_518, %select_n3A_607 : i32
        %ne3A_609 = arith.constant 0 : i32
        %ne3A_610 = arith.cmpi ne, %rem3A_608, %ne3A_609 : i32
        %lt3A_611 = arith.constant 0 : i32
        %lt3A_612 = arith.cmpi slt, %rem3A_608, %lt3A_611 : i32
        %lt3A_613 = arith.constant 0 : i32
        %lt3A_614 = arith.cmpi slt, %select_n3A_607, %lt3A_613 : i32
        %ne3A_615 = arith.xori %lt3A_612, %lt3A_614 : i1
        %and3A_616 = arith.andi %ne3A_615, %ne3A_610 : i1
        %add3A_617 = arith.addi %rem3A_608, %select_n3A_607 : i32
        %select_n3A_618 = arith.select %and3A_616, %add3A_617, %rem3A_608 : i32
        %eq3A_619 = arith.constant 4 : i32
        %eq3A_620 = arith.cmpi eq, %select_n3A_618, %eq3A_619 : i32
        %convert_element_type3A_621 = arith.extui %eq3A_620 : i1 to i32
        %cond3A_622 = arith.constant 0 : i32
        %cond3A_623 = arith.cmpi ne, %convert_element_type3A_621, %cond3A_622 : i32
        scf.if %cond3A_623 {
          %lt3A_645 = arith.cmpi slt, %sub3A_518, %select_n3A : i32
          %mul3A_646 = arith.constant 64 : i32
          %mul3A_647 = arith.muli %sub3A_518, %mul3A_646 : i32
          %add3A_648 = arith.addi %mul3A_2, %mul3A_647 : i32
          %add3A_649 = arith.addi %mul3A_2, %min3A_4 : i32
          %sub3A_650 = arith.constant 64 : i32
          %sub3A_651 = arith.subi %add3A_649, %sub3A_650 : i32
          %select_n3A_652 = arith.select %lt3A_645, %add3A_648, %sub3A_651 : i32
          %multiple_of3A_653 = tpu.assume_multiple %select_n3A_652, 8 : i32
          %dma_start3A = arith.constant 4 : i32
          %dma_start3A_654 = arith.constant 0 : i32
          %dma_start3A_655 = arith.constant 0 : i32
          %dma_start3A_656 = tpu.memref_slice %arg7[%dma_start3A, %dma_start3A_654, %dma_start3A_655] : memref<6x64x256xf32, #tpu.memory_space<vmem>> -> memref<1x64x256xf32, #tpu.memory_space<vmem>>
          %dma_start3A_657 = tpu.memref_squeeze %dma_start3A_656 : memref<1x64x256xf32, #tpu.memory_space<vmem>> -> memref<64x256xf32, #tpu.memory_space<vmem>>
          %dma_start3A_658 = arith.constant 0 : i32
          %dma_start3A_659 = tpu.memref_slice %arg2[%multiple_of3A_653, %dma_start3A_658] : memref<100000x256xf32, #tpu.memory_space<hbm>> -> memref<64x256xf32, #tpu.memory_space<hbm>>
          %dma_start3A_660 = arith.constant 0 : i32
          %dma_start3A_661 = arith.constant 0 : i32
          %dma_start3A_662 = tpu.memref_slice %arg7[%dma_start3A, %dma_start3A_660, %dma_start3A_661] : memref<6x64x256xf32, #tpu.memory_space<vmem>> -> memref<1x64x256xf32, #tpu.memory_space<vmem>>
          %dma_start3A_663 = tpu.memref_squeeze %dma_start3A_662 : memref<1x64x256xf32, #tpu.memory_space<vmem>> -> memref<64x256xf32, #tpu.memory_space<vmem>>
          %dma_start3A_664 = arith.constant 0 : i32
          %dma_start3A_665 = tpu.memref_slice %arg2[%multiple_of3A_653, %dma_start3A_664] : memref<100000x256xf32, #tpu.memory_space<hbm>> -> memref<64x256xf32, #tpu.memory_space<hbm>>
          tpu.enqueue_dma source(%dma_start3A_665 : memref<64x256xf32, #tpu.memory_space<hbm>>) target(%dma_start3A_663 : memref<64x256xf32, #tpu.memory_space<vmem>>) target_semaphore(%arg16 : memref<!tpu.dma_semaphore, #tpu.memory_space<semaphore_mem>>)
        } else {
        }
        %jit3A_624 = arith.constant 6 : i32
        %eq3A_625 = arith.constant 0 : i32
        %eq3A_626 = arith.cmpi eq, %jit3A_624, %eq3A_625 : i32
        %jit3A_627 = arith.constant 1 : i32
        %select_n3A_628 = arith.select %eq3A_626, %jit3A_627, %jit3A_624 : i32
        %rem3A_629 = arith.remsi %sub3A_518, %select_n3A_628 : i32
        %ne3A_630 = arith.constant 0 : i32
        %ne3A_631 = arith.cmpi ne, %rem3A_629, %ne3A_630 : i32
        %lt3A_632 = arith.constant 0 : i32
        %lt3A_633 = arith.cmpi slt, %rem3A_629, %lt3A_632 : i32
        %lt3A_634 = arith.constant 0 : i32
        %lt3A_635 = arith.cmpi slt, %select_n3A_628, %lt3A_634 : i32
        %ne3A_636 = arith.xori %lt3A_633, %lt3A_635 : i1
        %and3A_637 = arith.andi %ne3A_636, %ne3A_631 : i1
        %add3A_638 = arith.addi %rem3A_629, %select_n3A_628 : i32
        %select_n3A_639 = arith.select %and3A_637, %add3A_638, %rem3A_629 : i32
        %eq3A_640 = arith.constant 5 : i32
        %eq3A_641 = arith.cmpi eq, %select_n3A_639, %eq3A_640 : i32
        %convert_element_type3A_642 = arith.extui %eq3A_641 : i1 to i32
        %cond3A_643 = arith.constant 0 : i32
        %cond3A_644 = arith.cmpi ne, %convert_element_type3A_642, %cond3A_643 : i32
        scf.if %cond3A_644 {
          %lt3A_645 = arith.cmpi slt, %sub3A_518, %select_n3A : i32
          %mul3A_646 = arith.constant 64 : i32
          %mul3A_647 = arith.muli %sub3A_518, %mul3A_646 : i32
          %add3A_648 = arith.addi %mul3A_2, %mul3A_647 : i32
          %add3A_649 = arith.addi %mul3A_2, %min3A_4 : i32
          %sub3A_650 = arith.constant 64 : i32
          %sub3A_651 = arith.subi %add3A_649, %sub3A_650 : i32
          %select_n3A_652 = arith.select %lt3A_645, %add3A_648, %sub3A_651 : i32
          %multiple_of3A_653 = tpu.assume_multiple %select_n3A_652, 8 : i32
          %dma_start3A = arith.constant 5 : i32
          %dma_start3A_654 = arith.constant 0 : i32
          %dma_start3A_655 = arith.constant 0 : i32
          %dma_start3A_656 = tpu.memref_slice %arg7[%dma_start3A, %dma_start3A_654, %dma_start3A_655] : memref<6x64x256xf32, #tpu.memory_space<vmem>> -> memref<1x64x256xf32, #tpu.memory_space<vmem>>
          %dma_start3A_657 = tpu.memref_squeeze %dma_start3A_656 : memref<1x64x256xf32, #tpu.memory_space<vmem>> -> memref<64x256xf32, #tpu.memory_space<vmem>>
          %dma_start3A_658 = arith.constant 0 : i32
          %dma_start3A_659 = tpu.memref_slice %arg2[%multiple_of3A_653, %dma_start3A_658] : memref<100000x256xf32, #tpu.memory_space<hbm>> -> memref<64x256xf32, #tpu.memory_space<hbm>>
          %dma_start3A_660 = arith.constant 0 : i32
          %dma_start3A_661 = arith.constant 0 : i32
          %dma_start3A_662 = tpu.memref_slice %arg7[%dma_start3A, %dma_start3A_660, %dma_start3A_661] : memref<6x64x256xf32, #tpu.memory_space<vmem>> -> memref<1x64x256xf32, #tpu.memory_space<vmem>>
          %dma_start3A_663 = tpu.memref_squeeze %dma_start3A_662 : memref<1x64x256xf32, #tpu.memory_space<vmem>> -> memref<64x256xf32, #tpu.memory_space<vmem>>
          %dma_start3A_664 = arith.constant 0 : i32
          %dma_start3A_665 = tpu.memref_slice %arg2[%multiple_of3A_653, %dma_start3A_664] : memref<100000x256xf32, #tpu.memory_space<hbm>> -> memref<64x256xf32, #tpu.memory_space<hbm>>
          tpu.enqueue_dma source(%dma_start3A_665 : memref<64x256xf32, #tpu.memory_space<hbm>>) target(%dma_start3A_663 : memref<64x256xf32, #tpu.memory_space<vmem>>) target_semaphore(%arg17 : memref<!tpu.dma_semaphore, #tpu.memory_space<semaphore_mem>>)
        } else {
        }
      } else {
      }
      %jit3A_91 = arith.constant 6 : i32
      %eq3A = arith.constant 0 : i32
      %eq3A_92 = arith.cmpi eq, %jit3A_91, %eq3A : i32
      %jit3A_93 = arith.constant 1 : i32
      %select_n3A_94 = arith.select %eq3A_92, %jit3A_93, %jit3A_91 : i32
      %rem3A_95 = arith.remsi %while3A_82, %select_n3A_94 : i32
      %ne3A_96 = arith.constant 0 : i32
      %ne3A_97 = arith.cmpi ne, %rem3A_95, %ne3A_96 : i32
      %lt3A_98 = arith.constant 0 : i32
      %lt3A_99 = arith.cmpi slt, %rem3A_95, %lt3A_98 : i32
      %lt3A_100 = arith.constant 0 : i32
      %lt3A_101 = arith.cmpi slt, %select_n3A_94, %lt3A_100 : i32
      %ne3A_102 = arith.xori %lt3A_99, %lt3A_101 : i1
      %and3A_103 = arith.andi %ne3A_102, %ne3A_97 : i1
      %add3A_104 = arith.addi %rem3A_95, %select_n3A_94 : i32
      %select_n3A_105 = arith.select %and3A_103, %add3A_104, %rem3A_95 : i32
      %eq3A_106 = arith.constant 0 : i32
      %eq3A_107 = arith.cmpi eq, %select_n3A_105, %eq3A_106 : i32
      %convert_element_type3A_108 = arith.extui %eq3A_107 : i1 to i32
      %cond3A_109 = arith.constant 0 : i32
      %cond3A_110 = arith.cmpi ne, %convert_element_type3A_108, %cond3A_109 : i32
      scf.if %cond3A_110 {
        %lt3A_515 = arith.cmpi slt, %while3A_82, %select_n3A : i32
        %mul3A_516 = arith.constant 64 : i32
        %mul3A_517 = arith.muli %while3A_82, %mul3A_516 : i32
        %add3A_518 = arith.addi %mul3A_2, %mul3A_517 : i32
        %add3A_519 = arith.addi %mul3A_2, %min3A_4 : i32
        %sub3A_520 = arith.constant 64 : i32
        %sub3A_521 = arith.subi %add3A_519, %sub3A_520 : i32
        %select_n3A_522 = arith.select %lt3A_515, %add3A_518, %sub3A_521 : i32
        %multiple_of3A_523 = tpu.assume_multiple %select_n3A_522, 8 : i32
        %dma_wait3A = arith.constant 0 : i32
        %dma_wait3A_524 = arith.constant 0 : i32
        %dma_wait3A_525 = arith.constant 0 : i32
        %dma_wait3A_526 = tpu.memref_slice %arg7[%dma_wait3A, %dma_wait3A_524, %dma_wait3A_525] : memref<6x64x256xf32, #tpu.memory_space<vmem>> -> memref<1x64x256xf32, #tpu.memory_space<vmem>>
        %dma_wait3A_527 = tpu.memref_squeeze %dma_wait3A_526 : memref<1x64x256xf32, #tpu.memory_space<vmem>> -> memref<64x256xf32, #tpu.memory_space<vmem>>
        %dma_wait3A_528 = arith.constant 0 : i32
        %dma_wait3A_529 = tpu.memref_slice %arg2[%multiple_of3A_523, %dma_wait3A_528] : memref<100000x256xf32, #tpu.memory_space<hbm>> -> memref<64x256xf32, #tpu.memory_space<hbm>>
        %dma_wait3A_530 = arith.constant 0 : i32
        %dma_wait3A_531 = arith.constant 0 : i32
        %dma_wait3A_532 = tpu.memref_slice %arg7[%dma_wait3A, %dma_wait3A_530, %dma_wait3A_531] : memref<6x64x256xf32, #tpu.memory_space<vmem>> -> memref<1x64x256xf32, #tpu.memory_space<vmem>>
        %dma_wait3A_533 = tpu.memref_squeeze %dma_wait3A_532 : memref<1x64x256xf32, #tpu.memory_space<vmem>> -> memref<64x256xf32, #tpu.memory_space<vmem>>
        %dma_wait3A_534 = arith.constant 0 : i32
        %dma_wait3A_535 = tpu.memref_slice %arg2[%multiple_of3A_523, %dma_wait3A_534] : memref<100000x256xf32, #tpu.memory_space<hbm>> -> memref<64x256xf32, #tpu.memory_space<hbm>>
        tpu.wait_dma2 semaphore(%arg12 : memref<!tpu.dma_semaphore, #tpu.memory_space<semaphore_mem>>) src(%dma_wait3A_535 : memref<64x256xf32, #tpu.memory_space<hbm>>) dst(%dma_wait3A_533 : memref<64x256xf32, #tpu.memory_space<vmem>>)
      } else {
      }
      %jit3A_111 = arith.constant 6 : i32
      %eq3A_112 = arith.constant 0 : i32
      %eq3A_113 = arith.cmpi eq, %jit3A_111, %eq3A_112 : i32
      %jit3A_114 = arith.constant 1 : i32
      %select_n3A_115 = arith.select %eq3A_113, %jit3A_114, %jit3A_111 : i32
      %rem3A_116 = arith.remsi %while3A_82, %select_n3A_115 : i32
      %ne3A_117 = arith.constant 0 : i32
      %ne3A_118 = arith.cmpi ne, %rem3A_116, %ne3A_117 : i32
      %lt3A_119 = arith.constant 0 : i32
      %lt3A_120 = arith.cmpi slt, %rem3A_116, %lt3A_119 : i32
      %lt3A_121 = arith.constant 0 : i32
      %lt3A_122 = arith.cmpi slt, %select_n3A_115, %lt3A_121 : i32
      %ne3A_123 = arith.xori %lt3A_120, %lt3A_122 : i1
      %and3A_124 = arith.andi %ne3A_123, %ne3A_118 : i1
      %add3A_125 = arith.addi %rem3A_116, %select_n3A_115 : i32
      %select_n3A_126 = arith.select %and3A_124, %add3A_125, %rem3A_116 : i32
      %eq3A_127 = arith.constant 1 : i32
      %eq3A_128 = arith.cmpi eq, %select_n3A_126, %eq3A_127 : i32
      %convert_element_type3A_129 = arith.extui %eq3A_128 : i1 to i32
      %cond3A_130 = arith.constant 0 : i32
      %cond3A_131 = arith.cmpi ne, %convert_element_type3A_129, %cond3A_130 : i32
      scf.if %cond3A_131 {
        %lt3A_515 = arith.cmpi slt, %while3A_82, %select_n3A : i32
        %mul3A_516 = arith.constant 64 : i32
        %mul3A_517 = arith.muli %while3A_82, %mul3A_516 : i32
        %add3A_518 = arith.addi %mul3A_2, %mul3A_517 : i32
        %add3A_519 = arith.addi %mul3A_2, %min3A_4 : i32
        %sub3A_520 = arith.constant 64 : i32
        %sub3A_521 = arith.subi %add3A_519, %sub3A_520 : i32
        %select_n3A_522 = arith.select %lt3A_515, %add3A_518, %sub3A_521 : i32
        %multiple_of3A_523 = tpu.assume_multiple %select_n3A_522, 8 : i32
        %dma_wait3A = arith.constant 1 : i32
        %dma_wait3A_524 = arith.constant 0 : i32
        %dma_wait3A_525 = arith.constant 0 : i32
        %dma_wait3A_526 = tpu.memref_slice %arg7[%dma_wait3A, %dma_wait3A_524, %dma_wait3A_525] : memref<6x64x256xf32, #tpu.memory_space<vmem>> -> memref<1x64x256xf32, #tpu.memory_space<vmem>>
        %dma_wait3A_527 = tpu.memref_squeeze %dma_wait3A_526 : memref<1x64x256xf32, #tpu.memory_space<vmem>> -> memref<64x256xf32, #tpu.memory_space<vmem>>
        %dma_wait3A_528 = arith.constant 0 : i32
        %dma_wait3A_529 = tpu.memref_slice %arg2[%multiple_of3A_523, %dma_wait3A_528] : memref<100000x256xf32, #tpu.memory_space<hbm>> -> memref<64x256xf32, #tpu.memory_space<hbm>>
        %dma_wait3A_530 = arith.constant 0 : i32
        %dma_wait3A_531 = arith.constant 0 : i32
        %dma_wait3A_532 = tpu.memref_slice %arg7[%dma_wait3A, %dma_wait3A_530, %dma_wait3A_531] : memref<6x64x256xf32, #tpu.memory_space<vmem>> -> memref<1x64x256xf32, #tpu.memory_space<vmem>>
        %dma_wait3A_533 = tpu.memref_squeeze %dma_wait3A_532 : memref<1x64x256xf32, #tpu.memory_space<vmem>> -> memref<64x256xf32, #tpu.memory_space<vmem>>
        %dma_wait3A_534 = arith.constant 0 : i32
        %dma_wait3A_535 = tpu.memref_slice %arg2[%multiple_of3A_523, %dma_wait3A_534] : memref<100000x256xf32, #tpu.memory_space<hbm>> -> memref<64x256xf32, #tpu.memory_space<hbm>>
        tpu.wait_dma2 semaphore(%arg13 : memref<!tpu.dma_semaphore, #tpu.memory_space<semaphore_mem>>) src(%dma_wait3A_535 : memref<64x256xf32, #tpu.memory_space<hbm>>) dst(%dma_wait3A_533 : memref<64x256xf32, #tpu.memory_space<vmem>>)
      } else {
      }
      %jit3A_132 = arith.constant 6 : i32
      %eq3A_133 = arith.constant 0 : i32
      %eq3A_134 = arith.cmpi eq, %jit3A_132, %eq3A_133 : i32
      %jit3A_135 = arith.constant 1 : i32
      %select_n3A_136 = arith.select %eq3A_134, %jit3A_135, %jit3A_132 : i32
      %rem3A_137 = arith.remsi %while3A_82, %select_n3A_136 : i32
      %ne3A_138 = arith.constant 0 : i32
      %ne3A_139 = arith.cmpi ne, %rem3A_137, %ne3A_138 : i32
      %lt3A_140 = arith.constant 0 : i32
      %lt3A_141 = arith.cmpi slt, %rem3A_137, %lt3A_140 : i32
      %lt3A_142 = arith.constant 0 : i32
      %lt3A_143 = arith.cmpi slt, %select_n3A_136, %lt3A_142 : i32
      %ne3A_144 = arith.xori %lt3A_141, %lt3A_143 : i1
      %and3A_145 = arith.andi %ne3A_144, %ne3A_139 : i1
      %add3A_146 = arith.addi %rem3A_137, %select_n3A_136 : i32
      %select_n3A_147 = arith.select %and3A_145, %add3A_146, %rem3A_137 : i32
      %eq3A_148 = arith.constant 2 : i32
      %eq3A_149 = arith.cmpi eq, %select_n3A_147, %eq3A_148 : i32
      %convert_element_type3A_150 = arith.extui %eq3A_149 : i1 to i32
      %cond3A_151 = arith.constant 0 : i32
      %cond3A_152 = arith.cmpi ne, %convert_element_type3A_150, %cond3A_151 : i32
      scf.if %cond3A_152 {
        %lt3A_515 = arith.cmpi slt, %while3A_82, %select_n3A : i32
        %mul3A_516 = arith.constant 64 : i32
        %mul3A_517 = arith.muli %while3A_82, %mul3A_516 : i32
        %add3A_518 = arith.addi %mul3A_2, %mul3A_517 : i32
        %add3A_519 = arith.addi %mul3A_2, %min3A_4 : i32
        %sub3A_520 = arith.constant 64 : i32
        %sub3A_521 = arith.subi %add3A_519, %sub3A_520 : i32
        %select_n3A_522 = arith.select %lt3A_515, %add3A_518, %sub3A_521 : i32
        %multiple_of3A_523 = tpu.assume_multiple %select_n3A_522, 8 : i32
        %dma_wait3A = arith.constant 2 : i32
        %dma_wait3A_524 = arith.constant 0 : i32
        %dma_wait3A_525 = arith.constant 0 : i32
        %dma_wait3A_526 = tpu.memref_slice %arg7[%dma_wait3A, %dma_wait3A_524, %dma_wait3A_525] : memref<6x64x256xf32, #tpu.memory_space<vmem>> -> memref<1x64x256xf32, #tpu.memory_space<vmem>>
        %dma_wait3A_527 = tpu.memref_squeeze %dma_wait3A_526 : memref<1x64x256xf32, #tpu.memory_space<vmem>> -> memref<64x256xf32, #tpu.memory_space<vmem>>
        %dma_wait3A_528 = arith.constant 0 : i32
        %dma_wait3A_529 = tpu.memref_slice %arg2[%multiple_of3A_523, %dma_wait3A_528] : memref<100000x256xf32, #tpu.memory_space<hbm>> -> memref<64x256xf32, #tpu.memory_space<hbm>>
        %dma_wait3A_530 = arith.constant 0 : i32
        %dma_wait3A_531 = arith.constant 0 : i32
        %dma_wait3A_532 = tpu.memref_slice %arg7[%dma_wait3A, %dma_wait3A_530, %dma_wait3A_531] : memref<6x64x256xf32, #tpu.memory_space<vmem>> -> memref<1x64x256xf32, #tpu.memory_space<vmem>>
        %dma_wait3A_533 = tpu.memref_squeeze %dma_wait3A_532 : memref<1x64x256xf32, #tpu.memory_space<vmem>> -> memref<64x256xf32, #tpu.memory_space<vmem>>
        %dma_wait3A_534 = arith.constant 0 : i32
        %dma_wait3A_535 = tpu.memref_slice %arg2[%multiple_of3A_523, %dma_wait3A_534] : memref<100000x256xf32, #tpu.memory_space<hbm>> -> memref<64x256xf32, #tpu.memory_space<hbm>>
        tpu.wait_dma2 semaphore(%arg14 : memref<!tpu.dma_semaphore, #tpu.memory_space<semaphore_mem>>) src(%dma_wait3A_535 : memref<64x256xf32, #tpu.memory_space<hbm>>) dst(%dma_wait3A_533 : memref<64x256xf32, #tpu.memory_space<vmem>>)
      } else {
      }
      %jit3A_153 = arith.constant 6 : i32
      %eq3A_154 = arith.constant 0 : i32
      %eq3A_155 = arith.cmpi eq, %jit3A_153, %eq3A_154 : i32
      %jit3A_156 = arith.constant 1 : i32
      %select_n3A_157 = arith.select %eq3A_155, %jit3A_156, %jit3A_153 : i32
      %rem3A_158 = arith.remsi %while3A_82, %select_n3A_157 : i32
      %ne3A_159 = arith.constant 0 : i32
      %ne3A_160 = arith.cmpi ne, %rem3A_158, %ne3A_159 : i32
      %lt3A_161 = arith.constant 0 : i32
      %lt3A_162 = arith.cmpi slt, %rem3A_158, %lt3A_161 : i32
      %lt3A_163 = arith.constant 0 : i32
      %lt3A_164 = arith.cmpi slt, %select_n3A_157, %lt3A_163 : i32
      %ne3A_165 = arith.xori %lt3A_162, %lt3A_164 : i1
      %and3A_166 = arith.andi %ne3A_165, %ne3A_160 : i1
      %add3A_167 = arith.addi %rem3A_158, %select_n3A_157 : i32
      %select_n3A_168 = arith.select %and3A_166, %add3A_167, %rem3A_158 : i32
      %eq3A_169 = arith.constant 3 : i32
      %eq3A_170 = arith.cmpi eq, %select_n3A_168, %eq3A_169 : i32
      %convert_element_type3A_171 = arith.extui %eq3A_170 : i1 to i32
      %cond3A_172 = arith.constant 0 : i32
      %cond3A_173 = arith.cmpi ne, %convert_element_type3A_171, %cond3A_172 : i32
      scf.if %cond3A_173 {
        %lt3A_515 = arith.cmpi slt, %while3A_82, %select_n3A : i32
        %mul3A_516 = arith.constant 64 : i32
        %mul3A_517 = arith.muli %while3A_82, %mul3A_516 : i32
        %add3A_518 = arith.addi %mul3A_2, %mul3A_517 : i32
        %add3A_519 = arith.addi %mul3A_2, %min3A_4 : i32
        %sub3A_520 = arith.constant 64 : i32
        %sub3A_521 = arith.subi %add3A_519, %sub3A_520 : i32
        %select_n3A_522 = arith.select %lt3A_515, %add3A_518, %sub3A_521 : i32
        %multiple_of3A_523 = tpu.assume_multiple %select_n3A_522, 8 : i32
        %dma_wait3A = arith.constant 3 : i32
        %dma_wait3A_524 = arith.constant 0 : i32
        %dma_wait3A_525 = arith.constant 0 : i32
        %dma_wait3A_526 = tpu.memref_slice %arg7[%dma_wait3A, %dma_wait3A_524, %dma_wait3A_525] : memref<6x64x256xf32, #tpu.memory_space<vmem>> -> memref<1x64x256xf32, #tpu.memory_space<vmem>>
        %dma_wait3A_527 = tpu.memref_squeeze %dma_wait3A_526 : memref<1x64x256xf32, #tpu.memory_space<vmem>> -> memref<64x256xf32, #tpu.memory_space<vmem>>
        %dma_wait3A_528 = arith.constant 0 : i32
        %dma_wait3A_529 = tpu.memref_slice %arg2[%multiple_of3A_523, %dma_wait3A_528] : memref<100000x256xf32, #tpu.memory_space<hbm>> -> memref<64x256xf32, #tpu.memory_space<hbm>>
        %dma_wait3A_530 = arith.constant 0 : i32
        %dma_wait3A_531 = arith.constant 0 : i32
        %dma_wait3A_532 = tpu.memref_slice %arg7[%dma_wait3A, %dma_wait3A_530, %dma_wait3A_531] : memref<6x64x256xf32, #tpu.memory_space<vmem>> -> memref<1x64x256xf32, #tpu.memory_space<vmem>>
        %dma_wait3A_533 = tpu.memref_squeeze %dma_wait3A_532 : memref<1x64x256xf32, #tpu.memory_space<vmem>> -> memref<64x256xf32, #tpu.memory_space<vmem>>
        %dma_wait3A_534 = arith.constant 0 : i32
        %dma_wait3A_535 = tpu.memref_slice %arg2[%multiple_of3A_523, %dma_wait3A_534] : memref<100000x256xf32, #tpu.memory_space<hbm>> -> memref<64x256xf32, #tpu.memory_space<hbm>>
        tpu.wait_dma2 semaphore(%arg15 : memref<!tpu.dma_semaphore, #tpu.memory_space<semaphore_mem>>) src(%dma_wait3A_535 : memref<64x256xf32, #tpu.memory_space<hbm>>) dst(%dma_wait3A_533 : memref<64x256xf32, #tpu.memory_space<vmem>>)
      } else {
      }
      %jit3A_174 = arith.constant 6 : i32
      %eq3A_175 = arith.constant 0 : i32
      %eq3A_176 = arith.cmpi eq, %jit3A_174, %eq3A_175 : i32
      %jit3A_177 = arith.constant 1 : i32
      %select_n3A_178 = arith.select %eq3A_176, %jit3A_177, %jit3A_174 : i32
      %rem3A_179 = arith.remsi %while3A_82, %select_n3A_178 : i32
      %ne3A_180 = arith.constant 0 : i32
      %ne3A_181 = arith.cmpi ne, %rem3A_179, %ne3A_180 : i32
      %lt3A_182 = arith.constant 0 : i32
      %lt3A_183 = arith.cmpi slt, %rem3A_179, %lt3A_182 : i32
      %lt3A_184 = arith.constant 0 : i32
      %lt3A_185 = arith.cmpi slt, %select_n3A_178, %lt3A_184 : i32
      %ne3A_186 = arith.xori %lt3A_183, %lt3A_185 : i1
      %and3A_187 = arith.andi %ne3A_186, %ne3A_181 : i1
      %add3A_188 = arith.addi %rem3A_179, %select_n3A_178 : i32
      %select_n3A_189 = arith.select %and3A_187, %add3A_188, %rem3A_179 : i32
      %eq3A_190 = arith.constant 4 : i32
      %eq3A_191 = arith.cmpi eq, %select_n3A_189, %eq3A_190 : i32
      %convert_element_type3A_192 = arith.extui %eq3A_191 : i1 to i32
      %cond3A_193 = arith.constant 0 : i32
      %cond3A_194 = arith.cmpi ne, %convert_element_type3A_192, %cond3A_193 : i32
      scf.if %cond3A_194 {
        %lt3A_515 = arith.cmpi slt, %while3A_82, %select_n3A : i32
        %mul3A_516 = arith.constant 64 : i32
        %mul3A_517 = arith.muli %while3A_82, %mul3A_516 : i32
        %add3A_518 = arith.addi %mul3A_2, %mul3A_517 : i32
        %add3A_519 = arith.addi %mul3A_2, %min3A_4 : i32
        %sub3A_520 = arith.constant 64 : i32
        %sub3A_521 = arith.subi %add3A_519, %sub3A_520 : i32
        %select_n3A_522 = arith.select %lt3A_515, %add3A_518, %sub3A_521 : i32
        %multiple_of3A_523 = tpu.assume_multiple %select_n3A_522, 8 : i32
        %dma_wait3A = arith.constant 4 : i32
        %dma_wait3A_524 = arith.constant 0 : i32
        %dma_wait3A_525 = arith.constant 0 : i32
        %dma_wait3A_526 = tpu.memref_slice %arg7[%dma_wait3A, %dma_wait3A_524, %dma_wait3A_525] : memref<6x64x256xf32, #tpu.memory_space<vmem>> -> memref<1x64x256xf32, #tpu.memory_space<vmem>>
        %dma_wait3A_527 = tpu.memref_squeeze %dma_wait3A_526 : memref<1x64x256xf32, #tpu.memory_space<vmem>> -> memref<64x256xf32, #tpu.memory_space<vmem>>
        %dma_wait3A_528 = arith.constant 0 : i32
        %dma_wait3A_529 = tpu.memref_slice %arg2[%multiple_of3A_523, %dma_wait3A_528] : memref<100000x256xf32, #tpu.memory_space<hbm>> -> memref<64x256xf32, #tpu.memory_space<hbm>>
        %dma_wait3A_530 = arith.constant 0 : i32
        %dma_wait3A_531 = arith.constant 0 : i32
        %dma_wait3A_532 = tpu.memref_slice %arg7[%dma_wait3A, %dma_wait3A_530, %dma_wait3A_531] : memref<6x64x256xf32, #tpu.memory_space<vmem>> -> memref<1x64x256xf32, #tpu.memory_space<vmem>>
        %dma_wait3A_533 = tpu.memref_squeeze %dma_wait3A_532 : memref<1x64x256xf32, #tpu.memory_space<vmem>> -> memref<64x256xf32, #tpu.memory_space<vmem>>
        %dma_wait3A_534 = arith.constant 0 : i32
        %dma_wait3A_535 = tpu.memref_slice %arg2[%multiple_of3A_523, %dma_wait3A_534] : memref<100000x256xf32, #tpu.memory_space<hbm>> -> memref<64x256xf32, #tpu.memory_space<hbm>>
        tpu.wait_dma2 semaphore(%arg16 : memref<!tpu.dma_semaphore, #tpu.memory_space<semaphore_mem>>) src(%dma_wait3A_535 : memref<64x256xf32, #tpu.memory_space<hbm>>) dst(%dma_wait3A_533 : memref<64x256xf32, #tpu.memory_space<vmem>>)
      } else {
      }
      %jit3A_195 = arith.constant 6 : i32
      %eq3A_196 = arith.constant 0 : i32
      %eq3A_197 = arith.cmpi eq, %jit3A_195, %eq3A_196 : i32
      %jit3A_198 = arith.constant 1 : i32
      %select_n3A_199 = arith.select %eq3A_197, %jit3A_198, %jit3A_195 : i32
      %rem3A_200 = arith.remsi %while3A_82, %select_n3A_199 : i32
      %ne3A_201 = arith.constant 0 : i32
      %ne3A_202 = arith.cmpi ne, %rem3A_200, %ne3A_201 : i32
      %lt3A_203 = arith.constant 0 : i32
      %lt3A_204 = arith.cmpi slt, %rem3A_200, %lt3A_203 : i32
      %lt3A_205 = arith.constant 0 : i32
      %lt3A_206 = arith.cmpi slt, %select_n3A_199, %lt3A_205 : i32
      %ne3A_207 = arith.xori %lt3A_204, %lt3A_206 : i1
      %and3A_208 = arith.andi %ne3A_207, %ne3A_202 : i1
      %add3A_209 = arith.addi %rem3A_200, %select_n3A_199 : i32
      %select_n3A_210 = arith.select %and3A_208, %add3A_209, %rem3A_200 : i32
      %eq3A_211 = arith.constant 5 : i32
      %eq3A_212 = arith.cmpi eq, %select_n3A_210, %eq3A_211 : i32
      %convert_element_type3A_213 = arith.extui %eq3A_212 : i1 to i32
      %cond3A_214 = arith.constant 0 : i32
      %cond3A_215 = arith.cmpi ne, %convert_element_type3A_213, %cond3A_214 : i32
      scf.if %cond3A_215 {
        %lt3A_515 = arith.cmpi slt, %while3A_82, %select_n3A : i32
        %mul3A_516 = arith.constant 64 : i32
        %mul3A_517 = arith.muli %while3A_82, %mul3A_516 : i32
        %add3A_518 = arith.addi %mul3A_2, %mul3A_517 : i32
        %add3A_519 = arith.addi %mul3A_2, %min3A_4 : i32
        %sub3A_520 = arith.constant 64 : i32
        %sub3A_521 = arith.subi %add3A_519, %sub3A_520 : i32
        %select_n3A_522 = arith.select %lt3A_515, %add3A_518, %sub3A_521 : i32
        %multiple_of3A_523 = tpu.assume_multiple %select_n3A_522, 8 : i32
        %dma_wait3A = arith.constant 5 : i32
        %dma_wait3A_524 = arith.constant 0 : i32
        %dma_wait3A_525 = arith.constant 0 : i32
        %dma_wait3A_526 = tpu.memref_slice %arg7[%dma_wait3A, %dma_wait3A_524, %dma_wait3A_525] : memref<6x64x256xf32, #tpu.memory_space<vmem>> -> memref<1x64x256xf32, #tpu.memory_space<vmem>>
        %dma_wait3A_527 = tpu.memref_squeeze %dma_wait3A_526 : memref<1x64x256xf32, #tpu.memory_space<vmem>> -> memref<64x256xf32, #tpu.memory_space<vmem>>
        %dma_wait3A_528 = arith.constant 0 : i32
        %dma_wait3A_529 = tpu.memref_slice %arg2[%multiple_of3A_523, %dma_wait3A_528] : memref<100000x256xf32, #tpu.memory_space<hbm>> -> memref<64x256xf32, #tpu.memory_space<hbm>>
        %dma_wait3A_530 = arith.constant 0 : i32
        %dma_wait3A_531 = arith.constant 0 : i32
        %dma_wait3A_532 = tpu.memref_slice %arg7[%dma_wait3A, %dma_wait3A_530, %dma_wait3A_531] : memref<6x64x256xf32, #tpu.memory_space<vmem>> -> memref<1x64x256xf32, #tpu.memory_space<vmem>>
        %dma_wait3A_533 = tpu.memref_squeeze %dma_wait3A_532 : memref<1x64x256xf32, #tpu.memory_space<vmem>> -> memref<64x256xf32, #tpu.memory_space<vmem>>
        %dma_wait3A_534 = arith.constant 0 : i32
        %dma_wait3A_535 = tpu.memref_slice %arg2[%multiple_of3A_523, %dma_wait3A_534] : memref<100000x256xf32, #tpu.memory_space<hbm>> -> memref<64x256xf32, #tpu.memory_space<hbm>>
        tpu.wait_dma2 semaphore(%arg17 : memref<!tpu.dma_semaphore, #tpu.memory_space<semaphore_mem>>) src(%dma_wait3A_535 : memref<64x256xf32, #tpu.memory_space<hbm>>) dst(%dma_wait3A_533 : memref<64x256xf32, #tpu.memory_space<vmem>>)
      } else {
      }
      %lt3A_216 = arith.cmpi slt, %while3A_82, %select_n3A : i32
      %mul3A_217 = arith.constant 64 : i32
      %mul3A_218 = arith.muli %while3A_82, %mul3A_217 : i32
      %add3A_219 = arith.addi %mul3A_2, %mul3A_218 : i32
      %add3A_220 = arith.addi %mul3A_2, %min3A_4 : i32
      %sub3A_221 = arith.constant 64 : i32
      %sub3A_222 = arith.subi %add3A_220, %sub3A_221 : i32
      %select_n3A_223 = arith.select %lt3A_216, %add3A_219, %sub3A_222 : i32
      %multiple_of3A_224 = tpu.assume_multiple %select_n3A_223, 8 : i32
      %jit3A_225 = arith.constant 6 : i32
      %eq3A_226 = arith.constant 0 : i32
      %eq3A_227 = arith.cmpi eq, %jit3A_225, %eq3A_226 : i32
      %jit3A_228 = arith.constant 1 : i32
      %select_n3A_229 = arith.select %eq3A_227, %jit3A_228, %jit3A_225 : i32
      %rem3A_230 = arith.remsi %while3A_82, %select_n3A_229 : i32
      %ne3A_231 = arith.constant 0 : i32
      %ne3A_232 = arith.cmpi ne, %rem3A_230, %ne3A_231 : i32
      %lt3A_233 = arith.constant 0 : i32
      %lt3A_234 = arith.cmpi slt, %rem3A_230, %lt3A_233 : i32
      %lt3A_235 = arith.constant 0 : i32
      %lt3A_236 = arith.cmpi slt, %select_n3A_229, %lt3A_235 : i32
      %ne3A_237 = arith.xori %lt3A_234, %lt3A_236 : i1
      %and3A_238 = arith.andi %ne3A_237, %ne3A_232 : i1
      %add3A_239 = arith.addi %rem3A_230, %select_n3A_229 : i32
      %select_n3A_240 = arith.select %and3A_238, %add3A_239, %rem3A_230 : i32
      %add3A_241 = arith.constant 0 : i32
      %add3A_242 = arith.addi %multiple_of3A_224, %add3A_241 : i32
      %add3A_243 = vector.broadcast %add3A_242 : i32 to vector<16xi32>
      %add3A_244 = arith.addi %add3A_243, %iota3A : vector<16xi32>
      %lt3A_245 = arith.cmpi slt, %while3A_82, %select_n3A : i32
      %jit3A_246 = arith.constant 0 : i32
      %select_n3A_247 = arith.select %lt3A_245, %jit3A_246, %add3A_24 : i32
      %ge3A = vector.broadcast %select_n3A_247 : i32 to vector<16xi32>
      %ge3A_248 = arith.cmpi sge, %add3A_244, %ge3A : vector<16xi32>
      %sub3A_249 = arith.subi %multiple_of3A_224, %multiple_of3A : i32
      %add3A_250 = arith.constant 0 : i32
      %add3A_251 = arith.addi %sub3A_249, %add3A_250 : i32
      %get3A = arith.index_cast %add3A_251 : i32 to index
      %get3A_252 = tpu.vector_load %arg6[%get3A] {strides = array<i32>} : memref<3128xi32, #tpu.memory_space<vmem>>, vector<16xi32>,
      %add3A_253 = arith.constant 0 : i32
      %add3A_254 = vector.broadcast %add3A_253 : i32 to vector<16xi32>
      %add3A_255 = arith.addi %add3A_254, %iota3A : vector<16xi32>
      %gather3A = arith.constant 0 : i32
      %gather3A_256 = arith.constant 0 : i32
      %gather3A_257 = tpu.memref_slice %arg7[%select_n3A_240, %gather3A, %gather3A_256] : memref<6x64x256xf32, #tpu.memory_space<vmem>> -> memref<1x64x256xf32, #tpu.memory_space<vmem>>
      %gather3A_258 = tpu.memref_squeeze %gather3A_257 : memref<1x64x256xf32, #tpu.memory_space<vmem>> -> memref<64x256xf32, #tpu.memory_space<vmem>>
      %gather3A_259 = tpu.vector_load_idx %gather3A_258[%add3A_255, %get3A_252] : memref<64x256xf32, #tpu.memory_space<vmem>>[vector<16xi32>, vector<16xi32>], vector<16xf32>,
      %gather3A_260 = tpu.vector_load_idx %arg8[%get3A_252] : memref<256xf32, #tpu.memory_space<vmem>>[vector<16xi32>], vector<16xf32>,
      %sub3A_261 = arith.subf %gather3A_260, %gather3A_259 : vector<16xf32>
      %abs3A = math.absf %sub3A_261 : vector<16xf32>
      %neg3A = arith.constant 0.000000e+00 : f32
      %neg3A_262 = vector.broadcast %neg3A : f32 to vector<16xf32>
      %neg3A_263 = arith.subf %neg3A_262, %abs3A : vector<16xf32>
      %exp3A = math.exp %neg3A_263 : vector<16xf32>
      %add3A_264 = arith.constant 2.000000e+00 : f32
      %add3A_265 = vector.broadcast %add3A_264 : f32 to vector<16xf32>
      %add3A_266 = arith.addf %exp3A, %add3A_265 : vector<16xf32>
      %div3A_267 = arith.divf %exp3A, %add3A_266 : vector<16xf32>
      %mul3A_268 = arith.mulf %div3A_267, %div3A_267 : vector<16xf32>
      %mul3A_269 = arith.constant 2.000000e+00 : f32
      %mul3A_270 = vector.broadcast %mul3A_269 : f32 to vector<16xf32>
      %mul3A_271 = arith.mulf %mul3A_270, %div3A_267 : vector<16xf32>
      %mul3A_272 = arith.constant 0.111111112 : f32
      %mul3A_273 = vector.broadcast %mul3A_272 : f32 to vector<16xf32>
      %mul3A_274 = arith.mulf %mul3A_268, %mul3A_273 : vector<16xf32>
      %add3A_275 = arith.constant 0.142857149 : f32
      %add3A_276 = vector.broadcast %add3A_275 : f32 to vector<16xf32>
      %add3A_277 = arith.addf %add3A_276, %mul3A_274 : vector<16xf32>
      %mul3A_278 = arith.mulf %mul3A_268, %add3A_277 : vector<16xf32>
      %add3A_279 = arith.constant 2.000000e-01 : f32
      %add3A_280 = vector.broadcast %add3A_279 : f32 to vector<16xf32>
      %add3A_281 = arith.addf %add3A_280, %mul3A_278 : vector<16xf32>
      %mul3A_282 = arith.mulf %mul3A_268, %add3A_281 : vector<16xf32>
      %add3A_283 = arith.constant 0.333333343 : f32
      %add3A_284 = vector.broadcast %add3A_283 : f32 to vector<16xf32>
      %add3A_285 = arith.addf %add3A_284, %mul3A_282 : vector<16xf32>
      %mul3A_286 = arith.mulf %mul3A_268, %add3A_285 : vector<16xf32>
      %add3A_287 = arith.constant 1.000000e+00 : f32
      %add3A_288 = vector.broadcast %add3A_287 : f32 to vector<16xf32>
      %add3A_289 = arith.addf %add3A_288, %mul3A_286 : vector<16xf32>
      %mul3A_290 = arith.mulf %mul3A_271, %add3A_289 : vector<16xf32>
      %max3A = arith.constant 0.000000e+00 : f32
      %max3A_291 = vector.broadcast %max3A : f32 to vector<16xf32>
      %max3A_292 = arith.maximumf %sub3A_261, %max3A_291 : vector<16xf32>
      %add3A_293 = arith.addf %max3A_292, %mul3A_290 : vector<16xf32>
      %jit3A_294 = arith.constant 1.19209304E-7 : f32
      %jit3A_295 = arith.constant 16.1180954 : f32
      %max3A_296 = vector.broadcast %jit3A_294 : f32 to vector<16xf32>
      %max3A_297 = arith.maximumf %max3A_296, %add3A_293 : vector<16xf32>
      %min3A_298 = vector.broadcast %jit3A_295 : f32 to vector<16xf32>
      %min3A_299 = arith.minimumf %min3A_298, %max3A_297 : vector<16xf32>
      %mul3A_300 = arith.constant 256 : i32
      %mul3A_301 = vector.broadcast %mul3A_300 : i32 to vector<16xi32>
      %mul3A_302 = arith.muli %iota3A, %mul3A_301 : vector<16xi32>
      %add3A_303 = arith.addi %mul3A_302, %get3A_252 : vector<16xi32>
      tpu.vector_store_idx %arg9[%add3A_303], %min3A_299 masked %ge3A_248 {add = true} : memref<4096xf32, #tpu.memory_space<vmem>>[vector<16xi32>], vector<16xf32>, vector<16xi1>
      tpu.vector_store_idx %arg10[%add3A_303], %broadcast_in_dim3A_31 masked %ge3A_248 {add = true} : memref<4096xf32, #tpu.memory_space<vmem>>[vector<16xi32>], vector<16xf32>, vector<16xi1>
      %add3A_304 = arith.constant 16 : i32
      %add3A_305 = arith.addi %multiple_of3A_224, %add3A_304 : i32
      %add3A_306 = vector.broadcast %add3A_305 : i32 to vector<16xi32>
      %add3A_307 = arith.addi %add3A_306, %iota3A : vector<16xi32>
      %lt3A_308 = arith.cmpi slt, %while3A_82, %select_n3A : i32
      %jit3A_309 = arith.constant 0 : i32
      %select_n3A_310 = arith.select %lt3A_308, %jit3A_309, %add3A_24 : i32
      %ge3A_311 = vector.broadcast %select_n3A_310 : i32 to vector<16xi32>
      %ge3A_312 = arith.cmpi sge, %add3A_307, %ge3A_311 : vector<16xi32>
      %sub3A_313 = arith.subi %multiple_of3A_224, %multiple_of3A : i32
      %add3A_314 = arith.constant 16 : i32
      %add3A_315 = arith.addi %sub3A_313, %add3A_314 : i32
      %get3A_316 = arith.index_cast %add3A_315 : i32 to index
      %get3A_317 = tpu.vector_load %arg6[%get3A_316] {strides = array<i32>} : memref<3128xi32, #tpu.memory_space<vmem>>, vector<16xi32>,
      %add3A_318 = arith.constant 16 : i32
      %add3A_319 = vector.broadcast %add3A_318 : i32 to vector<16xi32>
      %add3A_320 = arith.addi %add3A_319, %iota3A : vector<16xi32>
      %gather3A_321 = arith.constant 0 : i32
      %gather3A_322 = arith.constant 0 : i32
      %gather3A_323 = tpu.memref_slice %arg7[%select_n3A_240, %gather3A_321, %gather3A_322] : memref<6x64x256xf32, #tpu.memory_space<vmem>> -> memref<1x64x256xf32, #tpu.memory_space<vmem>>
      %gather3A_324 = tpu.memref_squeeze %gather3A_323 : memref<1x64x256xf32, #tpu.memory_space<vmem>> -> memref<64x256xf32, #tpu.memory_space<vmem>>
      %gather3A_325 = tpu.vector_load_idx %gather3A_324[%add3A_320, %get3A_317] : memref<64x256xf32, #tpu.memory_space<vmem>>[vector<16xi32>, vector<16xi32>], vector<16xf32>,
      %gather3A_326 = tpu.vector_load_idx %arg8[%get3A_317] : memref<256xf32, #tpu.memory_space<vmem>>[vector<16xi32>], vector<16xf32>,
      %sub3A_327 = arith.subf %gather3A_326, %gather3A_325 : vector<16xf32>
      %abs3A_328 = math.absf %sub3A_327 : vector<16xf32>
      %neg3A_329 = arith.constant 0.000000e+00 : f32
      %neg3A_330 = vector.broadcast %neg3A_329 : f32 to vector<16xf32>
      %neg3A_331 = arith.subf %neg3A_330, %abs3A_328 : vector<16xf32>
      %exp3A_332 = math.exp %neg3A_331 : vector<16xf32>
      %add3A_333 = arith.constant 2.000000e+00 : f32
      %add3A_334 = vector.broadcast %add3A_333 : f32 to vector<16xf32>
      %add3A_335 = arith.addf %exp3A_332, %add3A_334 : vector<16xf32>
      %div3A_336 = arith.divf %exp3A_332, %add3A_335 : vector<16xf32>
      %mul3A_337 = arith.mulf %div3A_336, %div3A_336 : vector<16xf32>
      %mul3A_338 = arith.constant 2.000000e+00 : f32
      %mul3A_339 = vector.broadcast %mul3A_338 : f32 to vector<16xf32>
      %mul3A_340 = arith.mulf %mul3A_339, %div3A_336 : vector<16xf32>
      %mul3A_341 = arith.constant 0.111111112 : f32
      %mul3A_342 = vector.broadcast %mul3A_341 : f32 to vector<16xf32>
      %mul3A_343 = arith.mulf %mul3A_337, %mul3A_342 : vector<16xf32>
      %add3A_344 = arith.constant 0.142857149 : f32
      %add3A_345 = vector.broadcast %add3A_344 : f32 to vector<16xf32>
      %add3A_346 = arith.addf %add3A_345, %mul3A_343 : vector<16xf32>
      %mul3A_347 = arith.mulf %mul3A_337, %add3A_346 : vector<16xf32>
      %add3A_348 = arith.constant 2.000000e-01 : f32
      %add3A_349 = vector.broadcast %add3A_348 : f32 to vector<16xf32>
      %add3A_350 = arith.addf %add3A_349, %mul3A_347 : vector<16xf32>
      %mul3A_351 = arith.mulf %mul3A_337, %add3A_350 : vector<16xf32>
      %add3A_352 = arith.constant 0.333333343 : f32
      %add3A_353 = vector.broadcast %add3A_352 : f32 to vector<16xf32>
      %add3A_354 = arith.addf %add3A_353, %mul3A_351 : vector<16xf32>
      %mul3A_355 = arith.mulf %mul3A_337, %add3A_354 : vector<16xf32>
      %add3A_356 = arith.constant 1.000000e+00 : f32
      %add3A_357 = vector.broadcast %add3A_356 : f32 to vector<16xf32>
      %add3A_358 = arith.addf %add3A_357, %mul3A_355 : vector<16xf32>
      %mul3A_359 = arith.mulf %mul3A_340, %add3A_358 : vector<16xf32>
      %max3A_360 = arith.constant 0.000000e+00 : f32
      %max3A_361 = vector.broadcast %max3A_360 : f32 to vector<16xf32>
      %max3A_362 = arith.maximumf %sub3A_327, %max3A_361 : vector<16xf32>
      %add3A_363 = arith.addf %max3A_362, %mul3A_359 : vector<16xf32>
      %jit3A_364 = arith.constant 1.19209304E-7 : f32
      %jit3A_365 = arith.constant 16.1180954 : f32
      %max3A_366 = vector.broadcast %jit3A_364 : f32 to vector<16xf32>
      %max3A_367 = arith.maximumf %max3A_366, %add3A_363 : vector<16xf32>
      %min3A_368 = vector.broadcast %jit3A_365 : f32 to vector<16xf32>
      %min3A_369 = arith.minimumf %min3A_368, %max3A_367 : vector<16xf32>
      %mul3A_370 = arith.constant 256 : i32
      %mul3A_371 = vector.broadcast %mul3A_370 : i32 to vector<16xi32>
      %mul3A_372 = arith.muli %iota3A, %mul3A_371 : vector<16xi32>
      %add3A_373 = arith.addi %mul3A_372, %get3A_317 : vector<16xi32>
      tpu.vector_store_idx %arg9[%add3A_373], %min3A_369 masked %ge3A_312 {add = true} : memref<4096xf32, #tpu.memory_space<vmem>>[vector<16xi32>], vector<16xf32>, vector<16xi1>
      tpu.vector_store_idx %arg10[%add3A_373], %broadcast_in_dim3A_31 masked %ge3A_312 {add = true} : memref<4096xf32, #tpu.memory_space<vmem>>[vector<16xi32>], vector<16xf32>, vector<16xi1>
      %add3A_374 = arith.constant 32 : i32
      %add3A_375 = arith.addi %multiple_of3A_224, %add3A_374 : i32
      %add3A_376 = vector.broadcast %add3A_375 : i32 to vector<16xi32>
      %add3A_377 = arith.addi %add3A_376, %iota3A : vector<16xi32>
      %lt3A_378 = arith.cmpi slt, %while3A_82, %select_n3A : i32
      %jit3A_379 = arith.constant 0 : i32
      %select_n3A_380 = arith.select %lt3A_378, %jit3A_379, %add3A_24 : i32
      %ge3A_381 = vector.broadcast %select_n3A_380 : i32 to vector<16xi32>
      %ge3A_382 = arith.cmpi sge, %add3A_377, %ge3A_381 : vector<16xi32>
      %sub3A_383 = arith.subi %multiple_of3A_224, %multiple_of3A : i32
      %add3A_384 = arith.constant 32 : i32
      %add3A_385 = arith.addi %sub3A_383, %add3A_384 : i32
      %get3A_386 = arith.index_cast %add3A_385 : i32 to index
      %get3A_387 = tpu.vector_load %arg6[%get3A_386] {strides = array<i32>} : memref<3128xi32, #tpu.memory_space<vmem>>, vector<16xi32>,
      %add3A_388 = arith.constant 32 : i32
      %add3A_389 = vector.broadcast %add3A_388 : i32 to vector<16xi32>
      %add3A_390 = arith.addi %add3A_389, %iota3A : vector<16xi32>
      %gather3A_391 = arith.constant 0 : i32
      %gather3A_392 = arith.constant 0 : i32
      %gather3A_393 = tpu.memref_slice %arg7[%select_n3A_240, %gather3A_391, %gather3A_392] : memref<6x64x256xf32, #tpu.memory_space<vmem>> -> memref<1x64x256xf32, #tpu.memory_space<vmem>>
      %gather3A_394 = tpu.memref_squeeze %gather3A_393 : memref<1x64x256xf32, #tpu.memory_space<vmem>> -> memref<64x256xf32, #tpu.memory_space<vmem>>
      %gather3A_395 = tpu.vector_load_idx %gather3A_394[%add3A_390, %get3A_387] : memref<64x256xf32, #tpu.memory_space<vmem>>[vector<16xi32>, vector<16xi32>], vector<16xf32>,
      %gather3A_396 = tpu.vector_load_idx %arg8[%get3A_387] : memref<256xf32, #tpu.memory_space<vmem>>[vector<16xi32>], vector<16xf32>,
      %sub3A_397 = arith.subf %gather3A_396, %gather3A_395 : vector<16xf32>
      %abs3A_398 = math.absf %sub3A_397 : vector<16xf32>
      %neg3A_399 = arith.constant 0.000000e+00 : f32
      %neg3A_400 = vector.broadcast %neg3A_399 : f32 to vector<16xf32>
      %neg3A_401 = arith.subf %neg3A_400, %abs3A_398 : vector<16xf32>
      %exp3A_402 = math.exp %neg3A_401 : vector<16xf32>
      %add3A_403 = arith.constant 2.000000e+00 : f32
      %add3A_404 = vector.broadcast %add3A_403 : f32 to vector<16xf32>
      %add3A_405 = arith.addf %exp3A_402, %add3A_404 : vector<16xf32>
      %div3A_406 = arith.divf %exp3A_402, %add3A_405 : vector<16xf32>
      %mul3A_407 = arith.mulf %div3A_406, %div3A_406 : vector<16xf32>
      %mul3A_408 = arith.constant 2.000000e+00 : f32
      %mul3A_409 = vector.broadcast %mul3A_408 : f32 to vector<16xf32>
      %mul3A_410 = arith.mulf %mul3A_409, %div3A_406 : vector<16xf32>
      %mul3A_411 = arith.constant 0.111111112 : f32
      %mul3A_412 = vector.broadcast %mul3A_411 : f32 to vector<16xf32>
      %mul3A_413 = arith.mulf %mul3A_407, %mul3A_412 : vector<16xf32>
      %add3A_414 = arith.constant 0.142857149 : f32
      %add3A_415 = vector.broadcast %add3A_414 : f32 to vector<16xf32>
      %add3A_416 = arith.addf %add3A_415, %mul3A_413 : vector<16xf32>
      %mul3A_417 = arith.mulf %mul3A_407, %add3A_416 : vector<16xf32>
      %add3A_418 = arith.constant 2.000000e-01 : f32
      %add3A_419 = vector.broadcast %add3A_418 : f32 to vector<16xf32>
      %add3A_420 = arith.addf %add3A_419, %mul3A_417 : vector<16xf32>
      %mul3A_421 = arith.mulf %mul3A_407, %add3A_420 : vector<16xf32>
      %add3A_422 = arith.constant 0.333333343 : f32
      %add3A_423 = vector.broadcast %add3A_422 : f32 to vector<16xf32>
      %add3A_424 = arith.addf %add3A_423, %mul3A_421 : vector<16xf32>
      %mul3A_425 = arith.mulf %mul3A_407, %add3A_424 : vector<16xf32>
      %add3A_426 = arith.constant 1.000000e+00 : f32
      %add3A_427 = vector.broadcast %add3A_426 : f32 to vector<16xf32>
      %add3A_428 = arith.addf %add3A_427, %mul3A_425 : vector<16xf32>
      %mul3A_429 = arith.mulf %mul3A_410, %add3A_428 : vector<16xf32>
      %max3A_430 = arith.constant 0.000000e+00 : f32
      %max3A_431 = vector.broadcast %max3A_430 : f32 to vector<16xf32>
      %max3A_432 = arith.maximumf %sub3A_397, %max3A_431 : vector<16xf32>
      %add3A_433 = arith.addf %max3A_432, %mul3A_429 : vector<16xf32>
      %jit3A_434 = arith.constant 1.19209304E-7 : f32
      %jit3A_435 = arith.constant 16.1180954 : f32
      %max3A_436 = vector.broadcast %jit3A_434 : f32 to vector<16xf32>
      %max3A_437 = arith.maximumf %max3A_436, %add3A_433 : vector<16xf32>
      %min3A_438 = vector.broadcast %jit3A_435 : f32 to vector<16xf32>
      %min3A_439 = arith.minimumf %min3A_438, %max3A_437 : vector<16xf32>
      %mul3A_440 = arith.constant 256 : i32
      %mul3A_441 = vector.broadcast %mul3A_440 : i32 to vector<16xi32>
      %mul3A_442 = arith.muli %iota3A, %mul3A_441 : vector<16xi32>
      %add3A_443 = arith.addi %mul3A_442, %get3A_387 : vector<16xi32>
      tpu.vector_store_idx %arg9[%add3A_443], %min3A_439 masked %ge3A_382 {add = true} : memref<4096xf32, #tpu.memory_space<vmem>>[vector<16xi32>], vector<16xf32>, vector<16xi1>
      tpu.vector_store_idx %arg10[%add3A_443], %broadcast_in_dim3A_31 masked %ge3A_382 {add = true} : memref<4096xf32, #tpu.memory_space<vmem>>[vector<16xi32>], vector<16xf32>, vector<16xi1>
      %add3A_444 = arith.constant 48 : i32
      %add3A_445 = arith.addi %multiple_of3A_224, %add3A_444 : i32
      %add3A_446 = vector.broadcast %add3A_445 : i32 to vector<16xi32>
      %add3A_447 = arith.addi %add3A_446, %iota3A : vector<16xi32>
      %lt3A_448 = arith.cmpi slt, %while3A_82, %select_n3A : i32
      %jit3A_449 = arith.constant 0 : i32
      %select_n3A_450 = arith.select %lt3A_448, %jit3A_449, %add3A_24 : i32
      %ge3A_451 = vector.broadcast %select_n3A_450 : i32 to vector<16xi32>
      %ge3A_452 = arith.cmpi sge, %add3A_447, %ge3A_451 : vector<16xi32>
      %sub3A_453 = arith.subi %multiple_of3A_224, %multiple_of3A : i32
      %add3A_454 = arith.constant 48 : i32
      %add3A_455 = arith.addi %sub3A_453, %add3A_454 : i32
      %get3A_456 = arith.index_cast %add3A_455 : i32 to index
      %get3A_457 = tpu.vector_load %arg6[%get3A_456] {strides = array<i32>} : memref<3128xi32, #tpu.memory_space<vmem>>, vector<16xi32>,
      %add3A_458 = arith.constant 48 : i32
      %add3A_459 = vector.broadcast %add3A_458 : i32 to vector<16xi32>
      %add3A_460 = arith.addi %add3A_459, %iota3A : vector<16xi32>
      %gather3A_461 = arith.constant 0 : i32
      %gather3A_462 = arith.constant 0 : i32
      %gather3A_463 = tpu.memref_slice %arg7[%select_n3A_240, %gather3A_461, %gather3A_462] : memref<6x64x256xf32, #tpu.memory_space<vmem>> -> memref<1x64x256xf32, #tpu.memory_space<vmem>>
      %gather3A_464 = tpu.memref_squeeze %gather3A_463 : memref<1x64x256xf32, #tpu.memory_space<vmem>> -> memref<64x256xf32, #tpu.memory_space<vmem>>
      %gather3A_465 = tpu.vector_load_idx %gather3A_464[%add3A_460, %get3A_457] : memref<64x256xf32, #tpu.memory_space<vmem>>[vector<16xi32>, vector<16xi32>], vector<16xf32>,
      %gather3A_466 = tpu.vector_load_idx %arg8[%get3A_457] : memref<256xf32, #tpu.memory_space<vmem>>[vector<16xi32>], vector<16xf32>,
      %sub3A_467 = arith.subf %gather3A_466, %gather3A_465 : vector<16xf32>
      %abs3A_468 = math.absf %sub3A_467 : vector<16xf32>
      %neg3A_469 = arith.constant 0.000000e+00 : f32
      %neg3A_470 = vector.broadcast %neg3A_469 : f32 to vector<16xf32>
      %neg3A_471 = arith.subf %neg3A_470, %abs3A_468 : vector<16xf32>
      %exp3A_472 = math.exp %neg3A_471 : vector<16xf32>
      %add3A_473 = arith.constant 2.000000e+00 : f32
      %add3A_474 = vector.broadcast %add3A_473 : f32 to vector<16xf32>
      %add3A_475 = arith.addf %exp3A_472, %add3A_474 : vector<16xf32>
      %div3A_476 = arith.divf %exp3A_472, %add3A_475 : vector<16xf32>
      %mul3A_477 = arith.mulf %div3A_476, %div3A_476 : vector<16xf32>
      %mul3A_478 = arith.constant 2.000000e+00 : f32
      %mul3A_479 = vector.broadcast %mul3A_478 : f32 to vector<16xf32>
      %mul3A_480 = arith.mulf %mul3A_479, %div3A_476 : vector<16xf32>
      %mul3A_481 = arith.constant 0.111111112 : f32
      %mul3A_482 = vector.broadcast %mul3A_481 : f32 to vector<16xf32>
      %mul3A_483 = arith.mulf %mul3A_477, %mul3A_482 : vector<16xf32>
      %add3A_484 = arith.constant 0.142857149 : f32
      %add3A_485 = vector.broadcast %add3A_484 : f32 to vector<16xf32>
      %add3A_486 = arith.addf %add3A_485, %mul3A_483 : vector<16xf32>
      %mul3A_487 = arith.mulf %mul3A_477, %add3A_486 : vector<16xf32>
      %add3A_488 = arith.constant 2.000000e-01 : f32
      %add3A_489 = vector.broadcast %add3A_488 : f32 to vector<16xf32>
      %add3A_490 = arith.addf %add3A_489, %mul3A_487 : vector<16xf32>
      %mul3A_491 = arith.mulf %mul3A_477, %add3A_490 : vector<16xf32>
      %add3A_492 = arith.constant 0.333333343 : f32
      %add3A_493 = vector.broadcast %add3A_492 : f32 to vector<16xf32>
      %add3A_494 = arith.addf %add3A_493, %mul3A_491 : vector<16xf32>
      %mul3A_495 = arith.mulf %mul3A_477, %add3A_494 : vector<16xf32>
      %add3A_496 = arith.constant 1.000000e+00 : f32
      %add3A_497 = vector.broadcast %add3A_496 : f32 to vector<16xf32>
      %add3A_498 = arith.addf %add3A_497, %mul3A_495 : vector<16xf32>
      %mul3A_499 = arith.mulf %mul3A_480, %add3A_498 : vector<16xf32>
      %max3A_500 = arith.constant 0.000000e+00 : f32
      %max3A_501 = vector.broadcast %max3A_500 : f32 to vector<16xf32>
      %max3A_502 = arith.maximumf %sub3A_467, %max3A_501 : vector<16xf32>
      %add3A_503 = arith.addf %max3A_502, %mul3A_499 : vector<16xf32>
      %jit3A_504 = arith.constant 1.19209304E-7 : f32
      %jit3A_505 = arith.constant 16.1180954 : f32
      %max3A_506 = vector.broadcast %jit3A_504 : f32 to vector<16xf32>
      %max3A_507 = arith.maximumf %max3A_506, %add3A_503 : vector<16xf32>
      %min3A_508 = vector.broadcast %jit3A_505 : f32 to vector<16xf32>
      %min3A_509 = arith.minimumf %min3A_508, %max3A_507 : vector<16xf32>
      %mul3A_510 = arith.constant 256 : i32
      %mul3A_511 = vector.broadcast %mul3A_510 : i32 to vector<16xi32>
      %mul3A_512 = arith.muli %iota3A, %mul3A_511 : vector<16xi32>
      %add3A_513 = arith.addi %mul3A_512, %get3A_457 : vector<16xi32>
      tpu.vector_store_idx %arg9[%add3A_513], %min3A_509 masked %ge3A_452 {add = true} : memref<4096xf32, #tpu.memory_space<vmem>>[vector<16xi32>], vector<16xf32>, vector<16xi1>
      tpu.vector_store_idx %arg10[%add3A_513], %broadcast_in_dim3A_31 masked %ge3A_452 {add = true} : memref<4096xf32, #tpu.memory_space<vmem>>[vector<16xi32>], vector<16xf32>, vector<16xi1>
      %while3A_514 = arith.constant 0 : i32
      scf.yield %while3A_514 : i32
    }
    %while3A_69 = arith.constant 1 : i32
    %while3A_70 = scf.for %while3A_82 = %while3A_66 to %while3A_62 step %while3A_69 iter_args(%while3A_83 = %while3A_68) -> (i32)  : i32 {
      %add3A_84 = arith.constant 6 : i32
      %add3A_85 = arith.addi %while3A_82, %add3A_84 : i32
      %sub3A_86 = arith.constant 1 : i32
      %sub3A_87 = arith.subi %add3A_85, %sub3A_86 : i32
      %lt3A = arith.cmpi slt, %sub3A_87, %add3A_26 : i32
      %convert_element_type3A_88 = arith.extui %lt3A : i1 to i32
      %cond3A_89 = arith.constant 0 : i32
      %cond3A_90 = arith.cmpi ne, %convert_element_type3A_88, %cond3A_89 : i32
      scf.if %cond3A_90 {
        %add3A_515 = arith.constant 6 : i32
        %add3A_516 = arith.addi %while3A_82, %add3A_515 : i32
        %sub3A_517 = arith.constant 1 : i32
        %sub3A_518 = arith.subi %add3A_516, %sub3A_517 : i32
        %jit3A_519 = arith.constant 6 : i32
        %eq3A_520 = arith.constant 0 : i32
        %eq3A_521 = arith.cmpi eq, %jit3A_519, %eq3A_520 : i32
        %jit3A_522 = arith.constant 1 : i32
        %select_n3A_523 = arith.select %eq3A_521, %jit3A_522, %jit3A_519 : i32
        %rem3A_524 = arith.remsi %sub3A_518, %select_n3A_523 : i32
        %ne3A_525 = arith.constant 0 : i32
        %ne3A_526 = arith.cmpi ne, %rem3A_524, %ne3A_525 : i32
        %lt3A_527 = arith.constant 0 : i32
        %lt3A_528 = arith.cmpi slt, %rem3A_524, %lt3A_527 : i32
        %lt3A_529 = arith.constant 0 : i32
        %lt3A_530 = arith.cmpi slt, %select_n3A_523, %lt3A_529 : i32
        %ne3A_531 = arith.xori %lt3A_528, %lt3A_530 : i1
        %and3A_532 = arith.andi %ne3A_531, %ne3A_526 : i1
        %add3A_533 = arith.addi %rem3A_524, %select_n3A_523 : i32
        %select_n3A_534 = arith.select %and3A_532, %add3A_533, %rem3A_524 : i32
        %eq3A_535 = arith.constant 0 : i32
        %eq3A_536 = arith.cmpi eq, %select_n3A_534, %eq3A_535 : i32
        %convert_element_type3A_537 = arith.extui %eq3A_536 : i1 to i32
        %cond3A_538 = arith.constant 0 : i32
        %cond3A_539 = arith.cmpi ne, %convert_element_type3A_537, %cond3A_538 : i32
        scf.if %cond3A_539 {
          %lt3A_645 = arith.cmpi slt, %sub3A_518, %select_n3A : i32
          %mul3A_646 = arith.constant 64 : i32
          %mul3A_647 = arith.muli %sub3A_518, %mul3A_646 : i32
          %add3A_648 = arith.addi %mul3A_2, %mul3A_647 : i32
          %add3A_649 = arith.addi %mul3A_2, %min3A_4 : i32
          %sub3A_650 = arith.constant 64 : i32
          %sub3A_651 = arith.subi %add3A_649, %sub3A_650 : i32
          %select_n3A_652 = arith.select %lt3A_645, %add3A_648, %sub3A_651 : i32
          %multiple_of3A_653 = tpu.assume_multiple %select_n3A_652, 8 : i32
          %dma_start3A = arith.constant 0 : i32
          %dma_start3A_654 = arith.constant 0 : i32
          %dma_start3A_655 = arith.constant 0 : i32
          %dma_start3A_656 = tpu.memref_slice %arg7[%dma_start3A, %dma_start3A_654, %dma_start3A_655] : memref<6x64x256xf32, #tpu.memory_space<vmem>> -> memref<1x64x256xf32, #tpu.memory_space<vmem>>
          %dma_start3A_657 = tpu.memref_squeeze %dma_start3A_656 : memref<1x64x256xf32, #tpu.memory_space<vmem>> -> memref<64x256xf32, #tpu.memory_space<vmem>>
          %dma_start3A_658 = arith.constant 0 : i32
          %dma_start3A_659 = tpu.memref_slice %arg2[%multiple_of3A_653, %dma_start3A_658] : memref<100000x256xf32, #tpu.memory_space<hbm>> -> memref<64x256xf32, #tpu.memory_space<hbm>>
          %dma_start3A_660 = arith.constant 0 : i32
          %dma_start3A_661 = arith.constant 0 : i32
          %dma_start3A_662 = tpu.memref_slice %arg7[%dma_start3A, %dma_start3A_660, %dma_start3A_661] : memref<6x64x256xf32, #tpu.memory_space<vmem>> -> memref<1x64x256xf32, #tpu.memory_space<vmem>>
          %dma_start3A_663 = tpu.memref_squeeze %dma_start3A_662 : memref<1x64x256xf32, #tpu.memory_space<vmem>> -> memref<64x256xf32, #tpu.memory_space<vmem>>
          %dma_start3A_664 = arith.constant 0 : i32
          %dma_start3A_665 = tpu.memref_slice %arg2[%multiple_of3A_653, %dma_start3A_664] : memref<100000x256xf32, #tpu.memory_space<hbm>> -> memref<64x256xf32, #tpu.memory_space<hbm>>
          tpu.enqueue_dma source(%dma_start3A_665 : memref<64x256xf32, #tpu.memory_space<hbm>>) target(%dma_start3A_663 : memref<64x256xf32, #tpu.memory_space<vmem>>) target_semaphore(%arg12 : memref<!tpu.dma_semaphore, #tpu.memory_space<semaphore_mem>>)
        } else {
        }
        %jit3A_540 = arith.constant 6 : i32
        %eq3A_541 = arith.constant 0 : i32
        %eq3A_542 = arith.cmpi eq, %jit3A_540, %eq3A_541 : i32
        %jit3A_543 = arith.constant 1 : i32
        %select_n3A_544 = arith.select %eq3A_542, %jit3A_543, %jit3A_540 : i32
        %rem3A_545 = arith.remsi %sub3A_518, %select_n3A_544 : i32
        %ne3A_546 = arith.constant 0 : i32
        %ne3A_547 = arith.cmpi ne, %rem3A_545, %ne3A_546 : i32
        %lt3A_548 = arith.constant 0 : i32
        %lt3A_549 = arith.cmpi slt, %rem3A_545, %lt3A_548 : i32
        %lt3A_550 = arith.constant 0 : i32
        %lt3A_551 = arith.cmpi slt, %select_n3A_544, %lt3A_550 : i32
        %ne3A_552 = arith.xori %lt3A_549, %lt3A_551 : i1
        %and3A_553 = arith.andi %ne3A_552, %ne3A_547 : i1
        %add3A_554 = arith.addi %rem3A_545, %select_n3A_544 : i32
        %select_n3A_555 = arith.select %and3A_553, %add3A_554, %rem3A_545 : i32
        %eq3A_556 = arith.constant 1 : i32
        %eq3A_557 = arith.cmpi eq, %select_n3A_555, %eq3A_556 : i32
        %convert_element_type3A_558 = arith.extui %eq3A_557 : i1 to i32
        %cond3A_559 = arith.constant 0 : i32
        %cond3A_560 = arith.cmpi ne, %convert_element_type3A_558, %cond3A_559 : i32
        scf.if %cond3A_560 {
          %lt3A_645 = arith.cmpi slt, %sub3A_518, %select_n3A : i32
          %mul3A_646 = arith.constant 64 : i32
          %mul3A_647 = arith.muli %sub3A_518, %mul3A_646 : i32
          %add3A_648 = arith.addi %mul3A_2, %mul3A_647 : i32
          %add3A_649 = arith.addi %mul3A_2, %min3A_4 : i32
          %sub3A_650 = arith.constant 64 : i32
          %sub3A_651 = arith.subi %add3A_649, %sub3A_650 : i32
          %select_n3A_652 = arith.select %lt3A_645, %add3A_648, %sub3A_651 : i32
          %multiple_of3A_653 = tpu.assume_multiple %select_n3A_652, 8 : i32
          %dma_start3A = arith.constant 1 : i32
          %dma_start3A_654 = arith.constant 0 : i32
          %dma_start3A_655 = arith.constant 0 : i32
          %dma_start3A_656 = tpu.memref_slice %arg7[%dma_start3A, %dma_start3A_654, %dma_start3A_655] : memref<6x64x256xf32, #tpu.memory_space<vmem>> -> memref<1x64x256xf32, #tpu.memory_space<vmem>>
          %dma_start3A_657 = tpu.memref_squeeze %dma_start3A_656 : memref<1x64x256xf32, #tpu.memory_space<vmem>> -> memref<64x256xf32, #tpu.memory_space<vmem>>
          %dma_start3A_658 = arith.constant 0 : i32
          %dma_start3A_659 = tpu.memref_slice %arg2[%multiple_of3A_653, %dma_start3A_658] : memref<100000x256xf32, #tpu.memory_space<hbm>> -> memref<64x256xf32, #tpu.memory_space<hbm>>
          %dma_start3A_660 = arith.constant 0 : i32
          %dma_start3A_661 = arith.constant 0 : i32
          %dma_start3A_662 = tpu.memref_slice %arg7[%dma_start3A, %dma_start3A_660, %dma_start3A_661] : memref<6x64x256xf32, #tpu.memory_space<vmem>> -> memref<1x64x256xf32, #tpu.memory_space<vmem>>
          %dma_start3A_663 = tpu.memref_squeeze %dma_start3A_662 : memref<1x64x256xf32, #tpu.memory_space<vmem>> -> memref<64x256xf32, #tpu.memory_space<vmem>>
          %dma_start3A_664 = arith.constant 0 : i32
          %dma_start3A_665 = tpu.memref_slice %arg2[%multiple_of3A_653, %dma_start3A_664] : memref<100000x256xf32, #tpu.memory_space<hbm>> -> memref<64x256xf32, #tpu.memory_space<hbm>>
          tpu.enqueue_dma source(%dma_start3A_665 : memref<64x256xf32, #tpu.memory_space<hbm>>) target(%dma_start3A_663 : memref<64x256xf32, #tpu.memory_space<vmem>>) target_semaphore(%arg13 : memref<!tpu.dma_semaphore, #tpu.memory_space<semaphore_mem>>)
        } else {
        }
        %jit3A_561 = arith.constant 6 : i32
        %eq3A_562 = arith.constant 0 : i32
        %eq3A_563 = arith.cmpi eq, %jit3A_561, %eq3A_562 : i32
        %jit3A_564 = arith.constant 1 : i32
        %select_n3A_565 = arith.select %eq3A_563, %jit3A_564, %jit3A_561 : i32
        %rem3A_566 = arith.remsi %sub3A_518, %select_n3A_565 : i32
        %ne3A_567 = arith.constant 0 : i32
        %ne3A_568 = arith.cmpi ne, %rem3A_566, %ne3A_567 : i32
        %lt3A_569 = arith.constant 0 : i32
        %lt3A_570 = arith.cmpi slt, %rem3A_566, %lt3A_569 : i32
        %lt3A_571 = arith.constant 0 : i32
        %lt3A_572 = arith.cmpi slt, %select_n3A_565, %lt3A_571 : i32
        %ne3A_573 = arith.xori %lt3A_570, %lt3A_572 : i1
        %and3A_574 = arith.andi %ne3A_573, %ne3A_568 : i1
        %add3A_575 = arith.addi %rem3A_566, %select_n3A_565 : i32
        %select_n3A_576 = arith.select %and3A_574, %add3A_575, %rem3A_566 : i32
        %eq3A_577 = arith.constant 2 : i32
        %eq3A_578 = arith.cmpi eq, %select_n3A_576, %eq3A_577 : i32
        %convert_element_type3A_579 = arith.extui %eq3A_578 : i1 to i32
        %cond3A_580 = arith.constant 0 : i32
        %cond3A_581 = arith.cmpi ne, %convert_element_type3A_579, %cond3A_580 : i32
        scf.if %cond3A_581 {
          %lt3A_645 = arith.cmpi slt, %sub3A_518, %select_n3A : i32
          %mul3A_646 = arith.constant 64 : i32
          %mul3A_647 = arith.muli %sub3A_518, %mul3A_646 : i32
          %add3A_648 = arith.addi %mul3A_2, %mul3A_647 : i32
          %add3A_649 = arith.addi %mul3A_2, %min3A_4 : i32
          %sub3A_650 = arith.constant 64 : i32
          %sub3A_651 = arith.subi %add3A_649, %sub3A_650 : i32
          %select_n3A_652 = arith.select %lt3A_645, %add3A_648, %sub3A_651 : i32
          %multiple_of3A_653 = tpu.assume_multiple %select_n3A_652, 8 : i32
          %dma_start3A = arith.constant 2 : i32
          %dma_start3A_654 = arith.constant 0 : i32
          %dma_start3A_655 = arith.constant 0 : i32
          %dma_start3A_656 = tpu.memref_slice %arg7[%dma_start3A, %dma_start3A_654, %dma_start3A_655] : memref<6x64x256xf32, #tpu.memory_space<vmem>> -> memref<1x64x256xf32, #tpu.memory_space<vmem>>
          %dma_start3A_657 = tpu.memref_squeeze %dma_start3A_656 : memref<1x64x256xf32, #tpu.memory_space<vmem>> -> memref<64x256xf32, #tpu.memory_space<vmem>>
          %dma_start3A_658 = arith.constant 0 : i32
          %dma_start3A_659 = tpu.memref_slice %arg2[%multiple_of3A_653, %dma_start3A_658] : memref<100000x256xf32, #tpu.memory_space<hbm>> -> memref<64x256xf32, #tpu.memory_space<hbm>>
          %dma_start3A_660 = arith.constant 0 : i32
          %dma_start3A_661 = arith.constant 0 : i32
          %dma_start3A_662 = tpu.memref_slice %arg7[%dma_start3A, %dma_start3A_660, %dma_start3A_661] : memref<6x64x256xf32, #tpu.memory_space<vmem>> -> memref<1x64x256xf32, #tpu.memory_space<vmem>>
          %dma_start3A_663 = tpu.memref_squeeze %dma_start3A_662 : memref<1x64x256xf32, #tpu.memory_space<vmem>> -> memref<64x256xf32, #tpu.memory_space<vmem>>
          %dma_start3A_664 = arith.constant 0 : i32
          %dma_start3A_665 = tpu.memref_slice %arg2[%multiple_of3A_653, %dma_start3A_664] : memref<100000x256xf32, #tpu.memory_space<hbm>> -> memref<64x256xf32, #tpu.memory_space<hbm>>
          tpu.enqueue_dma source(%dma_start3A_665 : memref<64x256xf32, #tpu.memory_space<hbm>>) target(%dma_start3A_663 : memref<64x256xf32, #tpu.memory_space<vmem>>) target_semaphore(%arg14 : memref<!tpu.dma_semaphore, #tpu.memory_space<semaphore_mem>>)
        } else {
        }
        %jit3A_582 = arith.constant 6 : i32
        %eq3A_583 = arith.constant 0 : i32
        %eq3A_584 = arith.cmpi eq, %jit3A_582, %eq3A_583 : i32
        %jit3A_585 = arith.constant 1 : i32
        %select_n3A_586 = arith.select %eq3A_584, %jit3A_585, %jit3A_582 : i32
        %rem3A_587 = arith.remsi %sub3A_518, %select_n3A_586 : i32
        %ne3A_588 = arith.constant 0 : i32
        %ne3A_589 = arith.cmpi ne, %rem3A_587, %ne3A_588 : i32
        %lt3A_590 = arith.constant 0 : i32
        %lt3A_591 = arith.cmpi slt, %rem3A_587, %lt3A_590 : i32
        %lt3A_592 = arith.constant 0 : i32
        %lt3A_593 = arith.cmpi slt, %select_n3A_586, %lt3A_592 : i32
        %ne3A_594 = arith.xori %lt3A_591, %lt3A_593 : i1
        %and3A_595 = arith.andi %ne3A_594, %ne3A_589 : i1
        %add3A_596 = arith.addi %rem3A_587, %select_n3A_586 : i32
        %select_n3A_597 = arith.select %and3A_595, %add3A_596, %rem3A_587 : i32
        %eq3A_598 = arith.constant 3 : i32
        %eq3A_599 = arith.cmpi eq, %select_n3A_597, %eq3A_598 : i32
        %convert_element_type3A_600 = arith.extui %eq3A_599 : i1 to i32
        %cond3A_601 = arith.constant 0 : i32
        %cond3A_602 = arith.cmpi ne, %convert_element_type3A_600, %cond3A_601 : i32
        scf.if %cond3A_602 {
          %lt3A_645 = arith.cmpi slt, %sub3A_518, %select_n3A : i32
          %mul3A_646 = arith.constant 64 : i32
          %mul3A_647 = arith.muli %sub3A_518, %mul3A_646 : i32
          %add3A_648 = arith.addi %mul3A_2, %mul3A_647 : i32
          %add3A_649 = arith.addi %mul3A_2, %min3A_4 : i32
          %sub3A_650 = arith.constant 64 : i32
          %sub3A_651 = arith.subi %add3A_649, %sub3A_650 : i32
          %select_n3A_652 = arith.select %lt3A_645, %add3A_648, %sub3A_651 : i32
          %multiple_of3A_653 = tpu.assume_multiple %select_n3A_652, 8 : i32
          %dma_start3A = arith.constant 3 : i32
          %dma_start3A_654 = arith.constant 0 : i32
          %dma_start3A_655 = arith.constant 0 : i32
          %dma_start3A_656 = tpu.memref_slice %arg7[%dma_start3A, %dma_start3A_654, %dma_start3A_655] : memref<6x64x256xf32, #tpu.memory_space<vmem>> -> memref<1x64x256xf32, #tpu.memory_space<vmem>>
          %dma_start3A_657 = tpu.memref_squeeze %dma_start3A_656 : memref<1x64x256xf32, #tpu.memory_space<vmem>> -> memref<64x256xf32, #tpu.memory_space<vmem>>
          %dma_start3A_658 = arith.constant 0 : i32
          %dma_start3A_659 = tpu.memref_slice %arg2[%multiple_of3A_653, %dma_start3A_658] : memref<100000x256xf32, #tpu.memory_space<hbm>> -> memref<64x256xf32, #tpu.memory_space<hbm>>
          %dma_start3A_660 = arith.constant 0 : i32
          %dma_start3A_661 = arith.constant 0 : i32
          %dma_start3A_662 = tpu.memref_slice %arg7[%dma_start3A, %dma_start3A_660, %dma_start3A_661] : memref<6x64x256xf32, #tpu.memory_space<vmem>> -> memref<1x64x256xf32, #tpu.memory_space<vmem>>
          %dma_start3A_663 = tpu.memref_squeeze %dma_start3A_662 : memref<1x64x256xf32, #tpu.memory_space<vmem>> -> memref<64x256xf32, #tpu.memory_space<vmem>>
          %dma_start3A_664 = arith.constant 0 : i32
          %dma_start3A_665 = tpu.memref_slice %arg2[%multiple_of3A_653, %dma_start3A_664] : memref<100000x256xf32, #tpu.memory_space<hbm>> -> memref<64x256xf32, #tpu.memory_space<hbm>>
          tpu.enqueue_dma source(%dma_start3A_665 : memref<64x256xf32, #tpu.memory_space<hbm>>) target(%dma_start3A_663 : memref<64x256xf32, #tpu.memory_space<vmem>>) target_semaphore(%arg15 : memref<!tpu.dma_semaphore, #tpu.memory_space<semaphore_mem>>)
        } else {
        }
        %jit3A_603 = arith.constant 6 : i32
        %eq3A_604 = arith.constant 0 : i32
        %eq3A_605 = arith.cmpi eq, %jit3A_603, %eq3A_604 : i32
        %jit3A_606 = arith.constant 1 : i32
        %select_n3A_607 = arith.select %eq3A_605, %jit3A_606, %jit3A_603 : i32
        %rem3A_608 = arith.remsi %sub3A_518, %select_n3A_607 : i32
        %ne3A_609 = arith.constant 0 : i32
        %ne3A_610 = arith.cmpi ne, %rem3A_608, %ne3A_609 : i32
        %lt3A_611 = arith.constant 0 : i32
        %lt3A_612 = arith.cmpi slt, %rem3A_608, %lt3A_611 : i32
        %lt3A_613 = arith.constant 0 : i32
        %lt3A_614 = arith.cmpi slt, %select_n3A_607, %lt3A_613 : i32
        %ne3A_615 = arith.xori %lt3A_612, %lt3A_614 : i1
        %and3A_616 = arith.andi %ne3A_615, %ne3A_610 : i1
        %add3A_617 = arith.addi %rem3A_608, %select_n3A_607 : i32
        %select_n3A_618 = arith.select %and3A_616, %add3A_617, %rem3A_608 : i32
        %eq3A_619 = arith.constant 4 : i32
        %eq3A_620 = arith.cmpi eq, %select_n3A_618, %eq3A_619 : i32
        %convert_element_type3A_621 = arith.extui %eq3A_620 : i1 to i32
        %cond3A_622 = arith.constant 0 : i32
        %cond3A_623 = arith.cmpi ne, %convert_element_type3A_621, %cond3A_622 : i32
        scf.if %cond3A_623 {
          %lt3A_645 = arith.cmpi slt, %sub3A_518, %select_n3A : i32
          %mul3A_646 = arith.constant 64 : i32
          %mul3A_647 = arith.muli %sub3A_518, %mul3A_646 : i32
          %add3A_648 = arith.addi %mul3A_2, %mul3A_647 : i32
          %add3A_649 = arith.addi %mul3A_2, %min3A_4 : i32
          %sub3A_650 = arith.constant 64 : i32
          %sub3A_651 = arith.subi %add3A_649, %sub3A_650 : i32
          %select_n3A_652 = arith.select %lt3A_645, %add3A_648, %sub3A_651 : i32
          %multiple_of3A_653 = tpu.assume_multiple %select_n3A_652, 8 : i32
          %dma_start3A = arith.constant 4 : i32
          %dma_start3A_654 = arith.constant 0 : i32
          %dma_start3A_655 = arith.constant 0 : i32
          %dma_start3A_656 = tpu.memref_slice %arg7[%dma_start3A, %dma_start3A_654, %dma_start3A_655] : memref<6x64x256xf32, #tpu.memory_space<vmem>> -> memref<1x64x256xf32, #tpu.memory_space<vmem>>
          %dma_start3A_657 = tpu.memref_squeeze %dma_start3A_656 : memref<1x64x256xf32, #tpu.memory_space<vmem>> -> memref<64x256xf32, #tpu.memory_space<vmem>>
          %dma_start3A_658 = arith.constant 0 : i32
          %dma_start3A_659 = tpu.memref_slice %arg2[%multiple_of3A_653, %dma_start3A_658] : memref<100000x256xf32, #tpu.memory_space<hbm>> -> memref<64x256xf32, #tpu.memory_space<hbm>>
          %dma_start3A_660 = arith.constant 0 : i32
          %dma_start3A_661 = arith.constant 0 : i32
          %dma_start3A_662 = tpu.memref_slice %arg7[%dma_start3A, %dma_start3A_660, %dma_start3A_661] : memref<6x64x256xf32, #tpu.memory_space<vmem>> -> memref<1x64x256xf32, #tpu.memory_space<vmem>>
          %dma_start3A_663 = tpu.memref_squeeze %dma_start3A_662 : memref<1x64x256xf32, #tpu.memory_space<vmem>> -> memref<64x256xf32, #tpu.memory_space<vmem>>
          %dma_start3A_664 = arith.constant 0 : i32
          %dma_start3A_665 = tpu.memref_slice %arg2[%multiple_of3A_653, %dma_start3A_664] : memref<100000x256xf32, #tpu.memory_space<hbm>> -> memref<64x256xf32, #tpu.memory_space<hbm>>
          tpu.enqueue_dma source(%dma_start3A_665 : memref<64x256xf32, #tpu.memory_space<hbm>>) target(%dma_start3A_663 : memref<64x256xf32, #tpu.memory_space<vmem>>) target_semaphore(%arg16 : memref<!tpu.dma_semaphore, #tpu.memory_space<semaphore_mem>>)
        } else {
        }
        %jit3A_624 = arith.constant 6 : i32
        %eq3A_625 = arith.constant 0 : i32
        %eq3A_626 = arith.cmpi eq, %jit3A_624, %eq3A_625 : i32
        %jit3A_627 = arith.constant 1 : i32
        %select_n3A_628 = arith.select %eq3A_626, %jit3A_627, %jit3A_624 : i32
        %rem3A_629 = arith.remsi %sub3A_518, %select_n3A_628 : i32
        %ne3A_630 = arith.constant 0 : i32
        %ne3A_631 = arith.cmpi ne, %rem3A_629, %ne3A_630 : i32
        %lt3A_632 = arith.constant 0 : i32
        %lt3A_633 = arith.cmpi slt, %rem3A_629, %lt3A_632 : i32
        %lt3A_634 = arith.constant 0 : i32
        %lt3A_635 = arith.cmpi slt, %select_n3A_628, %lt3A_634 : i32
        %ne3A_636 = arith.xori %lt3A_633, %lt3A_635 : i1
        %and3A_637 = arith.andi %ne3A_636, %ne3A_631 : i1
        %add3A_638 = arith.addi %rem3A_629, %select_n3A_628 : i32
        %select_n3A_639 = arith.select %and3A_637, %add3A_638, %rem3A_629 : i32
        %eq3A_640 = arith.constant 5 : i32
        %eq3A_641 = arith.cmpi eq, %select_n3A_639, %eq3A_640 : i32
        %convert_element_type3A_642 = arith.extui %eq3A_641 : i1 to i32
        %cond3A_643 = arith.constant 0 : i32
        %cond3A_644 = arith.cmpi ne, %convert_element_type3A_642, %cond3A_643 : i32
        scf.if %cond3A_644 {
          %lt3A_645 = arith.cmpi slt, %sub3A_518, %select_n3A : i32
          %mul3A_646 = arith.constant 64 : i32
          %mul3A_647 = arith.muli %sub3A_518, %mul3A_646 : i32
          %add3A_648 = arith.addi %mul3A_2, %mul3A_647 : i32
          %add3A_649 = arith.addi %mul3A_2, %min3A_4 : i32
          %sub3A_650 = arith.constant 64 : i32
          %sub3A_651 = arith.subi %add3A_649, %sub3A_650 : i32
          %select_n3A_652 = arith.select %lt3A_645, %add3A_648, %sub3A_651 : i32
          %multiple_of3A_653 = tpu.assume_multiple %select_n3A_652, 8 : i32
          %dma_start3A = arith.constant 5 : i32
          %dma_start3A_654 = arith.constant 0 : i32
          %dma_start3A_655 = arith.constant 0 : i32
          %dma_start3A_656 = tpu.memref_slice %arg7[%dma_start3A, %dma_start3A_654, %dma_start3A_655] : memref<6x64x256xf32, #tpu.memory_space<vmem>> -> memref<1x64x256xf32, #tpu.memory_space<vmem>>
          %dma_start3A_657 = tpu.memref_squeeze %dma_start3A_656 : memref<1x64x256xf32, #tpu.memory_space<vmem>> -> memref<64x256xf32, #tpu.memory_space<vmem>>
          %dma_start3A_658 = arith.constant 0 : i32
          %dma_start3A_659 = tpu.memref_slice %arg2[%multiple_of3A_653, %dma_start3A_658] : memref<100000x256xf32, #tpu.memory_space<hbm>> -> memref<64x256xf32, #tpu.memory_space<hbm>>
          %dma_start3A_660 = arith.constant 0 : i32
          %dma_start3A_661 = arith.constant 0 : i32
          %dma_start3A_662 = tpu.memref_slice %arg7[%dma_start3A, %dma_start3A_660, %dma_start3A_661] : memref<6x64x256xf32, #tpu.memory_space<vmem>> -> memref<1x64x256xf32, #tpu.memory_space<vmem>>
          %dma_start3A_663 = tpu.memref_squeeze %dma_start3A_662 : memref<1x64x256xf32, #tpu.memory_space<vmem>> -> memref<64x256xf32, #tpu.memory_space<vmem>>
          %dma_start3A_664 = arith.constant 0 : i32
          %dma_start3A_665 = tpu.memref_slice %arg2[%multiple_of3A_653, %dma_start3A_664] : memref<100000x256xf32, #tpu.memory_space<hbm>> -> memref<64x256xf32, #tpu.memory_space<hbm>>
          tpu.enqueue_dma source(%dma_start3A_665 : memref<64x256xf32, #tpu.memory_space<hbm>>) target(%dma_start3A_663 : memref<64x256xf32, #tpu.memory_space<vmem>>) target_semaphore(%arg17 : memref<!tpu.dma_semaphore, #tpu.memory_space<semaphore_mem>>)
        } else {
        }
      } else {
      }
      %jit3A_91 = arith.constant 6 : i32
      %eq3A = arith.constant 0 : i32
      %eq3A_92 = arith.cmpi eq, %jit3A_91, %eq3A : i32
      %jit3A_93 = arith.constant 1 : i32
      %select_n3A_94 = arith.select %eq3A_92, %jit3A_93, %jit3A_91 : i32
      %rem3A_95 = arith.remsi %while3A_82, %select_n3A_94 : i32
      %ne3A_96 = arith.constant 0 : i32
      %ne3A_97 = arith.cmpi ne, %rem3A_95, %ne3A_96 : i32
      %lt3A_98 = arith.constant 0 : i32
      %lt3A_99 = arith.cmpi slt, %rem3A_95, %lt3A_98 : i32
      %lt3A_100 = arith.constant 0 : i32
      %lt3A_101 = arith.cmpi slt, %select_n3A_94, %lt3A_100 : i32
      %ne3A_102 = arith.xori %lt3A_99, %lt3A_101 : i1
      %and3A_103 = arith.andi %ne3A_102, %ne3A_97 : i1
      %add3A_104 = arith.addi %rem3A_95, %select_n3A_94 : i32
      %select_n3A_105 = arith.select %and3A_103, %add3A_104, %rem3A_95 : i32
      %eq3A_106 = arith.constant 0 : i32
      %eq3A_107 = arith.cmpi eq, %select_n3A_105, %eq3A_106 : i32
      %convert_element_type3A_108 = arith.extui %eq3A_107 : i1 to i32
      %cond3A_109 = arith.constant 0 : i32
      %cond3A_110 = arith.cmpi ne, %convert_element_type3A_108, %cond3A_109 : i32
      scf.if %cond3A_110 {
        %lt3A_515 = arith.cmpi slt, %while3A_82, %select_n3A : i32
        %mul3A_516 = arith.constant 64 : i32
        %mul3A_517 = arith.muli %while3A_82, %mul3A_516 : i32
        %add3A_518 = arith.addi %mul3A_2, %mul3A_517 : i32
        %add3A_519 = arith.addi %mul3A_2, %min3A_4 : i32
        %sub3A_520 = arith.constant 64 : i32
        %sub3A_521 = arith.subi %add3A_519, %sub3A_520 : i32
        %select_n3A_522 = arith.select %lt3A_515, %add3A_518, %sub3A_521 : i32
        %multiple_of3A_523 = tpu.assume_multiple %select_n3A_522, 8 : i32
        %dma_wait3A = arith.constant 0 : i32
        %dma_wait3A_524 = arith.constant 0 : i32
        %dma_wait3A_525 = arith.constant 0 : i32
        %dma_wait3A_526 = tpu.memref_slice %arg7[%dma_wait3A, %dma_wait3A_524, %dma_wait3A_525] : memref<6x64x256xf32, #tpu.memory_space<vmem>> -> memref<1x64x256xf32, #tpu.memory_space<vmem>>
        %dma_wait3A_527 = tpu.memref_squeeze %dma_wait3A_526 : memref<1x64x256xf32, #tpu.memory_space<vmem>> -> memref<64x256xf32, #tpu.memory_space<vmem>>
        %dma_wait3A_528 = arith.constant 0 : i32
        %dma_wait3A_529 = tpu.memref_slice %arg2[%multiple_of3A_523, %dma_wait3A_528] : memref<100000x256xf32, #tpu.memory_space<hbm>> -> memref<64x256xf32, #tpu.memory_space<hbm>>
        %dma_wait3A_530 = arith.constant 0 : i32
        %dma_wait3A_531 = arith.constant 0 : i32
        %dma_wait3A_532 = tpu.memref_slice %arg7[%dma_wait3A, %dma_wait3A_530, %dma_wait3A_531] : memref<6x64x256xf32, #tpu.memory_space<vmem>> -> memref<1x64x256xf32, #tpu.memory_space<vmem>>
        %dma_wait3A_533 = tpu.memref_squeeze %dma_wait3A_532 : memref<1x64x256xf32, #tpu.memory_space<vmem>> -> memref<64x256xf32, #tpu.memory_space<vmem>>
        %dma_wait3A_534 = arith.constant 0 : i32
        %dma_wait3A_535 = tpu.memref_slice %arg2[%multiple_of3A_523, %dma_wait3A_534] : memref<100000x256xf32, #tpu.memory_space<hbm>> -> memref<64x256xf32, #tpu.memory_space<hbm>>
        tpu.wait_dma2 semaphore(%arg12 : memref<!tpu.dma_semaphore, #tpu.memory_space<semaphore_mem>>) src(%dma_wait3A_535 : memref<64x256xf32, #tpu.memory_space<hbm>>) dst(%dma_wait3A_533 : memref<64x256xf32, #tpu.memory_space<vmem>>)
      } else {
      }
      %jit3A_111 = arith.constant 6 : i32
      %eq3A_112 = arith.constant 0 : i32
      %eq3A_113 = arith.cmpi eq, %jit3A_111, %eq3A_112 : i32
      %jit3A_114 = arith.constant 1 : i32
      %select_n3A_115 = arith.select %eq3A_113, %jit3A_114, %jit3A_111 : i32
      %rem3A_116 = arith.remsi %while3A_82, %select_n3A_115 : i32
      %ne3A_117 = arith.constant 0 : i32
      %ne3A_118 = arith.cmpi ne, %rem3A_116, %ne3A_117 : i32
      %lt3A_119 = arith.constant 0 : i32
      %lt3A_120 = arith.cmpi slt, %rem3A_116, %lt3A_119 : i32
      %lt3A_121 = arith.constant 0 : i32
      %lt3A_122 = arith.cmpi slt, %select_n3A_115, %lt3A_121 : i32
      %ne3A_123 = arith.xori %lt3A_120, %lt3A_122 : i1
      %and3A_124 = arith.andi %ne3A_123, %ne3A_118 : i1
      %add3A_125 = arith.addi %rem3A_116, %select_n3A_115 : i32
      %select_n3A_126 = arith.select %and3A_124, %add3A_125, %rem3A_116 : i32
      %eq3A_127 = arith.constant 1 : i32
      %eq3A_128 = arith.cmpi eq, %select_n3A_126, %eq3A_127 : i32
      %convert_element_type3A_129 = arith.extui %eq3A_128 : i1 to i32
      %cond3A_130 = arith.constant 0 : i32
      %cond3A_131 = arith.cmpi ne, %convert_element_type3A_129, %cond3A_130 : i32
      scf.if %cond3A_131 {
        %lt3A_515 = arith.cmpi slt, %while3A_82, %select_n3A : i32
        %mul3A_516 = arith.constant 64 : i32
        %mul3A_517 = arith.muli %while3A_82, %mul3A_516 : i32
        %add3A_518 = arith.addi %mul3A_2, %mul3A_517 : i32
        %add3A_519 = arith.addi %mul3A_2, %min3A_4 : i32
        %sub3A_520 = arith.constant 64 : i32
        %sub3A_521 = arith.subi %add3A_519, %sub3A_520 : i32
        %select_n3A_522 = arith.select %lt3A_515, %add3A_518, %sub3A_521 : i32
        %multiple_of3A_523 = tpu.assume_multiple %select_n3A_522, 8 : i32
        %dma_wait3A = arith.constant 1 : i32
        %dma_wait3A_524 = arith.constant 0 : i32
        %dma_wait3A_525 = arith.constant 0 : i32
        %dma_wait3A_526 = tpu.memref_slice %arg7[%dma_wait3A, %dma_wait3A_524, %dma_wait3A_525] : memref<6x64x256xf32, #tpu.memory_space<vmem>> -> memref<1x64x256xf32, #tpu.memory_space<vmem>>
        %dma_wait3A_527 = tpu.memref_squeeze %dma_wait3A_526 : memref<1x64x256xf32, #tpu.memory_space<vmem>> -> memref<64x256xf32, #tpu.memory_space<vmem>>
        %dma_wait3A_528 = arith.constant 0 : i32
        %dma_wait3A_529 = tpu.memref_slice %arg2[%multiple_of3A_523, %dma_wait3A_528] : memref<100000x256xf32, #tpu.memory_space<hbm>> -> memref<64x256xf32, #tpu.memory_space<hbm>>
        %dma_wait3A_530 = arith.constant 0 : i32
        %dma_wait3A_531 = arith.constant 0 : i32
        %dma_wait3A_532 = tpu.memref_slice %arg7[%dma_wait3A, %dma_wait3A_530, %dma_wait3A_531] : memref<6x64x256xf32, #tpu.memory_space<vmem>> -> memref<1x64x256xf32, #tpu.memory_space<vmem>>
        %dma_wait3A_533 = tpu.memref_squeeze %dma_wait3A_532 : memref<1x64x256xf32, #tpu.memory_space<vmem>> -> memref<64x256xf32, #tpu.memory_space<vmem>>
        %dma_wait3A_534 = arith.constant 0 : i32
        %dma_wait3A_535 = tpu.memref_slice %arg2[%multiple_of3A_523, %dma_wait3A_534] : memref<100000x256xf32, #tpu.memory_space<hbm>> -> memref<64x256xf32, #tpu.memory_space<hbm>>
        tpu.wait_dma2 semaphore(%arg13 : memref<!tpu.dma_semaphore, #tpu.memory_space<semaphore_mem>>) src(%dma_wait3A_535 : memref<64x256xf32, #tpu.memory_space<hbm>>) dst(%dma_wait3A_533 : memref<64x256xf32, #tpu.memory_space<vmem>>)
      } else {
      }
      %jit3A_132 = arith.constant 6 : i32
      %eq3A_133 = arith.constant 0 : i32
      %eq3A_134 = arith.cmpi eq, %jit3A_132, %eq3A_133 : i32
      %jit3A_135 = arith.constant 1 : i32
      %select_n3A_136 = arith.select %eq3A_134, %jit3A_135, %jit3A_132 : i32
      %rem3A_137 = arith.remsi %while3A_82, %select_n3A_136 : i32
      %ne3A_138 = arith.constant 0 : i32
      %ne3A_139 = arith.cmpi ne, %rem3A_137, %ne3A_138 : i32
      %lt3A_140 = arith.constant 0 : i32
      %lt3A_141 = arith.cmpi slt, %rem3A_137, %lt3A_140 : i32
      %lt3A_142 = arith.constant 0 : i32
      %lt3A_143 = arith.cmpi slt, %select_n3A_136, %lt3A_142 : i32
      %ne3A_144 = arith.xori %lt3A_141, %lt3A_143 : i1
      %and3A_145 = arith.andi %ne3A_144, %ne3A_139 : i1
      %add3A_146 = arith.addi %rem3A_137, %select_n3A_136 : i32
      %select_n3A_147 = arith.select %and3A_145, %add3A_146, %rem3A_137 : i32
      %eq3A_148 = arith.constant 2 : i32
      %eq3A_149 = arith.cmpi eq, %select_n3A_147, %eq3A_148 : i32
      %convert_element_type3A_150 = arith.extui %eq3A_149 : i1 to i32
      %cond3A_151 = arith.constant 0 : i32
      %cond3A_152 = arith.cmpi ne, %convert_element_type3A_150, %cond3A_151 : i32
      scf.if %cond3A_152 {
        %lt3A_515 = arith.cmpi slt, %while3A_82, %select_n3A : i32
        %mul3A_516 = arith.constant 64 : i32
        %mul3A_517 = arith.muli %while3A_82, %mul3A_516 : i32
        %add3A_518 = arith.addi %mul3A_2, %mul3A_517 : i32
        %add3A_519 = arith.addi %mul3A_2, %min3A_4 : i32
        %sub3A_520 = arith.constant 64 : i32
        %sub3A_521 = arith.subi %add3A_519, %sub3A_520 : i32
        %select_n3A_522 = arith.select %lt3A_515, %add3A_518, %sub3A_521 : i32
        %multiple_of3A_523 = tpu.assume_multiple %select_n3A_522, 8 : i32
        %dma_wait3A = arith.constant 2 : i32
        %dma_wait3A_524 = arith.constant 0 : i32
        %dma_wait3A_525 = arith.constant 0 : i32
        %dma_wait3A_526 = tpu.memref_slice %arg7[%dma_wait3A, %dma_wait3A_524, %dma_wait3A_525] : memref<6x64x256xf32, #tpu.memory_space<vmem>> -> memref<1x64x256xf32, #tpu.memory_space<vmem>>
        %dma_wait3A_527 = tpu.memref_squeeze %dma_wait3A_526 : memref<1x64x256xf32, #tpu.memory_space<vmem>> -> memref<64x256xf32, #tpu.memory_space<vmem>>
        %dma_wait3A_528 = arith.constant 0 : i32
        %dma_wait3A_529 = tpu.memref_slice %arg2[%multiple_of3A_523, %dma_wait3A_528] : memref<100000x256xf32, #tpu.memory_space<hbm>> -> memref<64x256xf32, #tpu.memory_space<hbm>>
        %dma_wait3A_530 = arith.constant 0 : i32
        %dma_wait3A_531 = arith.constant 0 : i32
        %dma_wait3A_532 = tpu.memref_slice %arg7[%dma_wait3A, %dma_wait3A_530, %dma_wait3A_531] : memref<6x64x256xf32, #tpu.memory_space<vmem>> -> memref<1x64x256xf32, #tpu.memory_space<vmem>>
        %dma_wait3A_533 = tpu.memref_squeeze %dma_wait3A_532 : memref<1x64x256xf32, #tpu.memory_space<vmem>> -> memref<64x256xf32, #tpu.memory_space<vmem>>
        %dma_wait3A_534 = arith.constant 0 : i32
        %dma_wait3A_535 = tpu.memref_slice %arg2[%multiple_of3A_523, %dma_wait3A_534] : memref<100000x256xf32, #tpu.memory_space<hbm>> -> memref<64x256xf32, #tpu.memory_space<hbm>>
        tpu.wait_dma2 semaphore(%arg14 : memref<!tpu.dma_semaphore, #tpu.memory_space<semaphore_mem>>) src(%dma_wait3A_535 : memref<64x256xf32, #tpu.memory_space<hbm>>) dst(%dma_wait3A_533 : memref<64x256xf32, #tpu.memory_space<vmem>>)
      } else {
      }
      %jit3A_153 = arith.constant 6 : i32
      %eq3A_154 = arith.constant 0 : i32
      %eq3A_155 = arith.cmpi eq, %jit3A_153, %eq3A_154 : i32
      %jit3A_156 = arith.constant 1 : i32
      %select_n3A_157 = arith.select %eq3A_155, %jit3A_156, %jit3A_153 : i32
      %rem3A_158 = arith.remsi %while3A_82, %select_n3A_157 : i32
      %ne3A_159 = arith.constant 0 : i32
      %ne3A_160 = arith.cmpi ne, %rem3A_158, %ne3A_159 : i32
      %lt3A_161 = arith.constant 0 : i32
      %lt3A_162 = arith.cmpi slt, %rem3A_158, %lt3A_161 : i32
      %lt3A_163 = arith.constant 0 : i32
      %lt3A_164 = arith.cmpi slt, %select_n3A_157, %lt3A_163 : i32
      %ne3A_165 = arith.xori %lt3A_162, %lt3A_164 : i1
      %and3A_166 = arith.andi %ne3A_165, %ne3A_160 : i1
      %add3A_167 = arith.addi %rem3A_158, %select_n3A_157 : i32
      %select_n3A_168 = arith.select %and3A_166, %add3A_167, %rem3A_158 : i32
      %eq3A_169 = arith.constant 3 : i32
      %eq3A_170 = arith.cmpi eq, %select_n3A_168, %eq3A_169 : i32
      %convert_element_type3A_171 = arith.extui %eq3A_170 : i1 to i32
      %cond3A_172 = arith.constant 0 : i32
      %cond3A_173 = arith.cmpi ne, %convert_element_type3A_171, %cond3A_172 : i32
      scf.if %cond3A_173 {
        %lt3A_515 = arith.cmpi slt, %while3A_82, %select_n3A : i32
        %mul3A_516 = arith.constant 64 : i32
        %mul3A_517 = arith.muli %while3A_82, %mul3A_516 : i32
        %add3A_518 = arith.addi %mul3A_2, %mul3A_517 : i32
        %add3A_519 = arith.addi %mul3A_2, %min3A_4 : i32
        %sub3A_520 = arith.constant 64 : i32
        %sub3A_521 = arith.subi %add3A_519, %sub3A_520 : i32
        %select_n3A_522 = arith.select %lt3A_515, %add3A_518, %sub3A_521 : i32
        %multiple_of3A_523 = tpu.assume_multiple %select_n3A_522, 8 : i32
        %dma_wait3A = arith.constant 3 : i32
        %dma_wait3A_524 = arith.constant 0 : i32
        %dma_wait3A_525 = arith.constant 0 : i32
        %dma_wait3A_526 = tpu.memref_slice %arg7[%dma_wait3A, %dma_wait3A_524, %dma_wait3A_525] : memref<6x64x256xf32, #tpu.memory_space<vmem>> -> memref<1x64x256xf32, #tpu.memory_space<vmem>>
        %dma_wait3A_527 = tpu.memref_squeeze %dma_wait3A_526 : memref<1x64x256xf32, #tpu.memory_space<vmem>> -> memref<64x256xf32, #tpu.memory_space<vmem>>
        %dma_wait3A_528 = arith.constant 0 : i32
        %dma_wait3A_529 = tpu.memref_slice %arg2[%multiple_of3A_523, %dma_wait3A_528] : memref<100000x256xf32, #tpu.memory_space<hbm>> -> memref<64x256xf32, #tpu.memory_space<hbm>>
        %dma_wait3A_530 = arith.constant 0 : i32
        %dma_wait3A_531 = arith.constant 0 : i32
        %dma_wait3A_532 = tpu.memref_slice %arg7[%dma_wait3A, %dma_wait3A_530, %dma_wait3A_531] : memref<6x64x256xf32, #tpu.memory_space<vmem>> -> memref<1x64x256xf32, #tpu.memory_space<vmem>>
        %dma_wait3A_533 = tpu.memref_squeeze %dma_wait3A_532 : memref<1x64x256xf32, #tpu.memory_space<vmem>> -> memref<64x256xf32, #tpu.memory_space<vmem>>
        %dma_wait3A_534 = arith.constant 0 : i32
        %dma_wait3A_535 = tpu.memref_slice %arg2[%multiple_of3A_523, %dma_wait3A_534] : memref<100000x256xf32, #tpu.memory_space<hbm>> -> memref<64x256xf32, #tpu.memory_space<hbm>>
        tpu.wait_dma2 semaphore(%arg15 : memref<!tpu.dma_semaphore, #tpu.memory_space<semaphore_mem>>) src(%dma_wait3A_535 : memref<64x256xf32, #tpu.memory_space<hbm>>) dst(%dma_wait3A_533 : memref<64x256xf32, #tpu.memory_space<vmem>>)
      } else {
      }
      %jit3A_174 = arith.constant 6 : i32
      %eq3A_175 = arith.constant 0 : i32
      %eq3A_176 = arith.cmpi eq, %jit3A_174, %eq3A_175 : i32
      %jit3A_177 = arith.constant 1 : i32
      %select_n3A_178 = arith.select %eq3A_176, %jit3A_177, %jit3A_174 : i32
      %rem3A_179 = arith.remsi %while3A_82, %select_n3A_178 : i32
      %ne3A_180 = arith.constant 0 : i32
      %ne3A_181 = arith.cmpi ne, %rem3A_179, %ne3A_180 : i32
      %lt3A_182 = arith.constant 0 : i32
      %lt3A_183 = arith.cmpi slt, %rem3A_179, %lt3A_182 : i32
      %lt3A_184 = arith.constant 0 : i32
      %lt3A_185 = arith.cmpi slt, %select_n3A_178, %lt3A_184 : i32
      %ne3A_186 = arith.xori %lt3A_183, %lt3A_185 : i1
      %and3A_187 = arith.andi %ne3A_186, %ne3A_181 : i1
      %add3A_188 = arith.addi %rem3A_179, %select_n3A_178 : i32
      %select_n3A_189 = arith.select %and3A_187, %add3A_188, %rem3A_179 : i32
      %eq3A_190 = arith.constant 4 : i32
      %eq3A_191 = arith.cmpi eq, %select_n3A_189, %eq3A_190 : i32
      %convert_element_type3A_192 = arith.extui %eq3A_191 : i1 to i32
      %cond3A_193 = arith.constant 0 : i32
      %cond3A_194 = arith.cmpi ne, %convert_element_type3A_192, %cond3A_193 : i32
      scf.if %cond3A_194 {
        %lt3A_515 = arith.cmpi slt, %while3A_82, %select_n3A : i32
        %mul3A_516 = arith.constant 64 : i32
        %mul3A_517 = arith.muli %while3A_82, %mul3A_516 : i32
        %add3A_518 = arith.addi %mul3A_2, %mul3A_517 : i32
        %add3A_519 = arith.addi %mul3A_2, %min3A_4 : i32
        %sub3A_520 = arith.constant 64 : i32
        %sub3A_521 = arith.subi %add3A_519, %sub3A_520 : i32
        %select_n3A_522 = arith.select %lt3A_515, %add3A_518, %sub3A_521 : i32
        %multiple_of3A_523 = tpu.assume_multiple %select_n3A_522, 8 : i32
        %dma_wait3A = arith.constant 4 : i32
        %dma_wait3A_524 = arith.constant 0 : i32
        %dma_wait3A_525 = arith.constant 0 : i32
        %dma_wait3A_526 = tpu.memref_slice %arg7[%dma_wait3A, %dma_wait3A_524, %dma_wait3A_525] : memref<6x64x256xf32, #tpu.memory_space<vmem>> -> memref<1x64x256xf32, #tpu.memory_space<vmem>>
        %dma_wait3A_527 = tpu.memref_squeeze %dma_wait3A_526 : memref<1x64x256xf32, #tpu.memory_space<vmem>> -> memref<64x256xf32, #tpu.memory_space<vmem>>
        %dma_wait3A_528 = arith.constant 0 : i32
        %dma_wait3A_529 = tpu.memref_slice %arg2[%multiple_of3A_523, %dma_wait3A_528] : memref<100000x256xf32, #tpu.memory_space<hbm>> -> memref<64x256xf32, #tpu.memory_space<hbm>>
        %dma_wait3A_530 = arith.constant 0 : i32
        %dma_wait3A_531 = arith.constant 0 : i32
        %dma_wait3A_532 = tpu.memref_slice %arg7[%dma_wait3A, %dma_wait3A_530, %dma_wait3A_531] : memref<6x64x256xf32, #tpu.memory_space<vmem>> -> memref<1x64x256xf32, #tpu.memory_space<vmem>>
        %dma_wait3A_533 = tpu.memref_squeeze %dma_wait3A_532 : memref<1x64x256xf32, #tpu.memory_space<vmem>> -> memref<64x256xf32, #tpu.memory_space<vmem>>
        %dma_wait3A_534 = arith.constant 0 : i32
        %dma_wait3A_535 = tpu.memref_slice %arg2[%multiple_of3A_523, %dma_wait3A_534] : memref<100000x256xf32, #tpu.memory_space<hbm>> -> memref<64x256xf32, #tpu.memory_space<hbm>>
        tpu.wait_dma2 semaphore(%arg16 : memref<!tpu.dma_semaphore, #tpu.memory_space<semaphore_mem>>) src(%dma_wait3A_535 : memref<64x256xf32, #tpu.memory_space<hbm>>) dst(%dma_wait3A_533 : memref<64x256xf32, #tpu.memory_space<vmem>>)
      } else {
      }
      %jit3A_195 = arith.constant 6 : i32
      %eq3A_196 = arith.constant 0 : i32
      %eq3A_197 = arith.cmpi eq, %jit3A_195, %eq3A_196 : i32
      %jit3A_198 = arith.constant 1 : i32
      %select_n3A_199 = arith.select %eq3A_197, %jit3A_198, %jit3A_195 : i32
      %rem3A_200 = arith.remsi %while3A_82, %select_n3A_199 : i32
      %ne3A_201 = arith.constant 0 : i32
      %ne3A_202 = arith.cmpi ne, %rem3A_200, %ne3A_201 : i32
      %lt3A_203 = arith.constant 0 : i32
      %lt3A_204 = arith.cmpi slt, %rem3A_200, %lt3A_203 : i32
      %lt3A_205 = arith.constant 0 : i32
      %lt3A_206 = arith.cmpi slt, %select_n3A_199, %lt3A_205 : i32
      %ne3A_207 = arith.xori %lt3A_204, %lt3A_206 : i1
      %and3A_208 = arith.andi %ne3A_207, %ne3A_202 : i1
      %add3A_209 = arith.addi %rem3A_200, %select_n3A_199 : i32
      %select_n3A_210 = arith.select %and3A_208, %add3A_209, %rem3A_200 : i32
      %eq3A_211 = arith.constant 5 : i32
      %eq3A_212 = arith.cmpi eq, %select_n3A_210, %eq3A_211 : i32
      %convert_element_type3A_213 = arith.extui %eq3A_212 : i1 to i32
      %cond3A_214 = arith.constant 0 : i32
      %cond3A_215 = arith.cmpi ne, %convert_element_type3A_213, %cond3A_214 : i32
      scf.if %cond3A_215 {
        %lt3A_515 = arith.cmpi slt, %while3A_82, %select_n3A : i32
        %mul3A_516 = arith.constant 64 : i32
        %mul3A_517 = arith.muli %while3A_82, %mul3A_516 : i32
        %add3A_518 = arith.addi %mul3A_2, %mul3A_517 : i32
        %add3A_519 = arith.addi %mul3A_2, %min3A_4 : i32
        %sub3A_520 = arith.constant 64 : i32
        %sub3A_521 = arith.subi %add3A_519, %sub3A_520 : i32
        %select_n3A_522 = arith.select %lt3A_515, %add3A_518, %sub3A_521 : i32
        %multiple_of3A_523 = tpu.assume_multiple %select_n3A_522, 8 : i32
        %dma_wait3A = arith.constant 5 : i32
        %dma_wait3A_524 = arith.constant 0 : i32
        %dma_wait3A_525 = arith.constant 0 : i32
        %dma_wait3A_526 = tpu.memref_slice %arg7[%dma_wait3A, %dma_wait3A_524, %dma_wait3A_525] : memref<6x64x256xf32, #tpu.memory_space<vmem>> -> memref<1x64x256xf32, #tpu.memory_space<vmem>>
        %dma_wait3A_527 = tpu.memref_squeeze %dma_wait3A_526 : memref<1x64x256xf32, #tpu.memory_space<vmem>> -> memref<64x256xf32, #tpu.memory_space<vmem>>
        %dma_wait3A_528 = arith.constant 0 : i32
        %dma_wait3A_529 = tpu.memref_slice %arg2[%multiple_of3A_523, %dma_wait3A_528] : memref<100000x256xf32, #tpu.memory_space<hbm>> -> memref<64x256xf32, #tpu.memory_space<hbm>>
        %dma_wait3A_530 = arith.constant 0 : i32
        %dma_wait3A_531 = arith.constant 0 : i32
        %dma_wait3A_532 = tpu.memref_slice %arg7[%dma_wait3A, %dma_wait3A_530, %dma_wait3A_531] : memref<6x64x256xf32, #tpu.memory_space<vmem>> -> memref<1x64x256xf32, #tpu.memory_space<vmem>>
        %dma_wait3A_533 = tpu.memref_squeeze %dma_wait3A_532 : memref<1x64x256xf32, #tpu.memory_space<vmem>> -> memref<64x256xf32, #tpu.memory_space<vmem>>
        %dma_wait3A_534 = arith.constant 0 : i32
        %dma_wait3A_535 = tpu.memref_slice %arg2[%multiple_of3A_523, %dma_wait3A_534] : memref<100000x256xf32, #tpu.memory_space<hbm>> -> memref<64x256xf32, #tpu.memory_space<hbm>>
        tpu.wait_dma2 semaphore(%arg17 : memref<!tpu.dma_semaphore, #tpu.memory_space<semaphore_mem>>) src(%dma_wait3A_535 : memref<64x256xf32, #tpu.memory_space<hbm>>) dst(%dma_wait3A_533 : memref<64x256xf32, #tpu.memory_space<vmem>>)
      } else {
      }
      %lt3A_216 = arith.cmpi slt, %while3A_82, %select_n3A : i32
      %mul3A_217 = arith.constant 64 : i32
      %mul3A_218 = arith.muli %while3A_82, %mul3A_217 : i32
      %add3A_219 = arith.addi %mul3A_2, %mul3A_218 : i32
      %add3A_220 = arith.addi %mul3A_2, %min3A_4 : i32
      %sub3A_221 = arith.constant 64 : i32
      %sub3A_222 = arith.subi %add3A_220, %sub3A_221 : i32
      %select_n3A_223 = arith.select %lt3A_216, %add3A_219, %sub3A_222 : i32
      %multiple_of3A_224 = tpu.assume_multiple %select_n3A_223, 8 : i32
      %jit3A_225 = arith.constant 6 : i32
      %eq3A_226 = arith.constant 0 : i32
      %eq3A_227 = arith.cmpi eq, %jit3A_225, %eq3A_226 : i32
      %jit3A_228 = arith.constant 1 : i32
      %select_n3A_229 = arith.select %eq3A_227, %jit3A_228, %jit3A_225 : i32
      %rem3A_230 = arith.remsi %while3A_82, %select_n3A_229 : i32
      %ne3A_231 = arith.constant 0 : i32
      %ne3A_232 = arith.cmpi ne, %rem3A_230, %ne3A_231 : i32
      %lt3A_233 = arith.constant 0 : i32
      %lt3A_234 = arith.cmpi slt, %rem3A_230, %lt3A_233 : i32
      %lt3A_235 = arith.constant 0 : i32
      %lt3A_236 = arith.cmpi slt, %select_n3A_229, %lt3A_235 : i32
      %ne3A_237 = arith.xori %lt3A_234, %lt3A_236 : i1
      %and3A_238 = arith.andi %ne3A_237, %ne3A_232 : i1
      %add3A_239 = arith.addi %rem3A_230, %select_n3A_229 : i32
      %select_n3A_240 = arith.select %and3A_238, %add3A_239, %rem3A_230 : i32
      %add3A_241 = arith.constant 0 : i32
      %add3A_242 = arith.addi %multiple_of3A_224, %add3A_241 : i32
      %add3A_243 = vector.broadcast %add3A_242 : i32 to vector<16xi32>
      %add3A_244 = arith.addi %add3A_243, %iota3A : vector<16xi32>
      %lt3A_245 = arith.cmpi slt, %while3A_82, %select_n3A : i32
      %jit3A_246 = arith.constant 0 : i32
      %select_n3A_247 = arith.select %lt3A_245, %jit3A_246, %add3A_24 : i32
      %ge3A = vector.broadcast %select_n3A_247 : i32 to vector<16xi32>
      %ge3A_248 = arith.cmpi sge, %add3A_244, %ge3A : vector<16xi32>
      %sub3A_249 = arith.subi %multiple_of3A_224, %multiple_of3A : i32
      %add3A_250 = arith.constant 0 : i32
      %add3A_251 = arith.addi %sub3A_249, %add3A_250 : i32
      %get3A = arith.index_cast %add3A_251 : i32 to index
      %get3A_252 = tpu.vector_load %arg6[%get3A] {strides = array<i32>} : memref<3128xi32, #tpu.memory_space<vmem>>, vector<16xi32>,
      %add3A_253 = arith.constant 0 : i32
      %add3A_254 = vector.broadcast %add3A_253 : i32 to vector<16xi32>
      %add3A_255 = arith.addi %add3A_254, %iota3A : vector<16xi32>
      %gather3A = arith.constant 0 : i32
      %gather3A_256 = arith.constant 0 : i32
      %gather3A_257 = tpu.memref_slice %arg7[%select_n3A_240, %gather3A, %gather3A_256] : memref<6x64x256xf32, #tpu.memory_space<vmem>> -> memref<1x64x256xf32, #tpu.memory_space<vmem>>
      %gather3A_258 = tpu.memref_squeeze %gather3A_257 : memref<1x64x256xf32, #tpu.memory_space<vmem>> -> memref<64x256xf32, #tpu.memory_space<vmem>>
      %gather3A_259 = tpu.vector_load_idx %gather3A_258[%add3A_255, %get3A_252] : memref<64x256xf32, #tpu.memory_space<vmem>>[vector<16xi32>, vector<16xi32>], vector<16xf32>,
      %gather3A_260 = tpu.vector_load_idx %arg8[%get3A_252] : memref<256xf32, #tpu.memory_space<vmem>>[vector<16xi32>], vector<16xf32>,
      %sub3A_261 = arith.subf %gather3A_260, %gather3A_259 : vector<16xf32>
      %abs3A = math.absf %sub3A_261 : vector<16xf32>
      %neg3A = arith.constant 0.000000e+00 : f32
      %neg3A_262 = vector.broadcast %neg3A : f32 to vector<16xf32>
      %neg3A_263 = arith.subf %neg3A_262, %abs3A : vector<16xf32>
      %exp3A = math.exp %neg3A_263 : vector<16xf32>
      %add3A_264 = arith.constant 2.000000e+00 : f32
      %add3A_265 = vector.broadcast %add3A_264 : f32 to vector<16xf32>
      %add3A_266 = arith.addf %exp3A, %add3A_265 : vector<16xf32>
      %div3A_267 = arith.divf %exp3A, %add3A_266 : vector<16xf32>
      %mul3A_268 = arith.mulf %div3A_267, %div3A_267 : vector<16xf32>
      %mul3A_269 = arith.constant 2.000000e+00 : f32
      %mul3A_270 = vector.broadcast %mul3A_269 : f32 to vector<16xf32>
      %mul3A_271 = arith.mulf %mul3A_270, %div3A_267 : vector<16xf32>
      %mul3A_272 = arith.constant 0.111111112 : f32
      %mul3A_273 = vector.broadcast %mul3A_272 : f32 to vector<16xf32>
      %mul3A_274 = arith.mulf %mul3A_268, %mul3A_273 : vector<16xf32>
      %add3A_275 = arith.constant 0.142857149 : f32
      %add3A_276 = vector.broadcast %add3A_275 : f32 to vector<16xf32>
      %add3A_277 = arith.addf %add3A_276, %mul3A_274 : vector<16xf32>
      %mul3A_278 = arith.mulf %mul3A_268, %add3A_277 : vector<16xf32>
      %add3A_279 = arith.constant 2.000000e-01 : f32
      %add3A_280 = vector.broadcast %add3A_279 : f32 to vector<16xf32>
      %add3A_281 = arith.addf %add3A_280, %mul3A_278 : vector<16xf32>
      %mul3A_282 = arith.mulf %mul3A_268, %add3A_281 : vector<16xf32>
      %add3A_283 = arith.constant 0.333333343 : f32
      %add3A_284 = vector.broadcast %add3A_283 : f32 to vector<16xf32>
      %add3A_285 = arith.addf %add3A_284, %mul3A_282 : vector<16xf32>
      %mul3A_286 = arith.mulf %mul3A_268, %add3A_285 : vector<16xf32>
      %add3A_287 = arith.constant 1.000000e+00 : f32
      %add3A_288 = vector.broadcast %add3A_287 : f32 to vector<16xf32>
      %add3A_289 = arith.addf %add3A_288, %mul3A_286 : vector<16xf32>
      %mul3A_290 = arith.mulf %mul3A_271, %add3A_289 : vector<16xf32>
      %max3A = arith.constant 0.000000e+00 : f32
      %max3A_291 = vector.broadcast %max3A : f32 to vector<16xf32>
      %max3A_292 = arith.maximumf %sub3A_261, %max3A_291 : vector<16xf32>
      %add3A_293 = arith.addf %max3A_292, %mul3A_290 : vector<16xf32>
      %jit3A_294 = arith.constant 1.19209304E-7 : f32
      %jit3A_295 = arith.constant 16.1180954 : f32
      %max3A_296 = vector.broadcast %jit3A_294 : f32 to vector<16xf32>
      %max3A_297 = arith.maximumf %max3A_296, %add3A_293 : vector<16xf32>
      %min3A_298 = vector.broadcast %jit3A_295 : f32 to vector<16xf32>
      %min3A_299 = arith.minimumf %min3A_298, %max3A_297 : vector<16xf32>
      %mul3A_300 = arith.constant 256 : i32
      %mul3A_301 = vector.broadcast %mul3A_300 : i32 to vector<16xi32>
      %mul3A_302 = arith.muli %iota3A, %mul3A_301 : vector<16xi32>
      %add3A_303 = arith.addi %mul3A_302, %get3A_252 : vector<16xi32>
      tpu.vector_store_idx %arg9[%add3A_303], %min3A_299 masked %ge3A_248 {add = true} : memref<4096xf32, #tpu.memory_space<vmem>>[vector<16xi32>], vector<16xf32>, vector<16xi1>
      tpu.vector_store_idx %arg10[%add3A_303], %broadcast_in_dim3A_31 masked %ge3A_248 {add = true} : memref<4096xf32, #tpu.memory_space<vmem>>[vector<16xi32>], vector<16xf32>, vector<16xi1>
      %add3A_304 = arith.constant 16 : i32
      %add3A_305 = arith.addi %multiple_of3A_224, %add3A_304 : i32
      %add3A_306 = vector.broadcast %add3A_305 : i32 to vector<16xi32>
      %add3A_307 = arith.addi %add3A_306, %iota3A : vector<16xi32>
      %lt3A_308 = arith.cmpi slt, %while3A_82, %select_n3A : i32
      %jit3A_309 = arith.constant 0 : i32
      %select_n3A_310 = arith.select %lt3A_308, %jit3A_309, %add3A_24 : i32
      %ge3A_311 = vector.broadcast %select_n3A_310 : i32 to vector<16xi32>
      %ge3A_312 = arith.cmpi sge, %add3A_307, %ge3A_311 : vector<16xi32>
      %sub3A_313 = arith.subi %multiple_of3A_224, %multiple_of3A : i32
      %add3A_314 = arith.constant 16 : i32
      %add3A_315 = arith.addi %sub3A_313, %add3A_314 : i32
      %get3A_316 = arith.index_cast %add3A_315 : i32 to index
      %get3A_317 = tpu.vector_load %arg6[%get3A_316] {strides = array<i32>} : memref<3128xi32, #tpu.memory_space<vmem>>, vector<16xi32>,
      %add3A_318 = arith.constant 16 : i32
      %add3A_319 = vector.broadcast %add3A_318 : i32 to vector<16xi32>
      %add3A_320 = arith.addi %add3A_319, %iota3A : vector<16xi32>
      %gather3A_321 = arith.constant 0 : i32
      %gather3A_322 = arith.constant 0 : i32
      %gather3A_323 = tpu.memref_slice %arg7[%select_n3A_240, %gather3A_321, %gather3A_322] : memref<6x64x256xf32, #tpu.memory_space<vmem>> -> memref<1x64x256xf32, #tpu.memory_space<vmem>>
      %gather3A_324 = tpu.memref_squeeze %gather3A_323 : memref<1x64x256xf32, #tpu.memory_space<vmem>> -> memref<64x256xf32, #tpu.memory_space<vmem>>
      %gather3A_325 = tpu.vector_load_idx %gather3A_324[%add3A_320, %get3A_317] : memref<64x256xf32, #tpu.memory_space<vmem>>[vector<16xi32>, vector<16xi32>], vector<16xf32>,
      %gather3A_326 = tpu.vector_load_idx %arg8[%get3A_317] : memref<256xf32, #tpu.memory_space<vmem>>[vector<16xi32>], vector<16xf32>,
      %sub3A_327 = arith.subf %gather3A_326, %gather3A_325 : vector<16xf32>
      %abs3A_328 = math.absf %sub3A_327 : vector<16xf32>
      %neg3A_329 = arith.constant 0.000000e+00 : f32
      %neg3A_330 = vector.broadcast %neg3A_329 : f32 to vector<16xf32>
      %neg3A_331 = arith.subf %neg3A_330, %abs3A_328 : vector<16xf32>
      %exp3A_332 = math.exp %neg3A_331 : vector<16xf32>
      %add3A_333 = arith.constant 2.000000e+00 : f32
      %add3A_334 = vector.broadcast %add3A_333 : f32 to vector<16xf32>
      %add3A_335 = arith.addf %exp3A_332, %add3A_334 : vector<16xf32>
      %div3A_336 = arith.divf %exp3A_332, %add3A_335 : vector<16xf32>
      %mul3A_337 = arith.mulf %div3A_336, %div3A_336 : vector<16xf32>
      %mul3A_338 = arith.constant 2.000000e+00 : f32
      %mul3A_339 = vector.broadcast %mul3A_338 : f32 to vector<16xf32>
      %mul3A_340 = arith.mulf %mul3A_339, %div3A_336 : vector<16xf32>
      %mul3A_341 = arith.constant 0.111111112 : f32
      %mul3A_342 = vector.broadcast %mul3A_341 : f32 to vector<16xf32>
      %mul3A_343 = arith.mulf %mul3A_337, %mul3A_342 : vector<16xf32>
      %add3A_344 = arith.constant 0.142857149 : f32
      %add3A_345 = vector.broadcast %add3A_344 : f32 to vector<16xf32>
      %add3A_346 = arith.addf %add3A_345, %mul3A_343 : vector<16xf32>
      %mul3A_347 = arith.mulf %mul3A_337, %add3A_346 : vector<16xf32>
      %add3A_348 = arith.constant 2.000000e-01 : f32
      %add3A_349 = vector.broadcast %add3A_348 : f32 to vector<16xf32>
      %add3A_350 = arith.addf %add3A_349, %mul3A_347 : vector<16xf32>
      %mul3A_351 = arith.mulf %mul3A_337, %add3A_350 : vector<16xf32>
      %add3A_352 = arith.constant 0.333333343 : f32
      %add3A_353 = vector.broadcast %add3A_352 : f32 to vector<16xf32>
      %add3A_354 = arith.addf %add3A_353, %mul3A_351 : vector<16xf32>
      %mul3A_355 = arith.mulf %mul3A_337, %add3A_354 : vector<16xf32>
      %add3A_356 = arith.constant 1.000000e+00 : f32
      %add3A_357 = vector.broadcast %add3A_356 : f32 to vector<16xf32>
      %add3A_358 = arith.addf %add3A_357, %mul3A_355 : vector<16xf32>
      %mul3A_359 = arith.mulf %mul3A_340, %add3A_358 : vector<16xf32>
      %max3A_360 = arith.constant 0.000000e+00 : f32
      %max3A_361 = vector.broadcast %max3A_360 : f32 to vector<16xf32>
      %max3A_362 = arith.maximumf %sub3A_327, %max3A_361 : vector<16xf32>
      %add3A_363 = arith.addf %max3A_362, %mul3A_359 : vector<16xf32>
      %jit3A_364 = arith.constant 1.19209304E-7 : f32
      %jit3A_365 = arith.constant 16.1180954 : f32
      %max3A_366 = vector.broadcast %jit3A_364 : f32 to vector<16xf32>
      %max3A_367 = arith.maximumf %max3A_366, %add3A_363 : vector<16xf32>
      %min3A_368 = vector.broadcast %jit3A_365 : f32 to vector<16xf32>
      %min3A_369 = arith.minimumf %min3A_368, %max3A_367 : vector<16xf32>
      %mul3A_370 = arith.constant 256 : i32
      %mul3A_371 = vector.broadcast %mul3A_370 : i32 to vector<16xi32>
      %mul3A_372 = arith.muli %iota3A, %mul3A_371 : vector<16xi32>
      %add3A_373 = arith.addi %mul3A_372, %get3A_317 : vector<16xi32>
      tpu.vector_store_idx %arg9[%add3A_373], %min3A_369 masked %ge3A_312 {add = true} : memref<4096xf32, #tpu.memory_space<vmem>>[vector<16xi32>], vector<16xf32>, vector<16xi1>
      tpu.vector_store_idx %arg10[%add3A_373], %broadcast_in_dim3A_31 masked %ge3A_312 {add = true} : memref<4096xf32, #tpu.memory_space<vmem>>[vector<16xi32>], vector<16xf32>, vector<16xi1>
      %add3A_374 = arith.constant 32 : i32
      %add3A_375 = arith.addi %multiple_of3A_224, %add3A_374 : i32
      %add3A_376 = vector.broadcast %add3A_375 : i32 to vector<16xi32>
      %add3A_377 = arith.addi %add3A_376, %iota3A : vector<16xi32>
      %lt3A_378 = arith.cmpi slt, %while3A_82, %select_n3A : i32
      %jit3A_379 = arith.constant 0 : i32
      %select_n3A_380 = arith.select %lt3A_378, %jit3A_379, %add3A_24 : i32
      %ge3A_381 = vector.broadcast %select_n3A_380 : i32 to vector<16xi32>
      %ge3A_382 = arith.cmpi sge, %add3A_377, %ge3A_381 : vector<16xi32>
      %sub3A_383 = arith.subi %multiple_of3A_224, %multiple_of3A : i32
      %add3A_384 = arith.constant 32 : i32
      %add3A_385 = arith.addi %sub3A_383, %add3A_384 : i32
      %get3A_386 = arith.index_cast %add3A_385 : i32 to index
      %get3A_387 = tpu.vector_load %arg6[%get3A_386] {strides = array<i32>} : memref<3128xi32, #tpu.memory_space<vmem>>, vector<16xi32>,
      %add3A_388 = arith.constant 32 : i32
      %add3A_389 = vector.broadcast %add3A_388 : i32 to vector<16xi32>
      %add3A_390 = arith.addi %add3A_389, %iota3A : vector<16xi32>
      %gather3A_391 = arith.constant 0 : i32
      %gather3A_392 = arith.constant 0 : i32
      %gather3A_393 = tpu.memref_slice %arg7[%select_n3A_240, %gather3A_391, %gather3A_392] : memref<6x64x256xf32, #tpu.memory_space<vmem>> -> memref<1x64x256xf32, #tpu.memory_space<vmem>>
      %gather3A_394 = tpu.memref_squeeze %gather3A_393 : memref<1x64x256xf32, #tpu.memory_space<vmem>> -> memref<64x256xf32, #tpu.memory_space<vmem>>
      %gather3A_395 = tpu.vector_load_idx %gather3A_394[%add3A_390, %get3A_387] : memref<64x256xf32, #tpu.memory_space<vmem>>[vector<16xi32>, vector<16xi32>], vector<16xf32>,
      %gather3A_396 = tpu.vector_load_idx %arg8[%get3A_387] : memref<256xf32, #tpu.memory_space<vmem>>[vector<16xi32>], vector<16xf32>,
      %sub3A_397 = arith.subf %gather3A_396, %gather3A_395 : vector<16xf32>
      %abs3A_398 = math.absf %sub3A_397 : vector<16xf32>
      %neg3A_399 = arith.constant 0.000000e+00 : f32
      %neg3A_400 = vector.broadcast %neg3A_399 : f32 to vector<16xf32>
      %neg3A_401 = arith.subf %neg3A_400, %abs3A_398 : vector<16xf32>
      %exp3A_402 = math.exp %neg3A_401 : vector<16xf32>
      %add3A_403 = arith.constant 2.000000e+00 : f32
      %add3A_404 = vector.broadcast %add3A_403 : f32 to vector<16xf32>
      %add3A_405 = arith.addf %exp3A_402, %add3A_404 : vector<16xf32>
      %div3A_406 = arith.divf %exp3A_402, %add3A_405 : vector<16xf32>
      %mul3A_407 = arith.mulf %div3A_406, %div3A_406 : vector<16xf32>
      %mul3A_408 = arith.constant 2.000000e+00 : f32
      %mul3A_409 = vector.broadcast %mul3A_408 : f32 to vector<16xf32>
      %mul3A_410 = arith.mulf %mul3A_409, %div3A_406 : vector<16xf32>
      %mul3A_411 = arith.constant 0.111111112 : f32
      %mul3A_412 = vector.broadcast %mul3A_411 : f32 to vector<16xf32>
      %mul3A_413 = arith.mulf %mul3A_407, %mul3A_412 : vector<16xf32>
      %add3A_414 = arith.constant 0.142857149 : f32
      %add3A_415 = vector.broadcast %add3A_414 : f32 to vector<16xf32>
      %add3A_416 = arith.addf %add3A_415, %mul3A_413 : vector<16xf32>
      %mul3A_417 = arith.mulf %mul3A_407, %add3A_416 : vector<16xf32>
      %add3A_418 = arith.constant 2.000000e-01 : f32
      %add3A_419 = vector.broadcast %add3A_418 : f32 to vector<16xf32>
      %add3A_420 = arith.addf %add3A_419, %mul3A_417 : vector<16xf32>
      %mul3A_421 = arith.mulf %mul3A_407, %add3A_420 : vector<16xf32>
      %add3A_422 = arith.constant 0.333333343 : f32
      %add3A_423 = vector.broadcast %add3A_422 : f32 to vector<16xf32>
      %add3A_424 = arith.addf %add3A_423, %mul3A_421 : vector<16xf32>
      %mul3A_425 = arith.mulf %mul3A_407, %add3A_424 : vector<16xf32>
      %add3A_426 = arith.constant 1.000000e+00 : f32
      %add3A_427 = vector.broadcast %add3A_426 : f32 to vector<16xf32>
      %add3A_428 = arith.addf %add3A_427, %mul3A_425 : vector<16xf32>
      %mul3A_429 = arith.mulf %mul3A_410, %add3A_428 : vector<16xf32>
      %max3A_430 = arith.constant 0.000000e+00 : f32
      %max3A_431 = vector.broadcast %max3A_430 : f32 to vector<16xf32>
      %max3A_432 = arith.maximumf %sub3A_397, %max3A_431 : vector<16xf32>
      %add3A_433 = arith.addf %max3A_432, %mul3A_429 : vector<16xf32>
      %jit3A_434 = arith.constant 1.19209304E-7 : f32
      %jit3A_435 = arith.constant 16.1180954 : f32
      %max3A_436 = vector.broadcast %jit3A_434 : f32 to vector<16xf32>
      %max3A_437 = arith.maximumf %max3A_436, %add3A_433 : vector<16xf32>
      %min3A_438 = vector.broadcast %jit3A_435 : f32 to vector<16xf32>
      %min3A_439 = arith.minimumf %min3A_438, %max3A_437 : vector<16xf32>
      %mul3A_440 = arith.constant 256 : i32
      %mul3A_441 = vector.broadcast %mul3A_440 : i32 to vector<16xi32>
      %mul3A_442 = arith.muli %iota3A, %mul3A_441 : vector<16xi32>
      %add3A_443 = arith.addi %mul3A_442, %get3A_387 : vector<16xi32>
      tpu.vector_store_idx %arg9[%add3A_443], %min3A_439 masked %ge3A_382 {add = true} : memref<4096xf32, #tpu.memory_space<vmem>>[vector<16xi32>], vector<16xf32>, vector<16xi1>
      tpu.vector_store_idx %arg10[%add3A_443], %broadcast_in_dim3A_31 masked %ge3A_382 {add = true} : memref<4096xf32, #tpu.memory_space<vmem>>[vector<16xi32>], vector<16xf32>, vector<16xi1>
      %add3A_444 = arith.constant 48 : i32
      %add3A_445 = arith.addi %multiple_of3A_224, %add3A_444 : i32
      %add3A_446 = vector.broadcast %add3A_445 : i32 to vector<16xi32>
      %add3A_447 = arith.addi %add3A_446, %iota3A : vector<16xi32>
      %lt3A_448 = arith.cmpi slt, %while3A_82, %select_n3A : i32
      %jit3A_449 = arith.constant 0 : i32
      %select_n3A_450 = arith.select %lt3A_448, %jit3A_449, %add3A_24 : i32
      %ge3A_451 = vector.broadcast %select_n3A_450 : i32 to vector<16xi32>
      %ge3A_452 = arith.cmpi sge, %add3A_447, %ge3A_451 : vector<16xi32>
      %sub3A_453 = arith.subi %multiple_of3A_224, %multiple_of3A : i32
      %add3A_454 = arith.constant 48 : i32
      %add3A_455 = arith.addi %sub3A_453, %add3A_454 : i32
      %get3A_456 = arith.index_cast %add3A_455 : i32 to index
      %get3A_457 = tpu.vector_load %arg6[%get3A_456] {strides = array<i32>} : memref<3128xi32, #tpu.memory_space<vmem>>, vector<16xi32>,
      %add3A_458 = arith.constant 48 : i32
      %add3A_459 = vector.broadcast %add3A_458 : i32 to vector<16xi32>
      %add3A_460 = arith.addi %add3A_459, %iota3A : vector<16xi32>
      %gather3A_461 = arith.constant 0 : i32
      %gather3A_462 = arith.constant 0 : i32
      %gather3A_463 = tpu.memref_slice %arg7[%select_n3A_240, %gather3A_461, %gather3A_462] : memref<6x64x256xf32, #tpu.memory_space<vmem>> -> memref<1x64x256xf32, #tpu.memory_space<vmem>>
      %gather3A_464 = tpu.memref_squeeze %gather3A_463 : memref<1x64x256xf32, #tpu.memory_space<vmem>> -> memref<64x256xf32, #tpu.memory_space<vmem>>
      %gather3A_465 = tpu.vector_load_idx %gather3A_464[%add3A_460, %get3A_457] : memref<64x256xf32, #tpu.memory_space<vmem>>[vector<16xi32>, vector<16xi32>], vector<16xf32>,
      %gather3A_466 = tpu.vector_load_idx %arg8[%get3A_457] : memref<256xf32, #tpu.memory_space<vmem>>[vector<16xi32>], vector<16xf32>,
      %sub3A_467 = arith.subf %gather3A_466, %gather3A_465 : vector<16xf32>
      %abs3A_468 = math.absf %sub3A_467 : vector<16xf32>
      %neg3A_469 = arith.constant 0.000000e+00 : f32
      %neg3A_470 = vector.broadcast %neg3A_469 : f32 to vector<16xf32>
      %neg3A_471 = arith.subf %neg3A_470, %abs3A_468 : vector<16xf32>
      %exp3A_472 = math.exp %neg3A_471 : vector<16xf32>
      %add3A_473 = arith.constant 2.000000e+00 : f32
      %add3A_474 = vector.broadcast %add3A_473 : f32 to vector<16xf32>
      %add3A_475 = arith.addf %exp3A_472, %add3A_474 : vector<16xf32>
      %div3A_476 = arith.divf %exp3A_472, %add3A_475 : vector<16xf32>
      %mul3A_477 = arith.mulf %div3A_476, %div3A_476 : vector<16xf32>
      %mul3A_478 = arith.constant 2.000000e+00 : f32
      %mul3A_479 = vector.broadcast %mul3A_478 : f32 to vector<16xf32>
      %mul3A_480 = arith.mulf %mul3A_479, %div3A_476 : vector<16xf32>
      %mul3A_481 = arith.constant 0.111111112 : f32
      %mul3A_482 = vector.broadcast %mul3A_481 : f32 to vector<16xf32>
      %mul3A_483 = arith.mulf %mul3A_477, %mul3A_482 : vector<16xf32>
      %add3A_484 = arith.constant 0.142857149 : f32
      %add3A_485 = vector.broadcast %add3A_484 : f32 to vector<16xf32>
      %add3A_486 = arith.addf %add3A_485, %mul3A_483 : vector<16xf32>
      %mul3A_487 = arith.mulf %mul3A_477, %add3A_486 : vector<16xf32>
      %add3A_488 = arith.constant 2.000000e-01 : f32
      %add3A_489 = vector.broadcast %add3A_488 : f32 to vector<16xf32>
      %add3A_490 = arith.addf %add3A_489, %mul3A_487 : vector<16xf32>
      %mul3A_491 = arith.mulf %mul3A_477, %add3A_490 : vector<16xf32>
      %add3A_492 = arith.constant 0.333333343 : f32
      %add3A_493 = vector.broadcast %add3A_492 : f32 to vector<16xf32>
      %add3A_494 = arith.addf %add3A_493, %mul3A_491 : vector<16xf32>
      %mul3A_495 = arith.mulf %mul3A_477, %add3A_494 : vector<16xf32>
      %add3A_496 = arith.constant 1.000000e+00 : f32
      %add3A_497 = vector.broadcast %add3A_496 : f32 to vector<16xf32>
      %add3A_498 = arith.addf %add3A_497, %mul3A_495 : vector<16xf32>
      %mul3A_499 = arith.mulf %mul3A_480, %add3A_498 : vector<16xf32>
      %max3A_500 = arith.constant 0.000000e+00 : f32
      %max3A_501 = vector.broadcast %max3A_500 : f32 to vector<16xf32>
      %max3A_502 = arith.maximumf %sub3A_467, %max3A_501 : vector<16xf32>
      %add3A_503 = arith.addf %max3A_502, %mul3A_499 : vector<16xf32>
      %jit3A_504 = arith.constant 1.19209304E-7 : f32
      %jit3A_505 = arith.constant 16.1180954 : f32
      %max3A_506 = vector.broadcast %jit3A_504 : f32 to vector<16xf32>
      %max3A_507 = arith.maximumf %max3A_506, %add3A_503 : vector<16xf32>
      %min3A_508 = vector.broadcast %jit3A_505 : f32 to vector<16xf32>
      %min3A_509 = arith.minimumf %min3A_508, %max3A_507 : vector<16xf32>
      %mul3A_510 = arith.constant 256 : i32
      %mul3A_511 = vector.broadcast %mul3A_510 : i32 to vector<16xi32>
      %mul3A_512 = arith.muli %iota3A, %mul3A_511 : vector<16xi32>
      %add3A_513 = arith.addi %mul3A_512, %get3A_457 : vector<16xi32>
      tpu.vector_store_idx %arg9[%add3A_513], %min3A_509 masked %ge3A_452 {add = true} : memref<4096xf32, #tpu.memory_space<vmem>>[vector<16xi32>], vector<16xf32>, vector<16xi1>
      tpu.vector_store_idx %arg10[%add3A_513], %broadcast_in_dim3A_31 masked %ge3A_452 {add = true} : memref<4096xf32, #tpu.memory_space<vmem>>[vector<16xi32>], vector<16xf32>, vector<16xi1>
      %while3A_514 = arith.constant 0 : i32
      scf.yield %while3A_514 : i32
    }
    %scan3A_71 = arith.constant 0 : i32
    %scan3A_72 = arith.constant 0 : i32
    %scan3A_73 = arith.constant 16 : i32
    %scan3A_74 = arith.addi %scan3A_72, %scan3A_73 : i32
    %scan3A_75 = arith.constant 1 : i32
    %scan3A_76 = scf.for %scan3A_82 = %scan3A_72 to %scan3A_74 step %scan3A_75 iter_args(%scan3A_83 = %scan3A_71) -> (i32)  : i32 {
      %mul3A_84 = arith.constant 16 : i32
      %mul3A_85 = arith.muli %scan3A_82, %mul3A_84 : i32
      %add3A_86 = arith.constant 0 : i32
      %add3A_87 = arith.addi %add3A_86, %mul3A_85 : i32
      %get3A = arith.index_cast %add3A_87 : i32 to index
      %get3A_88 = tpu.vector_load %arg9[%get3A] {strides = array<i32>} : memref<4096xf32, #tpu.memory_space<vmem>>, vector<16xf32>,
      %add3A_89 = arith.addf %broadcast_in_dim3A_29, %get3A_88 : vector<16xf32>
      %mul3A_90 = arith.constant 16 : i32
      %mul3A_91 = arith.muli %scan3A_82, %mul3A_90 : i32
      %add3A_92 = arith.constant 0 : i32
      %add3A_93 = arith.addi %add3A_92, %mul3A_91 : i32
      %get3A_94 = arith.index_cast %add3A_93 : i32 to index
      %get3A_95 = tpu.vector_load %arg10[%get3A_94] {strides = array<i32>} : memref<4096xf32, #tpu.memory_space<vmem>>, vector<16xf32>,
      %add3A_96 = arith.addf %broadcast_in_dim3A_29, %get3A_95 : vector<16xf32>
      %mul3A_97 = arith.constant 16 : i32
      %mul3A_98 = arith.muli %scan3A_82, %mul3A_97 : i32
      %add3A_99 = arith.constant 256 : i32
      %add3A_100 = arith.addi %add3A_99, %mul3A_98 : i32
      %get3A_101 = arith.index_cast %add3A_100 : i32 to index
      %get3A_102 = tpu.vector_load %arg9[%get3A_101] {strides = array<i32>} : memref<4096xf32, #tpu.memory_space<vmem>>, vector<16xf32>,
      %add3A_103 = arith.addf %add3A_89, %get3A_102 : vector<16xf32>
      %mul3A_104 = arith.constant 16 : i32
      %mul3A_105 = arith.muli %scan3A_82, %mul3A_104 : i32
      %add3A_106 = arith.constant 256 : i32
      %add3A_107 = arith.addi %add3A_106, %mul3A_105 : i32
      %get3A_108 = arith.index_cast %add3A_107 : i32 to index
      %get3A_109 = tpu.vector_load %arg10[%get3A_108] {strides = array<i32>} : memref<4096xf32, #tpu.memory_space<vmem>>, vector<16xf32>,
      %add3A_110 = arith.addf %add3A_96, %get3A_109 : vector<16xf32>
      %mul3A_111 = arith.constant 16 : i32
      %mul3A_112 = arith.muli %scan3A_82, %mul3A_111 : i32
      %add3A_113 = arith.constant 512 : i32
      %add3A_114 = arith.addi %add3A_113, %mul3A_112 : i32
      %get3A_115 = arith.index_cast %add3A_114 : i32 to index
      %get3A_116 = tpu.vector_load %arg9[%get3A_115] {strides = array<i32>} : memref<4096xf32, #tpu.memory_space<vmem>>, vector<16xf32>,
      %add3A_117 = arith.addf %add3A_103, %get3A_116 : vector<16xf32>
      %mul3A_118 = arith.constant 16 : i32
      %mul3A_119 = arith.muli %scan3A_82, %mul3A_118 : i32
      %add3A_120 = arith.constant 512 : i32
      %add3A_121 = arith.addi %add3A_120, %mul3A_119 : i32
      %get3A_122 = arith.index_cast %add3A_121 : i32 to index
      %get3A_123 = tpu.vector_load %arg10[%get3A_122] {strides = array<i32>} : memref<4096xf32, #tpu.memory_space<vmem>>, vector<16xf32>,
      %add3A_124 = arith.addf %add3A_110, %get3A_123 : vector<16xf32>
      %mul3A_125 = arith.constant 16 : i32
      %mul3A_126 = arith.muli %scan3A_82, %mul3A_125 : i32
      %add3A_127 = arith.constant 768 : i32
      %add3A_128 = arith.addi %add3A_127, %mul3A_126 : i32
      %get3A_129 = arith.index_cast %add3A_128 : i32 to index
      %get3A_130 = tpu.vector_load %arg9[%get3A_129] {strides = array<i32>} : memref<4096xf32, #tpu.memory_space<vmem>>, vector<16xf32>,
      %add3A_131 = arith.addf %add3A_117, %get3A_130 : vector<16xf32>
      %mul3A_132 = arith.constant 16 : i32
      %mul3A_133 = arith.muli %scan3A_82, %mul3A_132 : i32
      %add3A_134 = arith.constant 768 : i32
      %add3A_135 = arith.addi %add3A_134, %mul3A_133 : i32
      %get3A_136 = arith.index_cast %add3A_135 : i32 to index
      %get3A_137 = tpu.vector_load %arg10[%get3A_136] {strides = array<i32>} : memref<4096xf32, #tpu.memory_space<vmem>>, vector<16xf32>,
      %add3A_138 = arith.addf %add3A_124, %get3A_137 : vector<16xf32>
      %mul3A_139 = arith.constant 16 : i32
      %mul3A_140 = arith.muli %scan3A_82, %mul3A_139 : i32
      %add3A_141 = arith.constant 1024 : i32
      %add3A_142 = arith.addi %add3A_141, %mul3A_140 : i32
      %get3A_143 = arith.index_cast %add3A_142 : i32 to index
      %get3A_144 = tpu.vector_load %arg9[%get3A_143] {strides = array<i32>} : memref<4096xf32, #tpu.memory_space<vmem>>, vector<16xf32>,
      %add3A_145 = arith.addf %add3A_131, %get3A_144 : vector<16xf32>
      %mul3A_146 = arith.constant 16 : i32
      %mul3A_147 = arith.muli %scan3A_82, %mul3A_146 : i32
      %add3A_148 = arith.constant 1024 : i32
      %add3A_149 = arith.addi %add3A_148, %mul3A_147 : i32
      %get3A_150 = arith.index_cast %add3A_149 : i32 to index
      %get3A_151 = tpu.vector_load %arg10[%get3A_150] {strides = array<i32>} : memref<4096xf32, #tpu.memory_space<vmem>>, vector<16xf32>,
      %add3A_152 = arith.addf %add3A_138, %get3A_151 : vector<16xf32>
      %mul3A_153 = arith.constant 16 : i32
      %mul3A_154 = arith.muli %scan3A_82, %mul3A_153 : i32
      %add3A_155 = arith.constant 1280 : i32
      %add3A_156 = arith.addi %add3A_155, %mul3A_154 : i32
      %get3A_157 = arith.index_cast %add3A_156 : i32 to index
      %get3A_158 = tpu.vector_load %arg9[%get3A_157] {strides = array<i32>} : memref<4096xf32, #tpu.memory_space<vmem>>, vector<16xf32>,
      %add3A_159 = arith.addf %add3A_145, %get3A_158 : vector<16xf32>
      %mul3A_160 = arith.constant 16 : i32
      %mul3A_161 = arith.muli %scan3A_82, %mul3A_160 : i32
      %add3A_162 = arith.constant 1280 : i32
      %add3A_163 = arith.addi %add3A_162, %mul3A_161 : i32
      %get3A_164 = arith.index_cast %add3A_163 : i32 to index
      %get3A_165 = tpu.vector_load %arg10[%get3A_164] {strides = array<i32>} : memref<4096xf32, #tpu.memory_space<vmem>>, vector<16xf32>,
      %add3A_166 = arith.addf %add3A_152, %get3A_165 : vector<16xf32>
      %mul3A_167 = arith.constant 16 : i32
      %mul3A_168 = arith.muli %scan3A_82, %mul3A_167 : i32
      %add3A_169 = arith.constant 1536 : i32
      %add3A_170 = arith.addi %add3A_169, %mul3A_168 : i32
      %get3A_171 = arith.index_cast %add3A_170 : i32 to index
      %get3A_172 = tpu.vector_load %arg9[%get3A_171] {strides = array<i32>} : memref<4096xf32, #tpu.memory_space<vmem>>, vector<16xf32>,
      %add3A_173 = arith.addf %add3A_159, %get3A_172 : vector<16xf32>
      %mul3A_174 = arith.constant 16 : i32
      %mul3A_175 = arith.muli %scan3A_82, %mul3A_174 : i32
      %add3A_176 = arith.constant 1536 : i32
      %add3A_177 = arith.addi %add3A_176, %mul3A_175 : i32
      %get3A_178 = arith.index_cast %add3A_177 : i32 to index
      %get3A_179 = tpu.vector_load %arg10[%get3A_178] {strides = array<i32>} : memref<4096xf32, #tpu.memory_space<vmem>>, vector<16xf32>,
      %add3A_180 = arith.addf %add3A_166, %get3A_179 : vector<16xf32>
      %mul3A_181 = arith.constant 16 : i32
      %mul3A_182 = arith.muli %scan3A_82, %mul3A_181 : i32
      %add3A_183 = arith.constant 1792 : i32
      %add3A_184 = arith.addi %add3A_183, %mul3A_182 : i32
      %get3A_185 = arith.index_cast %add3A_184 : i32 to index
      %get3A_186 = tpu.vector_load %arg9[%get3A_185] {strides = array<i32>} : memref<4096xf32, #tpu.memory_space<vmem>>, vector<16xf32>,
      %add3A_187 = arith.addf %add3A_173, %get3A_186 : vector<16xf32>
      %mul3A_188 = arith.constant 16 : i32
      %mul3A_189 = arith.muli %scan3A_82, %mul3A_188 : i32
      %add3A_190 = arith.constant 1792 : i32
      %add3A_191 = arith.addi %add3A_190, %mul3A_189 : i32
      %get3A_192 = arith.index_cast %add3A_191 : i32 to index
      %get3A_193 = tpu.vector_load %arg10[%get3A_192] {strides = array<i32>} : memref<4096xf32, #tpu.memory_space<vmem>>, vector<16xf32>,
      %add3A_194 = arith.addf %add3A_180, %get3A_193 : vector<16xf32>
      %mul3A_195 = arith.constant 16 : i32
      %mul3A_196 = arith.muli %scan3A_82, %mul3A_195 : i32
      %add3A_197 = arith.constant 2048 : i32
      %add3A_198 = arith.addi %add3A_197, %mul3A_196 : i32
      %get3A_199 = arith.index_cast %add3A_198 : i32 to index
      %get3A_200 = tpu.vector_load %arg9[%get3A_199] {strides = array<i32>} : memref<4096xf32, #tpu.memory_space<vmem>>, vector<16xf32>,
      %add3A_201 = arith.addf %add3A_187, %get3A_200 : vector<16xf32>
      %mul3A_202 = arith.constant 16 : i32
      %mul3A_203 = arith.muli %scan3A_82, %mul3A_202 : i32
      %add3A_204 = arith.constant 2048 : i32
      %add3A_205 = arith.addi %add3A_204, %mul3A_203 : i32
      %get3A_206 = arith.index_cast %add3A_205 : i32 to index
      %get3A_207 = tpu.vector_load %arg10[%get3A_206] {strides = array<i32>} : memref<4096xf32, #tpu.memory_space<vmem>>, vector<16xf32>,
      %add3A_208 = arith.addf %add3A_194, %get3A_207 : vector<16xf32>
      %mul3A_209 = arith.constant 16 : i32
      %mul3A_210 = arith.muli %scan3A_82, %mul3A_209 : i32
      %add3A_211 = arith.constant 2304 : i32
      %add3A_212 = arith.addi %add3A_211, %mul3A_210 : i32
      %get3A_213 = arith.index_cast %add3A_212 : i32 to index
      %get3A_214 = tpu.vector_load %arg9[%get3A_213] {strides = array<i32>} : memref<4096xf32, #tpu.memory_space<vmem>>, vector<16xf32>,
      %add3A_215 = arith.addf %add3A_201, %get3A_214 : vector<16xf32>
      %mul3A_216 = arith.constant 16 : i32
      %mul3A_217 = arith.muli %scan3A_82, %mul3A_216 : i32
      %add3A_218 = arith.constant 2304 : i32
      %add3A_219 = arith.addi %add3A_218, %mul3A_217 : i32
      %get3A_220 = arith.index_cast %add3A_219 : i32 to index
      %get3A_221 = tpu.vector_load %arg10[%get3A_220] {strides = array<i32>} : memref<4096xf32, #tpu.memory_space<vmem>>, vector<16xf32>,
      %add3A_222 = arith.addf %add3A_208, %get3A_221 : vector<16xf32>
      %mul3A_223 = arith.constant 16 : i32
      %mul3A_224 = arith.muli %scan3A_82, %mul3A_223 : i32
      %add3A_225 = arith.constant 2560 : i32
      %add3A_226 = arith.addi %add3A_225, %mul3A_224 : i32
      %get3A_227 = arith.index_cast %add3A_226 : i32 to index
      %get3A_228 = tpu.vector_load %arg9[%get3A_227] {strides = array<i32>} : memref<4096xf32, #tpu.memory_space<vmem>>, vector<16xf32>,
      %add3A_229 = arith.addf %add3A_215, %get3A_228 : vector<16xf32>
      %mul3A_230 = arith.constant 16 : i32
      %mul3A_231 = arith.muli %scan3A_82, %mul3A_230 : i32
      %add3A_232 = arith.constant 2560 : i32
      %add3A_233 = arith.addi %add3A_232, %mul3A_231 : i32
      %get3A_234 = arith.index_cast %add3A_233 : i32 to index
      %get3A_235 = tpu.vector_load %arg10[%get3A_234] {strides = array<i32>} : memref<4096xf32, #tpu.memory_space<vmem>>, vector<16xf32>,
      %add3A_236 = arith.addf %add3A_222, %get3A_235 : vector<16xf32>
      %mul3A_237 = arith.constant 16 : i32
      %mul3A_238 = arith.muli %scan3A_82, %mul3A_237 : i32
      %add3A_239 = arith.constant 2816 : i32
      %add3A_240 = arith.addi %add3A_239, %mul3A_238 : i32
      %get3A_241 = arith.index_cast %add3A_240 : i32 to index
      %get3A_242 = tpu.vector_load %arg9[%get3A_241] {strides = array<i32>} : memref<4096xf32, #tpu.memory_space<vmem>>, vector<16xf32>,
      %add3A_243 = arith.addf %add3A_229, %get3A_242 : vector<16xf32>
      %mul3A_244 = arith.constant 16 : i32
      %mul3A_245 = arith.muli %scan3A_82, %mul3A_244 : i32
      %add3A_246 = arith.constant 2816 : i32
      %add3A_247 = arith.addi %add3A_246, %mul3A_245 : i32
      %get3A_248 = arith.index_cast %add3A_247 : i32 to index
      %get3A_249 = tpu.vector_load %arg10[%get3A_248] {strides = array<i32>} : memref<4096xf32, #tpu.memory_space<vmem>>, vector<16xf32>,
      %add3A_250 = arith.addf %add3A_236, %get3A_249 : vector<16xf32>
      %mul3A_251 = arith.constant 16 : i32
      %mul3A_252 = arith.muli %scan3A_82, %mul3A_251 : i32
      %add3A_253 = arith.constant 3072 : i32
      %add3A_254 = arith.addi %add3A_253, %mul3A_252 : i32
      %get3A_255 = arith.index_cast %add3A_254 : i32 to index
      %get3A_256 = tpu.vector_load %arg9[%get3A_255] {strides = array<i32>} : memref<4096xf32, #tpu.memory_space<vmem>>, vector<16xf32>,
      %add3A_257 = arith.addf %add3A_243, %get3A_256 : vector<16xf32>
      %mul3A_258 = arith.constant 16 : i32
      %mul3A_259 = arith.muli %scan3A_82, %mul3A_258 : i32
      %add3A_260 = arith.constant 3072 : i32
      %add3A_261 = arith.addi %add3A_260, %mul3A_259 : i32
      %get3A_262 = arith.index_cast %add3A_261 : i32 to index
      %get3A_263 = tpu.vector_load %arg10[%get3A_262] {strides = array<i32>} : memref<4096xf32, #tpu.memory_space<vmem>>, vector<16xf32>,
      %add3A_264 = arith.addf %add3A_250, %get3A_263 : vector<16xf32>
      %mul3A_265 = arith.constant 16 : i32
      %mul3A_266 = arith.muli %scan3A_82, %mul3A_265 : i32
      %add3A_267 = arith.constant 3328 : i32
      %add3A_268 = arith.addi %add3A_267, %mul3A_266 : i32
      %get3A_269 = arith.index_cast %add3A_268 : i32 to index
      %get3A_270 = tpu.vector_load %arg9[%get3A_269] {strides = array<i32>} : memref<4096xf32, #tpu.memory_space<vmem>>, vector<16xf32>,
      %add3A_271 = arith.addf %add3A_257, %get3A_270 : vector<16xf32>
      %mul3A_272 = arith.constant 16 : i32
      %mul3A_273 = arith.muli %scan3A_82, %mul3A_272 : i32
      %add3A_274 = arith.constant 3328 : i32
      %add3A_275 = arith.addi %add3A_274, %mul3A_273 : i32
      %get3A_276 = arith.index_cast %add3A_275 : i32 to index
      %get3A_277 = tpu.vector_load %arg10[%get3A_276] {strides = array<i32>} : memref<4096xf32, #tpu.memory_space<vmem>>, vector<16xf32>,
      %add3A_278 = arith.addf %add3A_264, %get3A_277 : vector<16xf32>
      %mul3A_279 = arith.constant 16 : i32
      %mul3A_280 = arith.muli %scan3A_82, %mul3A_279 : i32
      %add3A_281 = arith.constant 3584 : i32
      %add3A_282 = arith.addi %add3A_281, %mul3A_280 : i32
      %get3A_283 = arith.index_cast %add3A_282 : i32 to index
      %get3A_284 = tpu.vector_load %arg9[%get3A_283] {strides = array<i32>} : memref<4096xf32, #tpu.memory_space<vmem>>, vector<16xf32>,
      %add3A_285 = arith.addf %add3A_271, %get3A_284 : vector<16xf32>
      %mul3A_286 = arith.constant 16 : i32
      %mul3A_287 = arith.muli %scan3A_82, %mul3A_286 : i32
      %add3A_288 = arith.constant 3584 : i32
      %add3A_289 = arith.addi %add3A_288, %mul3A_287 : i32
      %get3A_290 = arith.index_cast %add3A_289 : i32 to index
      %get3A_291 = tpu.vector_load %arg10[%get3A_290] {strides = array<i32>} : memref<4096xf32, #tpu.memory_space<vmem>>, vector<16xf32>,
      %add3A_292 = arith.addf %add3A_278, %get3A_291 : vector<16xf32>
      %mul3A_293 = arith.constant 16 : i32
      %mul3A_294 = arith.muli %scan3A_82, %mul3A_293 : i32
      %add3A_295 = arith.constant 3840 : i32
      %add3A_296 = arith.addi %add3A_295, %mul3A_294 : i32
      %get3A_297 = arith.index_cast %add3A_296 : i32 to index
      %get3A_298 = tpu.vector_load %arg9[%get3A_297] {strides = array<i32>} : memref<4096xf32, #tpu.memory_space<vmem>>, vector<16xf32>,
      %add3A_299 = arith.addf %add3A_285, %get3A_298 : vector<16xf32>
      %mul3A_300 = arith.constant 16 : i32
      %mul3A_301 = arith.muli %scan3A_82, %mul3A_300 : i32
      %add3A_302 = arith.constant 3840 : i32
      %add3A_303 = arith.addi %add3A_302, %mul3A_301 : i32
      %get3A_304 = arith.index_cast %add3A_303 : i32 to index
      %get3A_305 = tpu.vector_load %arg10[%get3A_304] {strides = array<i32>} : memref<4096xf32, #tpu.memory_space<vmem>>, vector<16xf32>,
      %add3A_306 = arith.addf %add3A_292, %get3A_305 : vector<16xf32>
      %mul3A_307 = arith.constant 16 : i32
      %mul3A_308 = arith.muli %scan3A_82, %mul3A_307 : i32
      %swap3A = arith.index_cast %mul3A_308 : i32 to index
      %swap3A_309 = tpu.vector_load %arg11[%swap3A] {strides = array<i32>} : memref<512xf32, #tpu.memory_space<vmem>>, vector<16xf32>,
      tpu.vector_store %arg11[%swap3A], %add3A_299 {strides = array<i32>} : memref<512xf32, #tpu.memory_space<vmem>>, vector<16xf32>,
      %mul3A_310 = arith.constant 16 : i32
      %mul3A_311 = arith.muli %scan3A_82, %mul3A_310 : i32
      %add3A_312 = arith.constant 256 : i32
      %add3A_313 = arith.addi %add3A_312, %mul3A_311 : i32
      %swap3A_314 = arith.index_cast %add3A_313 : i32 to index
      %swap3A_315 = tpu.vector_load %arg11[%swap3A_314] {strides = array<i32>} : memref<512xf32, #tpu.memory_space<vmem>>, vector<16xf32>,
      tpu.vector_store %arg11[%swap3A_314], %add3A_306 {strides = array<i32>} : memref<512xf32, #tpu.memory_space<vmem>>, vector<16xf32>,
      %scan3A_316 = arith.constant 0 : i32
      scf.yield %scan3A_316 : i32
    }
    %scan3A_77 = arith.constant 16 : i32
    %mul3A_78 = arith.constant 2 : i32
    %mul3A_79 = arith.muli %add3A, %mul3A_78 : i32
    %mul3A_80 = arith.constant 256 : i32
    %mul3A_81 = arith.muli %mul3A_79, %mul3A_80 : i32
    "tpu.region"() ({
      %run_scoped3A = tpu.sem_alloc : memref<!tpu.dma_semaphore, #tpu.memory_space<semaphore_mem>>
      %dma_start3A = tpu.memref_slice %arg5[%mul3A_81] : memref<16384xf32, #tpu.memory_space<hbm>> -> memref<512xf32, #tpu.memory_space<hbm>>
      %dma_start3A_82 = tpu.memref_slice %arg5[%mul3A_81] : memref<16384xf32, #tpu.memory_space<hbm>> -> memref<512xf32, #tpu.memory_space<hbm>>
      tpu.enqueue_dma source(%arg11 : memref<512xf32, #tpu.memory_space<vmem>>) target(%dma_start3A_82 : memref<512xf32, #tpu.memory_space<hbm>>) target_semaphore(%run_scoped3A : memref<!tpu.dma_semaphore, #tpu.memory_space<semaphore_mem>>)
      %dma_wait3A = tpu.memref_slice %arg5[%mul3A_81] : memref<16384xf32, #tpu.memory_space<hbm>> -> memref<512xf32, #tpu.memory_space<hbm>>
      %dma_wait3A_83 = tpu.memref_slice %arg5[%mul3A_81] : memref<16384xf32, #tpu.memory_space<hbm>> -> memref<512xf32, #tpu.memory_space<hbm>>
      tpu.wait_dma2 semaphore(%run_scoped3A : memref<!tpu.dma_semaphore, #tpu.memory_space<semaphore_mem>>) src(%arg11 : memref<512xf32, #tpu.memory_space<vmem>>) dst(%dma_wait3A_83 : memref<512xf32, #tpu.memory_space<hbm>>)
      tpu.yield
    }) : () -> ()
    return
  }
}

#map = affine_map<(d0, d1) -> (0)>
module attributes {stable_mosaic.version = 14 : i64} {
  func.func @k2(%arg0: i32, %arg1: i32, %arg2: memref<16384xf32, #tpu.memory_space<hbm>>, %arg3: memref<16xf32, #tpu.memory_space<hbm>>, %arg4: memref<16384xf32, #tpu.memory_space<vmem>>, %arg5: memref<16xf32, #tpu.memory_space<vmem>>) attributes {dimension_semantics = [#tpu.dimension_semantics<core_parallel>, #tpu.dimension_semantics<subcore_parallel>], iteration_bounds = array<i64: 2, 16>, scalar_prefetch = 0 : i64, scratch_operands = 2 : i64, tpu.core_type = #tpu.core_type<sc_vector_subcore>, window_params = [{transform_indices = #map}, {transform_indices = #map}]} {
    %mul3A = arith.constant 2 : i32
    %mul3A_0 = arith.muli %arg1, %mul3A : i32
    %add3A = arith.addi %mul3A_0, %arg0 : i32
    %eq3A = arith.constant 0 : i32
    %eq3A_1 = arith.cmpi eq, %add3A, %eq3A : i32
    %convert_element_type3A = arith.extui %eq3A_1 : i1 to i32
    %cond3A = arith.constant 0 : i32
    %cond3A_2 = arith.cmpi ne, %convert_element_type3A, %cond3A : i32
    scf.if %cond3A_2 {
      "tpu.region"() ({
        %run_scoped3A = tpu.sem_alloc : memref<!tpu.dma_semaphore, #tpu.memory_space<semaphore_mem>>
        tpu.enqueue_dma source(%arg2 : memref<16384xf32, #tpu.memory_space<hbm>>) target(%arg4 : memref<16384xf32, #tpu.memory_space<vmem>>) target_semaphore(%run_scoped3A : memref<!tpu.dma_semaphore, #tpu.memory_space<semaphore_mem>>)
        tpu.wait_dma2 semaphore(%run_scoped3A : memref<!tpu.dma_semaphore, #tpu.memory_space<semaphore_mem>>) src(%arg2 : memref<16384xf32, #tpu.memory_space<hbm>>) dst(%arg4 : memref<16384xf32, #tpu.memory_space<vmem>>)
        tpu.yield
      }) : () -> ()
      %broadcast_in_dim3A = arith.constant 0.000000e+00 : f32
      %broadcast_in_dim3A_3 = vector.broadcast %broadcast_in_dim3A : f32 to vector<16xf32>
      %broadcast_in_dim3A_4 = arith.constant 1.000000e+00 : f32
      %broadcast_in_dim3A_5 = vector.broadcast %broadcast_in_dim3A_4 : f32 to vector<16xf32>
      %scan3A = arith.constant 0 : i32
      %scan3A_6 = arith.constant 16 : i32
      %scan3A_7 = arith.addi %scan3A, %scan3A_6 : i32
      %scan3A_8 = arith.constant 1 : i32
      %scan3A_9:2 = scf.for %scan3A_25 = %scan3A to %scan3A_7 step %scan3A_8 iter_args(%scan3A_26 = %broadcast_in_dim3A_3, %scan3A_27 = %broadcast_in_dim3A_3) -> (vector<16xf32>, vector<16xf32>)  : i32 {
        %mul3A_28 = arith.constant 16 : i32
        %mul3A_29 = arith.muli %scan3A_25, %mul3A_28 : i32
        %add3A_30 = arith.constant 0 : i32
        %add3A_31 = arith.addi %add3A_30, %mul3A_29 : i32
        %get3A = arith.index_cast %add3A_31 : i32 to index
        %get3A_32 = tpu.vector_load %arg4[%get3A] {strides = array<i32>} : memref<16384xf32, #tpu.memory_space<vmem>>, vector<16xf32>,
        %add3A_33 = arith.addf %broadcast_in_dim3A_3, %get3A_32 : vector<16xf32>
        %mul3A_34 = arith.constant 16 : i32
        %mul3A_35 = arith.muli %scan3A_25, %mul3A_34 : i32
        %add3A_36 = arith.constant 256 : i32
        %add3A_37 = arith.addi %add3A_36, %mul3A_35 : i32
        %get3A_38 = arith.index_cast %add3A_37 : i32 to index
        %get3A_39 = tpu.vector_load %arg4[%get3A_38] {strides = array<i32>} : memref<16384xf32, #tpu.memory_space<vmem>>, vector<16xf32>,
        %add3A_40 = arith.addf %broadcast_in_dim3A_3, %get3A_39 : vector<16xf32>
        %mul3A_41 = arith.constant 16 : i32
        %mul3A_42 = arith.muli %scan3A_25, %mul3A_41 : i32
        %add3A_43 = arith.constant 512 : i32
        %add3A_44 = arith.addi %add3A_43, %mul3A_42 : i32
        %get3A_45 = arith.index_cast %add3A_44 : i32 to index
        %get3A_46 = tpu.vector_load %arg4[%get3A_45] {strides = array<i32>} : memref<16384xf32, #tpu.memory_space<vmem>>, vector<16xf32>,
        %add3A_47 = arith.addf %add3A_33, %get3A_46 : vector<16xf32>
        %mul3A_48 = arith.constant 16 : i32
        %mul3A_49 = arith.muli %scan3A_25, %mul3A_48 : i32
        %add3A_50 = arith.constant 768 : i32
        %add3A_51 = arith.addi %add3A_50, %mul3A_49 : i32
        %get3A_52 = arith.index_cast %add3A_51 : i32 to index
        %get3A_53 = tpu.vector_load %arg4[%get3A_52] {strides = array<i32>} : memref<16384xf32, #tpu.memory_space<vmem>>, vector<16xf32>,
        %add3A_54 = arith.addf %add3A_40, %get3A_53 : vector<16xf32>
        %mul3A_55 = arith.constant 16 : i32
        %mul3A_56 = arith.muli %scan3A_25, %mul3A_55 : i32
        %add3A_57 = arith.constant 1024 : i32
        %add3A_58 = arith.addi %add3A_57, %mul3A_56 : i32
        %get3A_59 = arith.index_cast %add3A_58 : i32 to index
        %get3A_60 = tpu.vector_load %arg4[%get3A_59] {strides = array<i32>} : memref<16384xf32, #tpu.memory_space<vmem>>, vector<16xf32>,
        %add3A_61 = arith.addf %add3A_47, %get3A_60 : vector<16xf32>
        %mul3A_62 = arith.constant 16 : i32
        %mul3A_63 = arith.muli %scan3A_25, %mul3A_62 : i32
        %add3A_64 = arith.constant 1280 : i32
        %add3A_65 = arith.addi %add3A_64, %mul3A_63 : i32
        %get3A_66 = arith.index_cast %add3A_65 : i32 to index
        %get3A_67 = tpu.vector_load %arg4[%get3A_66] {strides = array<i32>} : memref<16384xf32, #tpu.memory_space<vmem>>, vector<16xf32>,
        %add3A_68 = arith.addf %add3A_54, %get3A_67 : vector<16xf32>
        %mul3A_69 = arith.constant 16 : i32
        %mul3A_70 = arith.muli %scan3A_25, %mul3A_69 : i32
        %add3A_71 = arith.constant 1536 : i32
        %add3A_72 = arith.addi %add3A_71, %mul3A_70 : i32
        %get3A_73 = arith.index_cast %add3A_72 : i32 to index
        %get3A_74 = tpu.vector_load %arg4[%get3A_73] {strides = array<i32>} : memref<16384xf32, #tpu.memory_space<vmem>>, vector<16xf32>,
        %add3A_75 = arith.addf %add3A_61, %get3A_74 : vector<16xf32>
        %mul3A_76 = arith.constant 16 : i32
        %mul3A_77 = arith.muli %scan3A_25, %mul3A_76 : i32
        %add3A_78 = arith.constant 1792 : i32
        %add3A_79 = arith.addi %add3A_78, %mul3A_77 : i32
        %get3A_80 = arith.index_cast %add3A_79 : i32 to index
        %get3A_81 = tpu.vector_load %arg4[%get3A_80] {strides = array<i32>} : memref<16384xf32, #tpu.memory_space<vmem>>, vector<16xf32>,
        %add3A_82 = arith.addf %add3A_68, %get3A_81 : vector<16xf32>
        %mul3A_83 = arith.constant 16 : i32
        %mul3A_84 = arith.muli %scan3A_25, %mul3A_83 : i32
        %add3A_85 = arith.constant 2048 : i32
        %add3A_86 = arith.addi %add3A_85, %mul3A_84 : i32
        %get3A_87 = arith.index_cast %add3A_86 : i32 to index
        %get3A_88 = tpu.vector_load %arg4[%get3A_87] {strides = array<i32>} : memref<16384xf32, #tpu.memory_space<vmem>>, vector<16xf32>,
        %add3A_89 = arith.addf %add3A_75, %get3A_88 : vector<16xf32>
        %mul3A_90 = arith.constant 16 : i32
        %mul3A_91 = arith.muli %scan3A_25, %mul3A_90 : i32
        %add3A_92 = arith.constant 2304 : i32
        %add3A_93 = arith.addi %add3A_92, %mul3A_91 : i32
        %get3A_94 = arith.index_cast %add3A_93 : i32 to index
        %get3A_95 = tpu.vector_load %arg4[%get3A_94] {strides = array<i32>} : memref<16384xf32, #tpu.memory_space<vmem>>, vector<16xf32>,
        %add3A_96 = arith.addf %add3A_82, %get3A_95 : vector<16xf32>
        %mul3A_97 = arith.constant 16 : i32
        %mul3A_98 = arith.muli %scan3A_25, %mul3A_97 : i32
        %add3A_99 = arith.constant 2560 : i32
        %add3A_100 = arith.addi %add3A_99, %mul3A_98 : i32
        %get3A_101 = arith.index_cast %add3A_100 : i32 to index
        %get3A_102 = tpu.vector_load %arg4[%get3A_101] {strides = array<i32>} : memref<16384xf32, #tpu.memory_space<vmem>>, vector<16xf32>,
        %add3A_103 = arith.addf %add3A_89, %get3A_102 : vector<16xf32>
        %mul3A_104 = arith.constant 16 : i32
        %mul3A_105 = arith.muli %scan3A_25, %mul3A_104 : i32
        %add3A_106 = arith.constant 2816 : i32
        %add3A_107 = arith.addi %add3A_106, %mul3A_105 : i32
        %get3A_108 = arith.index_cast %add3A_107 : i32 to index
        %get3A_109 = tpu.vector_load %arg4[%get3A_108] {strides = array<i32>} : memref<16384xf32, #tpu.memory_space<vmem>>, vector<16xf32>,
        %add3A_110 = arith.addf %add3A_96, %get3A_109 : vector<16xf32>
        %mul3A_111 = arith.constant 16 : i32
        %mul3A_112 = arith.muli %scan3A_25, %mul3A_111 : i32
        %add3A_113 = arith.constant 3072 : i32
        %add3A_114 = arith.addi %add3A_113, %mul3A_112 : i32
        %get3A_115 = arith.index_cast %add3A_114 : i32 to index
        %get3A_116 = tpu.vector_load %arg4[%get3A_115] {strides = array<i32>} : memref<16384xf32, #tpu.memory_space<vmem>>, vector<16xf32>,
        %add3A_117 = arith.addf %add3A_103, %get3A_116 : vector<16xf32>
        %mul3A_118 = arith.constant 16 : i32
        %mul3A_119 = arith.muli %scan3A_25, %mul3A_118 : i32
        %add3A_120 = arith.constant 3328 : i32
        %add3A_121 = arith.addi %add3A_120, %mul3A_119 : i32
        %get3A_122 = arith.index_cast %add3A_121 : i32 to index
        %get3A_123 = tpu.vector_load %arg4[%get3A_122] {strides = array<i32>} : memref<16384xf32, #tpu.memory_space<vmem>>, vector<16xf32>,
        %add3A_124 = arith.addf %add3A_110, %get3A_123 : vector<16xf32>
        %mul3A_125 = arith.constant 16 : i32
        %mul3A_126 = arith.muli %scan3A_25, %mul3A_125 : i32
        %add3A_127 = arith.constant 3584 : i32
        %add3A_128 = arith.addi %add3A_127, %mul3A_126 : i32
        %get3A_129 = arith.index_cast %add3A_128 : i32 to index
        %get3A_130 = tpu.vector_load %arg4[%get3A_129] {strides = array<i32>} : memref<16384xf32, #tpu.memory_space<vmem>>, vector<16xf32>,
        %add3A_131 = arith.addf %add3A_117, %get3A_130 : vector<16xf32>
        %mul3A_132 = arith.constant 16 : i32
        %mul3A_133 = arith.muli %scan3A_25, %mul3A_132 : i32
        %add3A_134 = arith.constant 3840 : i32
        %add3A_135 = arith.addi %add3A_134, %mul3A_133 : i32
        %get3A_136 = arith.index_cast %add3A_135 : i32 to index
        %get3A_137 = tpu.vector_load %arg4[%get3A_136] {strides = array<i32>} : memref<16384xf32, #tpu.memory_space<vmem>>, vector<16xf32>,
        %add3A_138 = arith.addf %add3A_124, %get3A_137 : vector<16xf32>
        %mul3A_139 = arith.constant 16 : i32
        %mul3A_140 = arith.muli %scan3A_25, %mul3A_139 : i32
        %add3A_141 = arith.constant 4096 : i32
        %add3A_142 = arith.addi %add3A_141, %mul3A_140 : i32
        %get3A_143 = arith.index_cast %add3A_142 : i32 to index
        %get3A_144 = tpu.vector_load %arg4[%get3A_143] {strides = array<i32>} : memref<16384xf32, #tpu.memory_space<vmem>>, vector<16xf32>,
        %add3A_145 = arith.addf %add3A_131, %get3A_144 : vector<16xf32>
        %mul3A_146 = arith.constant 16 : i32
        %mul3A_147 = arith.muli %scan3A_25, %mul3A_146 : i32
        %add3A_148 = arith.constant 4352 : i32
        %add3A_149 = arith.addi %add3A_148, %mul3A_147 : i32
        %get3A_150 = arith.index_cast %add3A_149 : i32 to index
        %get3A_151 = tpu.vector_load %arg4[%get3A_150] {strides = array<i32>} : memref<16384xf32, #tpu.memory_space<vmem>>, vector<16xf32>,
        %add3A_152 = arith.addf %add3A_138, %get3A_151 : vector<16xf32>
        %mul3A_153 = arith.constant 16 : i32
        %mul3A_154 = arith.muli %scan3A_25, %mul3A_153 : i32
        %add3A_155 = arith.constant 4608 : i32
        %add3A_156 = arith.addi %add3A_155, %mul3A_154 : i32
        %get3A_157 = arith.index_cast %add3A_156 : i32 to index
        %get3A_158 = tpu.vector_load %arg4[%get3A_157] {strides = array<i32>} : memref<16384xf32, #tpu.memory_space<vmem>>, vector<16xf32>,
        %add3A_159 = arith.addf %add3A_145, %get3A_158 : vector<16xf32>
        %mul3A_160 = arith.constant 16 : i32
        %mul3A_161 = arith.muli %scan3A_25, %mul3A_160 : i32
        %add3A_162 = arith.constant 4864 : i32
        %add3A_163 = arith.addi %add3A_162, %mul3A_161 : i32
        %get3A_164 = arith.index_cast %add3A_163 : i32 to index
        %get3A_165 = tpu.vector_load %arg4[%get3A_164] {strides = array<i32>} : memref<16384xf32, #tpu.memory_space<vmem>>, vector<16xf32>,
        %add3A_166 = arith.addf %add3A_152, %get3A_165 : vector<16xf32>
        %mul3A_167 = arith.constant 16 : i32
        %mul3A_168 = arith.muli %scan3A_25, %mul3A_167 : i32
        %add3A_169 = arith.constant 5120 : i32
        %add3A_170 = arith.addi %add3A_169, %mul3A_168 : i32
        %get3A_171 = arith.index_cast %add3A_170 : i32 to index
        %get3A_172 = tpu.vector_load %arg4[%get3A_171] {strides = array<i32>} : memref<16384xf32, #tpu.memory_space<vmem>>, vector<16xf32>,
        %add3A_173 = arith.addf %add3A_159, %get3A_172 : vector<16xf32>
        %mul3A_174 = arith.constant 16 : i32
        %mul3A_175 = arith.muli %scan3A_25, %mul3A_174 : i32
        %add3A_176 = arith.constant 5376 : i32
        %add3A_177 = arith.addi %add3A_176, %mul3A_175 : i32
        %get3A_178 = arith.index_cast %add3A_177 : i32 to index
        %get3A_179 = tpu.vector_load %arg4[%get3A_178] {strides = array<i32>} : memref<16384xf32, #tpu.memory_space<vmem>>, vector<16xf32>,
        %add3A_180 = arith.addf %add3A_166, %get3A_179 : vector<16xf32>
        %mul3A_181 = arith.constant 16 : i32
        %mul3A_182 = arith.muli %scan3A_25, %mul3A_181 : i32
        %add3A_183 = arith.constant 5632 : i32
        %add3A_184 = arith.addi %add3A_183, %mul3A_182 : i32
        %get3A_185 = arith.index_cast %add3A_184 : i32 to index
        %get3A_186 = tpu.vector_load %arg4[%get3A_185] {strides = array<i32>} : memref<16384xf32, #tpu.memory_space<vmem>>, vector<16xf32>,
        %add3A_187 = arith.addf %add3A_173, %get3A_186 : vector<16xf32>
        %mul3A_188 = arith.constant 16 : i32
        %mul3A_189 = arith.muli %scan3A_25, %mul3A_188 : i32
        %add3A_190 = arith.constant 5888 : i32
        %add3A_191 = arith.addi %add3A_190, %mul3A_189 : i32
        %get3A_192 = arith.index_cast %add3A_191 : i32 to index
        %get3A_193 = tpu.vector_load %arg4[%get3A_192] {strides = array<i32>} : memref<16384xf32, #tpu.memory_space<vmem>>, vector<16xf32>,
        %add3A_194 = arith.addf %add3A_180, %get3A_193 : vector<16xf32>
        %mul3A_195 = arith.constant 16 : i32
        %mul3A_196 = arith.muli %scan3A_25, %mul3A_195 : i32
        %add3A_197 = arith.constant 6144 : i32
        %add3A_198 = arith.addi %add3A_197, %mul3A_196 : i32
        %get3A_199 = arith.index_cast %add3A_198 : i32 to index
        %get3A_200 = tpu.vector_load %arg4[%get3A_199] {strides = array<i32>} : memref<16384xf32, #tpu.memory_space<vmem>>, vector<16xf32>,
        %add3A_201 = arith.addf %add3A_187, %get3A_200 : vector<16xf32>
        %mul3A_202 = arith.constant 16 : i32
        %mul3A_203 = arith.muli %scan3A_25, %mul3A_202 : i32
        %add3A_204 = arith.constant 6400 : i32
        %add3A_205 = arith.addi %add3A_204, %mul3A_203 : i32
        %get3A_206 = arith.index_cast %add3A_205 : i32 to index
        %get3A_207 = tpu.vector_load %arg4[%get3A_206] {strides = array<i32>} : memref<16384xf32, #tpu.memory_space<vmem>>, vector<16xf32>,
        %add3A_208 = arith.addf %add3A_194, %get3A_207 : vector<16xf32>
        %mul3A_209 = arith.constant 16 : i32
        %mul3A_210 = arith.muli %scan3A_25, %mul3A_209 : i32
        %add3A_211 = arith.constant 6656 : i32
        %add3A_212 = arith.addi %add3A_211, %mul3A_210 : i32
        %get3A_213 = arith.index_cast %add3A_212 : i32 to index
        %get3A_214 = tpu.vector_load %arg4[%get3A_213] {strides = array<i32>} : memref<16384xf32, #tpu.memory_space<vmem>>, vector<16xf32>,
        %add3A_215 = arith.addf %add3A_201, %get3A_214 : vector<16xf32>
        %mul3A_216 = arith.constant 16 : i32
        %mul3A_217 = arith.muli %scan3A_25, %mul3A_216 : i32
        %add3A_218 = arith.constant 6912 : i32
        %add3A_219 = arith.addi %add3A_218, %mul3A_217 : i32
        %get3A_220 = arith.index_cast %add3A_219 : i32 to index
        %get3A_221 = tpu.vector_load %arg4[%get3A_220] {strides = array<i32>} : memref<16384xf32, #tpu.memory_space<vmem>>, vector<16xf32>,
        %add3A_222 = arith.addf %add3A_208, %get3A_221 : vector<16xf32>
        %mul3A_223 = arith.constant 16 : i32
        %mul3A_224 = arith.muli %scan3A_25, %mul3A_223 : i32
        %add3A_225 = arith.constant 7168 : i32
        %add3A_226 = arith.addi %add3A_225, %mul3A_224 : i32
        %get3A_227 = arith.index_cast %add3A_226 : i32 to index
        %get3A_228 = tpu.vector_load %arg4[%get3A_227] {strides = array<i32>} : memref<16384xf32, #tpu.memory_space<vmem>>, vector<16xf32>,
        %add3A_229 = arith.addf %add3A_215, %get3A_228 : vector<16xf32>
        %mul3A_230 = arith.constant 16 : i32
        %mul3A_231 = arith.muli %scan3A_25, %mul3A_230 : i32
        %add3A_232 = arith.constant 7424 : i32
        %add3A_233 = arith.addi %add3A_232, %mul3A_231 : i32
        %get3A_234 = arith.index_cast %add3A_233 : i32 to index
        %get3A_235 = tpu.vector_load %arg4[%get3A_234] {strides = array<i32>} : memref<16384xf32, #tpu.memory_space<vmem>>, vector<16xf32>,
        %add3A_236 = arith.addf %add3A_222, %get3A_235 : vector<16xf32>
        %mul3A_237 = arith.constant 16 : i32
        %mul3A_238 = arith.muli %scan3A_25, %mul3A_237 : i32
        %add3A_239 = arith.constant 7680 : i32
        %add3A_240 = arith.addi %add3A_239, %mul3A_238 : i32
        %get3A_241 = arith.index_cast %add3A_240 : i32 to index
        %get3A_242 = tpu.vector_load %arg4[%get3A_241] {strides = array<i32>} : memref<16384xf32, #tpu.memory_space<vmem>>, vector<16xf32>,
        %add3A_243 = arith.addf %add3A_229, %get3A_242 : vector<16xf32>
        %mul3A_244 = arith.constant 16 : i32
        %mul3A_245 = arith.muli %scan3A_25, %mul3A_244 : i32
        %add3A_246 = arith.constant 7936 : i32
        %add3A_247 = arith.addi %add3A_246, %mul3A_245 : i32
        %get3A_248 = arith.index_cast %add3A_247 : i32 to index
        %get3A_249 = tpu.vector_load %arg4[%get3A_248] {strides = array<i32>} : memref<16384xf32, #tpu.memory_space<vmem>>, vector<16xf32>,
        %add3A_250 = arith.addf %add3A_236, %get3A_249 : vector<16xf32>
        %mul3A_251 = arith.constant 16 : i32
        %mul3A_252 = arith.muli %scan3A_25, %mul3A_251 : i32
        %add3A_253 = arith.constant 8192 : i32
        %add3A_254 = arith.addi %add3A_253, %mul3A_252 : i32
        %get3A_255 = arith.index_cast %add3A_254 : i32 to index
        %get3A_256 = tpu.vector_load %arg4[%get3A_255] {strides = array<i32>} : memref<16384xf32, #tpu.memory_space<vmem>>, vector<16xf32>,
        %add3A_257 = arith.addf %add3A_243, %get3A_256 : vector<16xf32>
        %mul3A_258 = arith.constant 16 : i32
        %mul3A_259 = arith.muli %scan3A_25, %mul3A_258 : i32
        %add3A_260 = arith.constant 8448 : i32
        %add3A_261 = arith.addi %add3A_260, %mul3A_259 : i32
        %get3A_262 = arith.index_cast %add3A_261 : i32 to index
        %get3A_263 = tpu.vector_load %arg4[%get3A_262] {strides = array<i32>} : memref<16384xf32, #tpu.memory_space<vmem>>, vector<16xf32>,
        %add3A_264 = arith.addf %add3A_250, %get3A_263 : vector<16xf32>
        %mul3A_265 = arith.constant 16 : i32
        %mul3A_266 = arith.muli %scan3A_25, %mul3A_265 : i32
        %add3A_267 = arith.constant 8704 : i32
        %add3A_268 = arith.addi %add3A_267, %mul3A_266 : i32
        %get3A_269 = arith.index_cast %add3A_268 : i32 to index
        %get3A_270 = tpu.vector_load %arg4[%get3A_269] {strides = array<i32>} : memref<16384xf32, #tpu.memory_space<vmem>>, vector<16xf32>,
        %add3A_271 = arith.addf %add3A_257, %get3A_270 : vector<16xf32>
        %mul3A_272 = arith.constant 16 : i32
        %mul3A_273 = arith.muli %scan3A_25, %mul3A_272 : i32
        %add3A_274 = arith.constant 8960 : i32
        %add3A_275 = arith.addi %add3A_274, %mul3A_273 : i32
        %get3A_276 = arith.index_cast %add3A_275 : i32 to index
        %get3A_277 = tpu.vector_load %arg4[%get3A_276] {strides = array<i32>} : memref<16384xf32, #tpu.memory_space<vmem>>, vector<16xf32>,
        %add3A_278 = arith.addf %add3A_264, %get3A_277 : vector<16xf32>
        %mul3A_279 = arith.constant 16 : i32
        %mul3A_280 = arith.muli %scan3A_25, %mul3A_279 : i32
        %add3A_281 = arith.constant 9216 : i32
        %add3A_282 = arith.addi %add3A_281, %mul3A_280 : i32
        %get3A_283 = arith.index_cast %add3A_282 : i32 to index
        %get3A_284 = tpu.vector_load %arg4[%get3A_283] {strides = array<i32>} : memref<16384xf32, #tpu.memory_space<vmem>>, vector<16xf32>,
        %add3A_285 = arith.addf %add3A_271, %get3A_284 : vector<16xf32>
        %mul3A_286 = arith.constant 16 : i32
        %mul3A_287 = arith.muli %scan3A_25, %mul3A_286 : i32
        %add3A_288 = arith.constant 9472 : i32
        %add3A_289 = arith.addi %add3A_288, %mul3A_287 : i32
        %get3A_290 = arith.index_cast %add3A_289 : i32 to index
        %get3A_291 = tpu.vector_load %arg4[%get3A_290] {strides = array<i32>} : memref<16384xf32, #tpu.memory_space<vmem>>, vector<16xf32>,
        %add3A_292 = arith.addf %add3A_278, %get3A_291 : vector<16xf32>
        %mul3A_293 = arith.constant 16 : i32
        %mul3A_294 = arith.muli %scan3A_25, %mul3A_293 : i32
        %add3A_295 = arith.constant 9728 : i32
        %add3A_296 = arith.addi %add3A_295, %mul3A_294 : i32
        %get3A_297 = arith.index_cast %add3A_296 : i32 to index
        %get3A_298 = tpu.vector_load %arg4[%get3A_297] {strides = array<i32>} : memref<16384xf32, #tpu.memory_space<vmem>>, vector<16xf32>,
        %add3A_299 = arith.addf %add3A_285, %get3A_298 : vector<16xf32>
        %mul3A_300 = arith.constant 16 : i32
        %mul3A_301 = arith.muli %scan3A_25, %mul3A_300 : i32
        %add3A_302 = arith.constant 9984 : i32
        %add3A_303 = arith.addi %add3A_302, %mul3A_301 : i32
        %get3A_304 = arith.index_cast %add3A_303 : i32 to index
        %get3A_305 = tpu.vector_load %arg4[%get3A_304] {strides = array<i32>} : memref<16384xf32, #tpu.memory_space<vmem>>, vector<16xf32>,
        %add3A_306 = arith.addf %add3A_292, %get3A_305 : vector<16xf32>
        %mul3A_307 = arith.constant 16 : i32
        %mul3A_308 = arith.muli %scan3A_25, %mul3A_307 : i32
        %add3A_309 = arith.constant 10240 : i32
        %add3A_310 = arith.addi %add3A_309, %mul3A_308 : i32
        %get3A_311 = arith.index_cast %add3A_310 : i32 to index
        %get3A_312 = tpu.vector_load %arg4[%get3A_311] {strides = array<i32>} : memref<16384xf32, #tpu.memory_space<vmem>>, vector<16xf32>,
        %add3A_313 = arith.addf %add3A_299, %get3A_312 : vector<16xf32>
        %mul3A_314 = arith.constant 16 : i32
        %mul3A_315 = arith.muli %scan3A_25, %mul3A_314 : i32
        %add3A_316 = arith.constant 10496 : i32
        %add3A_317 = arith.addi %add3A_316, %mul3A_315 : i32
        %get3A_318 = arith.index_cast %add3A_317 : i32 to index
        %get3A_319 = tpu.vector_load %arg4[%get3A_318] {strides = array<i32>} : memref<16384xf32, #tpu.memory_space<vmem>>, vector<16xf32>,
        %add3A_320 = arith.addf %add3A_306, %get3A_319 : vector<16xf32>
        %mul3A_321 = arith.constant 16 : i32
        %mul3A_322 = arith.muli %scan3A_25, %mul3A_321 : i32
        %add3A_323 = arith.constant 10752 : i32
        %add3A_324 = arith.addi %add3A_323, %mul3A_322 : i32
        %get3A_325 = arith.index_cast %add3A_324 : i32 to index
        %get3A_326 = tpu.vector_load %arg4[%get3A_325] {strides = array<i32>} : memref<16384xf32, #tpu.memory_space<vmem>>, vector<16xf32>,
        %add3A_327 = arith.addf %add3A_313, %get3A_326 : vector<16xf32>
        %mul3A_328 = arith.constant 16 : i32
        %mul3A_329 = arith.muli %scan3A_25, %mul3A_328 : i32
        %add3A_330 = arith.constant 11008 : i32
        %add3A_331 = arith.addi %add3A_330, %mul3A_329 : i32
        %get3A_332 = arith.index_cast %add3A_331 : i32 to index
        %get3A_333 = tpu.vector_load %arg4[%get3A_332] {strides = array<i32>} : memref<16384xf32, #tpu.memory_space<vmem>>, vector<16xf32>,
        %add3A_334 = arith.addf %add3A_320, %get3A_333 : vector<16xf32>
        %mul3A_335 = arith.constant 16 : i32
        %mul3A_336 = arith.muli %scan3A_25, %mul3A_335 : i32
        %add3A_337 = arith.constant 11264 : i32
        %add3A_338 = arith.addi %add3A_337, %mul3A_336 : i32
        %get3A_339 = arith.index_cast %add3A_338 : i32 to index
        %get3A_340 = tpu.vector_load %arg4[%get3A_339] {strides = array<i32>} : memref<16384xf32, #tpu.memory_space<vmem>>, vector<16xf32>,
        %add3A_341 = arith.addf %add3A_327, %get3A_340 : vector<16xf32>
        %mul3A_342 = arith.constant 16 : i32
        %mul3A_343 = arith.muli %scan3A_25, %mul3A_342 : i32
        %add3A_344 = arith.constant 11520 : i32
        %add3A_345 = arith.addi %add3A_344, %mul3A_343 : i32
        %get3A_346 = arith.index_cast %add3A_345 : i32 to index
        %get3A_347 = tpu.vector_load %arg4[%get3A_346] {strides = array<i32>} : memref<16384xf32, #tpu.memory_space<vmem>>, vector<16xf32>,
        %add3A_348 = arith.addf %add3A_334, %get3A_347 : vector<16xf32>
        %mul3A_349 = arith.constant 16 : i32
        %mul3A_350 = arith.muli %scan3A_25, %mul3A_349 : i32
        %add3A_351 = arith.constant 11776 : i32
        %add3A_352 = arith.addi %add3A_351, %mul3A_350 : i32
        %get3A_353 = arith.index_cast %add3A_352 : i32 to index
        %get3A_354 = tpu.vector_load %arg4[%get3A_353] {strides = array<i32>} : memref<16384xf32, #tpu.memory_space<vmem>>, vector<16xf32>,
        %add3A_355 = arith.addf %add3A_341, %get3A_354 : vector<16xf32>
        %mul3A_356 = arith.constant 16 : i32
        %mul3A_357 = arith.muli %scan3A_25, %mul3A_356 : i32
        %add3A_358 = arith.constant 12032 : i32
        %add3A_359 = arith.addi %add3A_358, %mul3A_357 : i32
        %get3A_360 = arith.index_cast %add3A_359 : i32 to index
        %get3A_361 = tpu.vector_load %arg4[%get3A_360] {strides = array<i32>} : memref<16384xf32, #tpu.memory_space<vmem>>, vector<16xf32>,
        %add3A_362 = arith.addf %add3A_348, %get3A_361 : vector<16xf32>
        %mul3A_363 = arith.constant 16 : i32
        %mul3A_364 = arith.muli %scan3A_25, %mul3A_363 : i32
        %add3A_365 = arith.constant 12288 : i32
        %add3A_366 = arith.addi %add3A_365, %mul3A_364 : i32
        %get3A_367 = arith.index_cast %add3A_366 : i32 to index
        %get3A_368 = tpu.vector_load %arg4[%get3A_367] {strides = array<i32>} : memref<16384xf32, #tpu.memory_space<vmem>>, vector<16xf32>,
        %add3A_369 = arith.addf %add3A_355, %get3A_368 : vector<16xf32>
        %mul3A_370 = arith.constant 16 : i32
        %mul3A_371 = arith.muli %scan3A_25, %mul3A_370 : i32
        %add3A_372 = arith.constant 12544 : i32
        %add3A_373 = arith.addi %add3A_372, %mul3A_371 : i32
        %get3A_374 = arith.index_cast %add3A_373 : i32 to index
        %get3A_375 = tpu.vector_load %arg4[%get3A_374] {strides = array<i32>} : memref<16384xf32, #tpu.memory_space<vmem>>, vector<16xf32>,
        %add3A_376 = arith.addf %add3A_362, %get3A_375 : vector<16xf32>
        %mul3A_377 = arith.constant 16 : i32
        %mul3A_378 = arith.muli %scan3A_25, %mul3A_377 : i32
        %add3A_379 = arith.constant 12800 : i32
        %add3A_380 = arith.addi %add3A_379, %mul3A_378 : i32
        %get3A_381 = arith.index_cast %add3A_380 : i32 to index
        %get3A_382 = tpu.vector_load %arg4[%get3A_381] {strides = array<i32>} : memref<16384xf32, #tpu.memory_space<vmem>>, vector<16xf32>,
        %add3A_383 = arith.addf %add3A_369, %get3A_382 : vector<16xf32>
        %mul3A_384 = arith.constant 16 : i32
        %mul3A_385 = arith.muli %scan3A_25, %mul3A_384 : i32
        %add3A_386 = arith.constant 13056 : i32
        %add3A_387 = arith.addi %add3A_386, %mul3A_385 : i32
        %get3A_388 = arith.index_cast %add3A_387 : i32 to index
        %get3A_389 = tpu.vector_load %arg4[%get3A_388] {strides = array<i32>} : memref<16384xf32, #tpu.memory_space<vmem>>, vector<16xf32>,
        %add3A_390 = arith.addf %add3A_376, %get3A_389 : vector<16xf32>
        %mul3A_391 = arith.constant 16 : i32
        %mul3A_392 = arith.muli %scan3A_25, %mul3A_391 : i32
        %add3A_393 = arith.constant 13312 : i32
        %add3A_394 = arith.addi %add3A_393, %mul3A_392 : i32
        %get3A_395 = arith.index_cast %add3A_394 : i32 to index
        %get3A_396 = tpu.vector_load %arg4[%get3A_395] {strides = array<i32>} : memref<16384xf32, #tpu.memory_space<vmem>>, vector<16xf32>,
        %add3A_397 = arith.addf %add3A_383, %get3A_396 : vector<16xf32>
        %mul3A_398 = arith.constant 16 : i32
        %mul3A_399 = arith.muli %scan3A_25, %mul3A_398 : i32
        %add3A_400 = arith.constant 13568 : i32
        %add3A_401 = arith.addi %add3A_400, %mul3A_399 : i32
        %get3A_402 = arith.index_cast %add3A_401 : i32 to index
        %get3A_403 = tpu.vector_load %arg4[%get3A_402] {strides = array<i32>} : memref<16384xf32, #tpu.memory_space<vmem>>, vector<16xf32>,
        %add3A_404 = arith.addf %add3A_390, %get3A_403 : vector<16xf32>
        %mul3A_405 = arith.constant 16 : i32
        %mul3A_406 = arith.muli %scan3A_25, %mul3A_405 : i32
        %add3A_407 = arith.constant 13824 : i32
        %add3A_408 = arith.addi %add3A_407, %mul3A_406 : i32
        %get3A_409 = arith.index_cast %add3A_408 : i32 to index
        %get3A_410 = tpu.vector_load %arg4[%get3A_409] {strides = array<i32>} : memref<16384xf32, #tpu.memory_space<vmem>>, vector<16xf32>,
        %add3A_411 = arith.addf %add3A_397, %get3A_410 : vector<16xf32>
        %mul3A_412 = arith.constant 16 : i32
        %mul3A_413 = arith.muli %scan3A_25, %mul3A_412 : i32
        %add3A_414 = arith.constant 14080 : i32
        %add3A_415 = arith.addi %add3A_414, %mul3A_413 : i32
        %get3A_416 = arith.index_cast %add3A_415 : i32 to index
        %get3A_417 = tpu.vector_load %arg4[%get3A_416] {strides = array<i32>} : memref<16384xf32, #tpu.memory_space<vmem>>, vector<16xf32>,
        %add3A_418 = arith.addf %add3A_404, %get3A_417 : vector<16xf32>
        %mul3A_419 = arith.constant 16 : i32
        %mul3A_420 = arith.muli %scan3A_25, %mul3A_419 : i32
        %add3A_421 = arith.constant 14336 : i32
        %add3A_422 = arith.addi %add3A_421, %mul3A_420 : i32
        %get3A_423 = arith.index_cast %add3A_422 : i32 to index
        %get3A_424 = tpu.vector_load %arg4[%get3A_423] {strides = array<i32>} : memref<16384xf32, #tpu.memory_space<vmem>>, vector<16xf32>,
        %add3A_425 = arith.addf %add3A_411, %get3A_424 : vector<16xf32>
        %mul3A_426 = arith.constant 16 : i32
        %mul3A_427 = arith.muli %scan3A_25, %mul3A_426 : i32
        %add3A_428 = arith.constant 14592 : i32
        %add3A_429 = arith.addi %add3A_428, %mul3A_427 : i32
        %get3A_430 = arith.index_cast %add3A_429 : i32 to index
        %get3A_431 = tpu.vector_load %arg4[%get3A_430] {strides = array<i32>} : memref<16384xf32, #tpu.memory_space<vmem>>, vector<16xf32>,
        %add3A_432 = arith.addf %add3A_418, %get3A_431 : vector<16xf32>
        %mul3A_433 = arith.constant 16 : i32
        %mul3A_434 = arith.muli %scan3A_25, %mul3A_433 : i32
        %add3A_435 = arith.constant 14848 : i32
        %add3A_436 = arith.addi %add3A_435, %mul3A_434 : i32
        %get3A_437 = arith.index_cast %add3A_436 : i32 to index
        %get3A_438 = tpu.vector_load %arg4[%get3A_437] {strides = array<i32>} : memref<16384xf32, #tpu.memory_space<vmem>>, vector<16xf32>,
        %add3A_439 = arith.addf %add3A_425, %get3A_438 : vector<16xf32>
        %mul3A_440 = arith.constant 16 : i32
        %mul3A_441 = arith.muli %scan3A_25, %mul3A_440 : i32
        %add3A_442 = arith.constant 15104 : i32
        %add3A_443 = arith.addi %add3A_442, %mul3A_441 : i32
        %get3A_444 = arith.index_cast %add3A_443 : i32 to index
        %get3A_445 = tpu.vector_load %arg4[%get3A_444] {strides = array<i32>} : memref<16384xf32, #tpu.memory_space<vmem>>, vector<16xf32>,
        %add3A_446 = arith.addf %add3A_432, %get3A_445 : vector<16xf32>
        %mul3A_447 = arith.constant 16 : i32
        %mul3A_448 = arith.muli %scan3A_25, %mul3A_447 : i32
        %add3A_449 = arith.constant 15360 : i32
        %add3A_450 = arith.addi %add3A_449, %mul3A_448 : i32
        %get3A_451 = arith.index_cast %add3A_450 : i32 to index
        %get3A_452 = tpu.vector_load %arg4[%get3A_451] {strides = array<i32>} : memref<16384xf32, #tpu.memory_space<vmem>>, vector<16xf32>,
        %add3A_453 = arith.addf %add3A_439, %get3A_452 : vector<16xf32>
        %mul3A_454 = arith.constant 16 : i32
        %mul3A_455 = arith.muli %scan3A_25, %mul3A_454 : i32
        %add3A_456 = arith.constant 15616 : i32
        %add3A_457 = arith.addi %add3A_456, %mul3A_455 : i32
        %get3A_458 = arith.index_cast %add3A_457 : i32 to index
        %get3A_459 = tpu.vector_load %arg4[%get3A_458] {strides = array<i32>} : memref<16384xf32, #tpu.memory_space<vmem>>, vector<16xf32>,
        %add3A_460 = arith.addf %add3A_446, %get3A_459 : vector<16xf32>
        %mul3A_461 = arith.constant 16 : i32
        %mul3A_462 = arith.muli %scan3A_25, %mul3A_461 : i32
        %add3A_463 = arith.constant 15872 : i32
        %add3A_464 = arith.addi %add3A_463, %mul3A_462 : i32
        %get3A_465 = arith.index_cast %add3A_464 : i32 to index
        %get3A_466 = tpu.vector_load %arg4[%get3A_465] {strides = array<i32>} : memref<16384xf32, #tpu.memory_space<vmem>>, vector<16xf32>,
        %add3A_467 = arith.addf %add3A_453, %get3A_466 : vector<16xf32>
        %mul3A_468 = arith.constant 16 : i32
        %mul3A_469 = arith.muli %scan3A_25, %mul3A_468 : i32
        %add3A_470 = arith.constant 16128 : i32
        %add3A_471 = arith.addi %add3A_470, %mul3A_469 : i32
        %get3A_472 = arith.index_cast %add3A_471 : i32 to index
        %get3A_473 = tpu.vector_load %arg4[%get3A_472] {strides = array<i32>} : memref<16384xf32, #tpu.memory_space<vmem>>, vector<16xf32>,
        %add3A_474 = arith.addf %add3A_460, %get3A_473 : vector<16xf32>
        %gt3A = arith.constant 0.000000e+00 : f32
        %gt3A_475 = vector.broadcast %gt3A : f32 to vector<16xf32>
        %gt3A_476 = arith.cmpf ogt, %add3A_474, %gt3A_475 : vector<16xf32>
        %max3A_477 = arith.constant 1.000000e+00 : f32
        %max3A_478 = vector.broadcast %max3A_477 : f32 to vector<16xf32>
        %max3A_479 = arith.maximumf %add3A_474, %max3A_478 : vector<16xf32>
        %div3A_480 = arith.divf %add3A_467, %max3A_479 : vector<16xf32>
        %select_n3A = arith.select %gt3A_476, %div3A_480, %broadcast_in_dim3A_3 : vector<16xi1>, vector<16xf32>
        %add3A_481 = arith.addf %scan3A_26, %select_n3A : vector<16xf32>
        %select_n3A_482 = arith.select %gt3A_476, %broadcast_in_dim3A_5, %broadcast_in_dim3A_3 : vector<16xi1>, vector<16xf32>
        %add3A_483 = arith.addf %scan3A_27, %select_n3A_482 : vector<16xf32>
        scf.yield %add3A_481, %add3A_483 : vector<16xf32>, vector<16xf32>
      }
      %scan3A_10 = arith.constant 16 : i32
      %reduce_sum3A = arith.constant true
      %reduce_sum3A_11 = vector.broadcast %reduce_sum3A : i1 to vector<16xi1>
      %reduce_sum3A_12 = tpu.scan <sum>, %scan3A_9#0 masked %reduce_sum3A_11 : vector<16xf32>, vector<16xi1> -> vector<16xf32>
      %reduce_sum3A_13 = vector.extract %reduce_sum3A_12[15] : f32 from vector<16xf32>
      %add3A_14 = vector.broadcast %reduce_sum3A_13 : f32 to vector<16xf32>
      %add3A_15 = arith.addf %broadcast_in_dim3A_3, %add3A_14 : vector<16xf32>
      %reduce_sum3A_16 = arith.constant true
      %reduce_sum3A_17 = vector.broadcast %reduce_sum3A_16 : i1 to vector<16xi1>
      %reduce_sum3A_18 = tpu.scan <sum>, %scan3A_9#1 masked %reduce_sum3A_17 : vector<16xf32>, vector<16xi1> -> vector<16xf32>
      %reduce_sum3A_19 = vector.extract %reduce_sum3A_18[15] : f32 from vector<16xf32>
      %add3A_20 = vector.broadcast %reduce_sum3A_19 : f32 to vector<16xf32>
      %add3A_21 = arith.addf %broadcast_in_dim3A_3, %add3A_20 : vector<16xf32>
      %max3A = arith.constant 1.000000e+00 : f32
      %max3A_22 = vector.broadcast %max3A : f32 to vector<16xf32>
      %max3A_23 = arith.maximumf %add3A_21, %max3A_22 : vector<16xf32>
      %div3A = arith.divf %add3A_15, %max3A_23 : vector<16xf32>
      %swap3A = arith.constant 0 : index
      %swap3A_24 = tpu.vector_load %arg5[%swap3A] {strides = array<i32>} : memref<16xf32, #tpu.memory_space<vmem>>, vector<16xf32>,
      tpu.vector_store %arg5[%swap3A], %div3A {strides = array<i32>} : memref<16xf32, #tpu.memory_space<vmem>>, vector<16xf32>,
      "tpu.region"() ({
        %run_scoped3A = tpu.sem_alloc : memref<!tpu.dma_semaphore, #tpu.memory_space<semaphore_mem>>
        tpu.enqueue_dma source(%arg5 : memref<16xf32, #tpu.memory_space<vmem>>) target(%arg3 : memref<16xf32, #tpu.memory_space<hbm>>) target_semaphore(%run_scoped3A : memref<!tpu.dma_semaphore, #tpu.memory_space<semaphore_mem>>)
        tpu.wait_dma2 semaphore(%run_scoped3A : memref<!tpu.dma_semaphore, #tpu.memory_space<semaphore_mem>>) src(%arg5 : memref<16xf32, #tpu.memory_space<vmem>>) dst(%arg3 : memref<16xf32, #tpu.memory_space<hbm>>)
        tpu.yield
      }) : () -> ()
    } else {
    }
    return
  }
}

</mosaic_0001>

<sc_bundles>
// kernel: kernel.4.cloned.1.call-start
scs
__scs_entry_jumppad:
0x0: {  	(pc) =	sbr.rel $0x88, $3  }
0x1: {  	(tag) =	ssettag $0x0;
	lr =	simm.s32 $0x1  }
0x2: {  	[smem:$0x3F9D] =	sst lr;
	_ =	strace $0xD0000000  }
0x3: {  	_ = 	snop  }
0x4: {  	_ = 	snop  }
0x5: {  	_ = 	snop  }
0x6: {  	_ = 	snop  }
0x7: {  	_ = 	snop  }
__scs_overlays_trampoline_lowered:
0x8: {  	[smem:$0x3FAC] =	sst s0  }
0x9: {  	[smem:$0x3FAD] =	sst s1  }
0xa: {  	[smem:$0x3FAE] =	sst s2  }
0xb: {  	[smem:$0x3FAF] =	sst s3  }
0xc: {  	[smem:$0x3FB0] =	sst s4  }
0xd: {  	[smem:$0x3FB1] =	sst s5  }
0xe: {  	[smem:$0x3FB2] =	sst s6  }
0xf: {  	[smem:$0x3FB3] =	sst s7  }
0x10: {  	[smem:$0x3FB4] =	sst s8  }
0x11: {  	[smem:$0x3FB5] =	sst s9;
	s0 =	simm.s32 @!p0 $0x0  }
0x12: {  	s1 =	sld [smem:$0x3F9B];
	s0 =	simm.s32 @p0 $0x1  }
0x13: {  	[smem:$0x3FB6] =	sst s0;
	s0 =	simm.s32 @!p1 $0x0  }
0x14: {  	s2 =	sld [smem:$0x3F9A];
	s0 =	simm.s32 @p1 $0x1  }
0x15: {  	[smem:$0x3FB7] =	sst s0;
	s0 =	simm.s32 @!p2 $0x0  }
0x16: {  	s3 =	sld [smem:$0x3FDB];
	s0 =	simm.s32 @p2 $0x1  }
0x17: {  	s4 =	simm.s32 $0x1BF5;
	[smem:$0x3FB9] =	sst s0  }
0x18: {  	s0 =	sld [smem:$0x3F9C];
	_ =	swait.ge [sflag:s4], $0x0  }
0x19: {  	s7 =	sld [smem:$0x3F9D]  }
0x1a: {  	s8 =	sadd.s32 $0xFFFFE003, lr  }
0x1b: {  	s9 =	sadd.s32 $0xFFFFFEF7, lr;
	s5 =	simm.s32 $0xFFFFFFFF;
	p2 =	slt.u32 s8, $0xFFFFF086  }
0x1c: {  	p1 =	slt.u32 s9, $0xF7A;
	s5 =	simm.s32 @!p2 $0x0  }
0x1d: {  	s5 =	simm.s32 @p1 $0x1;
	p0 =	seq.s32 s7, s2  }
0x1e: {  	s7 =	smul.u32 @!p0 $0xF7A, s2;
	p2 =	seq.s32 @!p0 s5, $0x0  }
0x1f: {  	s9 =	smul.u32 $0xF7A, s1;
	s8 =	simm.s32 @!p0 $0x1BF5;
	p2 =	por !p2, p0  }
0x20: {  	[sflag:s8] =	ssyncset.s32 @!p0 $0xFFFFF086;
	s6 =	sadd.s32 @!p0 s3, s7;
	s7 =	simm.s32 @!p0 $0x108  }
0x21: {  	s3 =	sadd.s32 s3, s9;
	s6 =	sadd.s32 @!p0 $0x88, s6;
	s7 =	simm.s32 @p2 $0x1082  }
0x22: {  	[simem:s7], [sflag:s8] =	dma.local @!p0 [hbm:s6], $0xF7A  }
0x23: {  	s9 =	sor.u32 $0xD0000000, s2;
	s6 =	simm.s32 $0x108;
	_ =	swait.ge @!p0 [sflag:s8], $0x0  }
0x24: {  	s3 =	sadd.s32 $0x88, s3;
	s6 =	simm.s32 @!p1 $0x1082;
	[sflag:s4] =	ssyncset.s32 $0xFFFFF086  }
0x25: {  	[simem:s6], [sflag:s4] =	dma.local [hbm:s3], $0xF7A  }
0x26: {  	[smem:$0x3F9D] =	sst s1;
	(tag) =	ssettag s2;
	_ =	strace s9  }
0x27: {  	s1 =	sld [smem:$0x3FAD]  }
0x28: {  	s2 =	sld [smem:$0x3FAE]  }
0x29: {  	s4 =	sld [smem:$0x3FB0]  }
0x2a: {  	p0 =	seq.s32 s5, $0x0;
	s5 =	sld [smem:$0x3FB1]  }
0x2b: {  	s6 =	sld [smem:$0x3FB2]  }
0x2c: {  	s7 =	sld [smem:$0x3FB3]  }
0x2d: {  	s3 =	simm.s32 $0x108;
	s8 =	sld [smem:$0x3FB4]  }
0x2e: {  	s3 =	simm.s32 @!p0 $0x1082;
	s9 =	sld [smem:$0x3FB5]  }
0x2f: {  	lr =	sadd.s32 s0, s3;
	s0 =	sld [smem:$0x3FAC]  }
0x30: {  	s3 =	sld [smem:$0x3FAF]  }
0x31: {  	[smem:$0x3FB8] =	sst s10  }
0x32: {  	s10 =	sld [smem:$0x3FB6];
	_ =	sdelay $0x3  }
0x33: {  	p0 =	seq.s32 s10, $0x1;
	s10 =	sld [smem:$0x3FB8];
	_ =	sdelay $0x3  }
0x34: {  	[smem:$0x3FB8] =	sst s10  }
0x35: {  	s10 =	sld [smem:$0x3FB7];
	_ =	sdelay $0x3  }
0x36: {  	p1 =	seq.s32 s10, $0x1;
	s10 =	sld [smem:$0x3FB8];
	_ =	sdelay $0x3  }
0x37: {  	[smem:$0x3FB8] =	sst s10  }
0x38: {  	s10 =	sld [smem:$0x3FB9]  }
0x39: {  	_ = 	snop;
	(pc) =	sbr.ind lr, $3  }
0x3a: {  	_ = 	snop  }
0x3b: {  	_ = 	snop  }
0x3c: {  	p2 =	seq.s32 s10, $0x1;
	s10 =	sld [smem:$0x3FB8]  }
0x3d: {  	_ =	shalt  }
0x3e: {  	_ =	shalt  }
0x3f: {  	_ =	shalt  }
0x40: {  	_ =	shalt  }
0x41: {  	_ =	shalt  }
0x42: {  	_ =	shalt  }
0x43: {  	_ =	shalt  }
0x44: {  	_ =	shalt  }
0x45: {  	_ =	shalt  }
0x46: {  	_ =	shalt  }
0x47: {  	_ =	shalt  }
0x48: {  	_ =	shalt  }
0x49: {  	_ =	shalt  }
0x4a: {  	_ =	shalt  }
0x4b: {  	_ =	shalt  }
0x4c: {  	_ =	shalt  }
0x4d: {  	_ =	shalt  }
0x4e: {  	_ =	shalt  }
0x4f: {  	_ =	shalt  }
0x50: {  	_ =	shalt  }
0x51: {  	_ =	shalt  }
0x52: {  	_ =	shalt  }
0x53: {  	_ =	shalt  }
0x54: {  	_ =	shalt  }
0x55: {  	_ =	shalt  }
0x56: {  	_ =	shalt  }
0x57: {  	_ =	shalt  }
0x58: {  	_ =	shalt  }
0x59: {  	_ =	shalt  }
0x5a: {  	_ =	shalt  }
0x5b: {  	_ =	shalt  }
0x5c: {  	_ =	shalt  }
0x5d: {  	_ =	shalt  }
0x5e: {  	_ =	shalt  }
0x5f: {  	_ =	shalt  }
0x60: {  	_ =	shalt  }
0x61: {  	_ =	shalt  }
0x62: {  	_ =	shalt  }
0x63: {  	_ =	shalt  }
0x64: {  	_ =	shalt  }
0x65: {  	_ =	shalt  }
0x66: {  	_ =	shalt  }
0x67: {  	_ =	shalt  }
0x68: {  	_ =	shalt  }
0x69: {  	_ =	shalt  }
0x6a: {  	_ =	shalt  }
0x6b: {  	_ =	shalt  }
0x6c: {  	_ =	shalt  }
0x6d: {  	_ =	shalt  }
0x6e: {  	_ =	shalt  }
0x6f: {  	_ =	shalt  }
0x70: {  	_ =	shalt  }
0x71: {  	_ =	shalt  }
0x72: {  	_ =	shalt  }
0x73: {  	_ =	shalt  }
0x74: {  	_ =	shalt  }
0x75: {  	_ =	shalt  }
0x76: {  	_ =	shalt  }
0x77: {  	_ =	shalt  }
0x78: {  	_ =	shalt  }
0x79: {  	_ =	shalt  }
0x7a: {  	_ =	shalt  }
0x7b: {  	_ =	shalt  }
0x7c: {  	_ =	shalt  }
0x7d: {  	_ =	shalt  }
0x7e: {  	_ =	shalt  }
0x7f: {  	_ =	shalt  }
0x80: {  	_ =	shalt  }
0x81: {  	_ =	shalt  }
0x82: {  	_ =	shalt  }
0x83: {  	_ =	shalt  }
0x84: {  	_ =	shalt  }
0x85: {  	_ =	shalt  }
0x86: {  	_ =	shalt  }
0x87: {  	_ =	shalt  }
.Lfunc_end0:
.L_simem_size_0:
called_computation_lowered:
.L_overlay_start_0:
0x88: {  	s2 =	sld [smem:$0x3FD9]  }
0x89: {  	s3 =	sld [smem:$0x3FFE];
	_ =	sdelay $0x1  }
0x8a: {  	s1 =	srdreg.scid  }
0x8b: {  	s0 =	sand.u32 $0x1, s1  }
0x8c: {  	s17 =	sshll.u32 s0, $0xA;
	s2 =	sadd.s32 s3, s2  }
0x8d: {  	s2 =	sadd.s32 s2, s17  }
0x8e: {  	[smem:$0x3FC4] =	sst s2  }
0x8f: {  	_ = 	snop  }
0x90: {  	s2 =	sld [smem:$0x3FC9]  }
0x91: {  	s18 =	sld [smem:$0x3FC8];
	(tm) =	ssettm $0x1  }
0x92: {  	s4 =	sld [smem:$0x3FFB];
	_ =	sdelay $0x3  }
0x93: {  	_ =	strace s4  }
0x94: {  	s4 =	sld [smem:$0x3FFC];
	_ =	sdelay $0x3  }
0x95: {  	_ =	strace s4  }
0x96: {  	s4 =	sld [smem:$0x3FFD];
	_ =	sdelay $0x3  }
0x97: {  	_ =	strace s4  }
0x98: {  	_ =	strace $0x8FFFFFFF  }
0x99: {  	s19 =	sld [smem:$0x3FDB];
	_ =	sdelay $0x1  }
0x9a: {  	s5 =	simm.s32 $_scs_section_size  }
0x9b: {  	s6 =	simm.s32 $_size__tile_overlayer_lowered;
	s7 =	simm.s32 $_tile_overlayer_lowered  }
0x9c: {  	s22 =	simm.s32 $0x1BFF;
	s21 =	sshll.u32 s7, $0x1;
	s4 =	sadd.s32 s5, s19  }
0x9d: {  	s8 =	simm.s32 $0x0;
	s20 =	sshll.u32 s6, $0x1;
	s6 =	sadd.s32 s21, s4  }
0x9e: {  	[timem:s8], [sflag:s22] =	dma.local [hbm:s6], s20  }
0x9f: {  	_ =	swait.ge [sflag:s22], s20  }
0xa0: {  	s5 =	ssub.s32 $0x0, s20;
	[sflag:s22] =	ssyncset.done $0x0  }
0xa1: {  	[sflag:s22] =	ssyncadd.s32 s5;
	_ =	sdelay $0x1  }
0xa2: {  	s23 =	simm.s32 $0x1B8B  }
0xa3: {  	_ =	swait.ge [sflag:s23], $0x1  }
0xa4: {  	[sflag:s23] =	ssyncset.done $0x0  }
0xa5: {  	s25 =	simm.s32 $0x1B8E;
	s24 =	sld [smem:$0x3FFE];
	[sflag:s23] =	ssyncadd.s32 $0xFFFFFFFF  }
0xa6: {  	s26 =	simm.s32 $execute0_lowered;
	[smem:$0x3FD2] =	sst s25  }
0xa7: {  	s6 =	sshll.u32 s26, $0x1;
	_ =	strace $0x80000046;
	[dreg:$0x1] =	wrdreg $0xFFFFFFFF  }
0xa8: {  	s28 =	simm.s32 $_size_execute0_lowered;
	s4 =	sadd.s32 s4, s6;
	[dreg:$0x0] =	wrdreg $0x0  }
0xa9: {  	s6 =	sshll.u32 s28, $0x1;
	[dreg:$0x2] =	wrdreg s4  }
0xaa: {  	[dreg:$0x3] =	wrdreg s6  }
0xab: {  	[dreg:$0x4] =	wrdreg $0xC0  }
0xac: {  	_ =	task [dreg:s8], $0x5FFFF  }
0xad: {  	[dreg:$0x1] =	wrdreg $0xFFFFFFFF  }
0xae: {  	[dreg:$0x0] =	wrdreg $0x60  }
0xaf: {  	[dreg:$0x2] =	wrdreg s2  }
0xb0: {  	[dreg:$0x3] =	wrdreg s18  }
0xb1: {  	[dreg:$0x4] =	wrdreg s24  }
0xb2: {  	[dreg:$0x5] =	wrdreg $0x9  }
0xb3: {  	_ =	task.clear_ibuf [dreg:s8], $0x6FFFF;
	_ =	strace $0x90000046  }
0xb4: {  	s29 =	simm.s32 $0x9;
	_ =	strace $0x80000048  }
0xb5: {  	_ =	swait.ge [sflag:s29], $0x1  }
0xb6: {  	[sflag:s29] =	ssyncadd.s32 $0xFFFFFFFF  }
0xb7: {  	_ =	strace $0x90000048  }
0xb8: {  	_ =	sfence  }
0xb9: {  	s30 =	sld [smem:$0x0];
	_ =	sdelay $0x2  }
0xba: {  	s31 =	sshll.u32 s1, $0xD;
	s1 =	sshrl.u32 s1, $0x2  }
0xbb: {  	s3 =	sand.u32 $0x4000, s31;
	s1 =	sadd.s32 s1, s30  }
0xbc: {  	s0 =	sor.u32 s3, s0;
	s1 =	sshll.u32 s1, $0x11  }
0xbd: {  	s0 =	sor.u32 s1, s0  }
0xbe: {  	s0 =	sadd.s32 $0x8F2B, s0  }
0xbf: {  	[sflag:s0] =	ssyncadd.remote.s32 $0x1  }
0xc0: {  	_ =	sfence.sel $0xFFFF  }
0xc1: {  	[dreg:$0x0] =	wrdreg $0xFFFFFFFF;
	(pc) =	sbr.abs _section_cstart, $3  }
0xc2: {  	[dreg:$0x1] =	wrdreg $0xFFFFFFFF  }
0xc3: {  	_ =	task.clear_ibuf [dreg:s8], $0x2FFFF;
	_ =	strace $0x9FFFFFFF  }
0xc4: {  	(tm) =	ssettm $0x7FFFFFFF  }
0xc5: {  	_ =	shalt  }
tec
execute0_lowered:
.L_overlay_start_1:
0x0: {  	(tag) =	ssettag $0x1  }
0x1: {  	v0 =	vimm.s32 $0xB80;
	vm14 =	vcmask $0x300  }
0x2: {  	vm13 =	vcmask $0x704;
	vm12 =	vcmask $0xB08;
	vm11 =	vcmask $0xF0C  }
0x3: {  	vm10 =	vcmask $0x1310;
	vm9 =	vcmask $0x1714;
	vm8 =	vcmask $0x1B18  }
0x4: {  	vm7 =	vcmask $0x1F1C;
	vm6 =	vcmask $0x2320;
	vm5 =	vcmask $0x2724  }
0x5: {  	vm4 =	vcmask $0x2B28;
	vm3 =	vcmask $0x2F2C;
	vm1 =	vcmask $0x3330  }
0x6: {  	vm0 =	vcmask $0x3734;
	vm2 =	vcmask $0x3B38;
	v3 =	vimm.f32 $1.000000000e+00  }
0x7: {  	v5 =	vimm.s32 $0x1B80;
	v6 =	vimm.s32 $0x2B80;
	v7 =	vimm.s32 $0x3B80  }
0x8: {  	v0 =	vsel vm14, $0x0, v0;
	v5 =	vsel vm14, $0x1000, v5;
	v6 =	vsel vm14, $0x2000, v6  }
0x9: {  	v7 =	vsel vm14, $0x3000, v7;
	v0 =	vsel vm13, $0x80, v0;
	v5 =	vsel vm13, $0x1080, v5  }
0xa: {  	v6 =	vsel vm13, $0x2080, v6;
	v7 =	vsel vm13, $0x3080, v7;
	v0 =	vsel vm12, $0x100, v0  }
0xb: {  	s0 =	rddreg [dreg:$0x0];
	v5 =	vsel vm12, $0x1100, v5;
	v6 =	vsel vm12, $0x2100, v6;
	v7 =	vsel vm12, $0x3100, v7  }
0xc: {  	s2 =	rddreg [dreg:$0x1];
	s1 =	srdreg.scid;
	v0 =	vsel vm11, $0x180, v0;
	v5 =	vsel vm11, $0x1180, v5;
	v6 =	vsel vm11, $0x2180, v6  }
0xd: {  	s19 =	stileid.u32;
	s5 =	rddreg [dreg:$0x2];
	s3 =	simm.s32 $0x0;
	v7 =	vsel vm11, $0x3180, v7;
	v0 =	vsel vm10, $0x200, v0;
	v5 =	vsel vm10, $0x1200, v5  }
0xe: {  	s20 =	simm.s32 $0x18C80;
	s29 =	simm.s32 $0x0;
	s26 =	smul.u32 $0xFFFFE790, s19;
	v6 =	vsel vm10, $0x2200, v6;
	v7 =	vsel vm10, $0x3200, v7;
	v0 =	vsel vm9, $0x280, v0  }
0xf: {  	s1 =	sand.u32 $0x1, s1;
	s4 =	sshll.u32 s19, $0x1;
	s31 =	smul.u32 $0x1870, s19;
	v5 =	vsel vm9, $0x1280, v5;
	v6 =	vsel vm9, $0x2280, v6;
	v7 =	vsel vm9, $0x3280, v7  }
0x10: {  	[smem:$0x7FF] =	sst s3;
	s6 =	sor.u32 s1, s4;
	s18 =	smul.u32 $0xFFFFF3C8, s1;
	v0 =	vsel vm8, $0x300, v0;
	v5 =	vsel vm8, $0x1300, v5;
	v6 =	vsel vm8, $0x2300, v6  }
0x11: {  	_ =	strace $0x80000047;
	s7 =	ssub.s32 $0x2, s1;
	s1 =	smul.u32 $0xC38, s1;
	v7 =	vsel vm8, $0x3300, v7;
	v0 =	vsel vm7, $0x380, v0;
	v5 =	vsel vm7, $0x1380, v5  }
0x12: {  	s19 =	simm.s32 $0x7;
	s4 =	sadd.s32 $0x800, s5;
	s14 =	smul.u32 $0xC38, s6;
	v6 =	vsel vm7, $0x2380, v6;
	v7 =	vsel vm7, $0x3380, v7;
	v0 =	vsel vm6, $0x800, v0  }
0x13: {  	s8 =	sshll.u32 s6, $0x6;
	s9 =	sshrl.u32 s7, $0x1;
	s6 =	smul.u32 $0x18700, s6;
	v5 =	vsel vm6, $0x1800, v5;
	v6 =	vsel vm6, $0x2800, v6;
	v7 =	vsel vm6, $0x3800, v7  }
0x14: {  	s15 =	sadd.s32 s8, s5;
	s16 =	ssub.s32 s7, s9;
	s28 =	sadd.s32 s26, s18;
	v0 =	vsel vm5, $0x880, v0;
	v5 =	vsel vm5, $0x1880, v5;
	v6 =	vsel vm5, $0x2880, v6  }
0x15: {  	s1 =	sadd.s32 s1, s31;
	s26 =	simm.s32 $0x19D80;
	s10 =	ssub.s32 $0x186A0, s14;
	v7 =	vsel vm5, $0x3880, v7;
	v0 =	vsel vm4, $0x900, v0;
	v5 =	vsel vm4, $0x1900, v5  }
0x16: {  	s7 =	smin.u32 s14, $0x17A68;
	s8 =	sadd.s32 s0, s6;
	s15 =	sadd.s32 $0xA00, s15;
	v6 =	vsel vm4, $0x2900, v6;
	v7 =	vsel vm4, $0x3900, v7;
	v1 =	vsel vm3, $0x980, v0  }
0x17: {  	s16 =	smax.u32 s16, $0x1;
	s17 =	smin.u32 s10, $0xC38;
	s25 =	sshrl.u32 s7, $0x3;
	v0 =	vimm.f32 $0.0e+00;
	v5 =	vsel vm3, $0x1980, v5;
	v6 =	vsel vm3, $0x2980, v6  }
0x18: {  	s10 =	sadd.s32 $0x800, s8;
	s11 =	sadd.s32 $0x1000, s8;
	s12 =	sadd.s32 $0x1800, s8;
	v7 =	vsel vm3, $0x3980, v7;
	v2 =	vsel vm1, $0xA00, v1;
	v1 =	vlaneseq.u32  }
0x19: {  	s13 =	sadd.s32 $0x2000, s8;
	s9 =	sadd.s32 s2, s25;
	s2 =	sadd.s32 $0x186A0, s28;
	v5 =	vsel vm1, $0x1A00, v5;
	v6 =	vsel vm1, $0x2A00, v6;
	v7 =	vsel vm1, $0x3A00, v7  }
0x1a: {  	s5 =	sshrl.u32 s17, $0x6;
	s24 =	sand.u32 $0xFC0, s17;
	s2 =	smin.u32 s2, $0xC38;
	v2 =	vsel vm0, $0xA80, v2;
	v4 =	vmul.u32 $0x100, v1;
	v5 =	vsel vm0, $0x1A80, v5  }
0x1b: {  	s30 =	sadd.s32 s17, s14;
	s25 =	simm.s32 $0x18D80;
	s2 =	sshrl.u32 s2, $0x6;
	v6 =	vsel vm0, $0x2A80, v6;
	v7 =	vsel vm0, $0x3A80, v7;
	v2 =	vsel vm2, $0xB00, v2  }
0x1c: {  	s23 =	sadd.s32 s14, s24;
	s22 =	sadd.s32 $0xFFFFFFC0, s30;
	s17 =	sadd.s32 $0x1, s2;
	v5 =	vsel vm2, $0x1B00, v5;
	v6 =	vsel vm2, $0x2B00, v6;
	v7 =	vsel vm2, $0x3B00, v7  }
.LBB2_1:
0x1d: {  	[tilespmem:s3], [sflag:$0x7] =	stream.linear.gather [hbm4b:s9+s3], $0xC38, $0x38;
	[tilespmem:$0x1AF80] =	vst v63  }
0x1e: {  	_ =	swait.ge [sflag:s19], $0xC38  }
0x1f: {  	[sflag:s19] =	ssyncset.done $0x0  }
0x20: {  	[sflag:s19] =	ssyncadd.s32 $0xFFFFF3C8  }
0x21: {  	[tilespmem:s20], [sflag:$0x7] =	stream.linear.gather [hbm4b:s4+s3], $0x100, $0x38;
	[tilespmem:$0x1AF80] =	vst v63  }
0x22: {  	_ =	swait.ge [sflag:s19], $0x100  }
0x23: {  	[sflag:s19] =	ssyncset.done $0x0  }
0x24: {  	s2 =	simm.s32 $0x40;
	s6 =	simm.s32 $0x0;
	[sflag:s19] =	ssyncadd.s32 $0xFFFFFF00  }
.LBB2_2:
0x25: {  	p0 =	sne.s32 s2, $0x3FC0;
	[tilespmem:s6+$0x18D80] =	vst v0;
	s14 =	smov.u32 s2;
	s2 =	sadd.s32 $0x40, s2  }
.Ltmp0:
0x26: {  	[tilespmem:s6+$0x19D80] =	vst v0;
	(pc) =	sbr.rel @p0 .LBB2_2-.Ltmp0, $2  }
0x27: {  	_ =	sdelay $0x2  }
0x28: {  	s6 =	sshra.s32 s14, $0x2  }
0x29: {  	[tilespmem:s6+$0x18D80] =	vst v0  }
0x2a: {  	[tilespmem:s6+$0x19D80] =	vst v0;
	s30 =	simm.s32 $0x0;
	s31 =	simm.s32 $0xC80  }
0x2b: {  	[tilespmem:s31], [sflag:$0x1] =	stream.linear.gather [hbm4b:s8+s30], $0x4000, $0x38;
	[tilespmem:$0x1AF80] =	vst v63  }
0x2c: {  	s2 =	simm.s32 $0x4C80  }
0x2d: {  	[tilespmem:s2], [sflag:$0x2] =	stream.linear.gather [hbm4b:s10+s30], $0x4000, $0x38;
	[tilespmem:$0x1AF80] =	vst v63  }
0x2e: {  	s21 =	simm.s32 $0x8C80  }
0x2f: {  	[tilespmem:s21], [sflag:$0x3] =	stream.linear.gather [hbm4b:s11+s30], $0x4000, $0x38;
	[tilespmem:$0x1AF80] =	vst v63  }
0x30: {  	s24 =	simm.s32 $0xCC80  }
0x31: {  	[tilespmem:s24], [sflag:$0x4] =	stream.linear.gather [hbm4b:s12+s30], $0x4000, $0x38;
	[tilespmem:$0x1AF80] =	vst v63  }
0x32: {  	s28 =	simm.s32 $0x10C80;
	s18 =	smov.u32 s1;
	s2 =	simm.s32 $0x5  }
0x33: {  	[tilespmem:s28], [sflag:$0x5] =	stream.linear.gather [hbm4b:s13+s30], $0x4000, $0x38;
	[tilespmem:$0x1AF80] =	vst v63  }
.LBB2_4:
0x34: {  	s6 =	smulhi.u32 $0xAAAAAAAB, s2;
	_ =	sdelay $0x1  }
0x35: {  	s6 =	sshrl.u32 s6, $0x2  }
0x36: {  	s6 =	smul.u32 $0x6, s6  }
0x37: {  	s14 =	sadd.s32 $0x5, s30  }
0x38: {  	p0 =	sgt.u32 s14, s5;
	s6 =	ssub.s32 $0x5, s6  }
0x39: {  	s6 =	sadd.s32 @!p0 s6, s30  }
0x3a: {  	p1 =	sgt.s32 @!p0 s6, $0x2  }
0x3b: {  	p3 =	slt.u32 @!p0 s14, s5;
	p2 =	por !p1, p0  }
0x3c: {  	s14 =	sadd.s32 @!p0 $0x140, s18;
	p4 =	por !p3, p0;
	p3 =	seq.s32 @!p2 s6, $0x3  }
0x3d: {  	s14 =	smov.u32 @p4 s22;
	p4 =	por @!p0 !p3, !p1  }
0x3e: {  	s14 =	sshll.u32 @!p0 s14, $0x5;
	p4 =	por p4, p0  }
0x3f: {  	s14 =	sadd.s32 @!p0 s0, s14;
	s21 =	simm.s32 @!p4 $0x0;
	s24 =	simm.s32 @!p4 $0xCC80  }
0x40: {  	[tilespmem:s24], [sflag:$0x4] =	stream.linear.gather @!p4 [hbm4b:s14+s21], $0x4000, $0x38;
	[tilespmem:$0x1AF80] =	vst v63  }
0x41: {  	p4 =	por @!p0 p3, !p1  }
0x42: {  	p4 =	por p4, p0  }
0x43: {  	p4 =	seq.s32 @!p4 s6, $0x4  }
0x44: {  	p5 =	por @!p2 !p4, p3  }
0x45: {  	p2 =	por @!p2 p4, p3;
	p5 =	por @!p0 p5, !p1  }
0x46: {  	p2 =	por @!p0 p2, !p1;
	p5 =	por p5, p0  }
0x47: {  	p2 =	por p2, p0;
	s21 =	simm.s32 @!p5 $0x0;
	s24 =	simm.s32 @!p5 $0x10C80  }
0x48: {  	[tilespmem:s24], [sflag:$0x5] =	stream.linear.gather @!p5 [hbm4b:s14+s21], $0x4000, $0x38;
	[tilespmem:$0x1AF80] =	vst v63  }
0x49: {  	s21 =	simm.s32 @!p2 $0x0;
	s24 =	simm.s32 @!p2 $0x14C80  }
0x4a: {  	[tilespmem:s24], [sflag:$0x6] =	stream.linear.gather @!p2 [hbm4b:s14+s21], $0x4000, $0x38;
	[tilespmem:$0x1AF80] =	vst v63  }
0x4b: {  	p2 =	por p1, p0  }
0x4c: {  	p3 =	seq.s32 @!p2 s6, $0x0  }
0x4d: {  	p4 =	por @!p0 !p3, p1  }
0x4e: {  	p4 =	por p4, p0  }
0x4f: {  	s21 =	simm.s32 @!p4 $0x0;
	s24 =	simm.s32 @!p4 $0xC80  }
0x50: {  	[tilespmem:s24], [sflag:$0x1] =	stream.linear.gather @!p4 [hbm4b:s14+s21], $0x4000, $0x38;
	[tilespmem:$0x1AF80] =	vst v63  }
0x51: {  	p4 =	por @!p0 p3, p1  }
0x52: {  	p4 =	por p4, p0  }
0x53: {  	p4 =	seq.s32 @!p4 s6, $0x1  }
0x54: {  	p5 =	por @!p2 !p4, p3  }
0x55: {  	p5 =	por @!p0 p5, p1  }
0x56: {  	s24 =	smulhi.u32 $0xAAAAAAAB, s30;
	p5 =	por p5, p0  }
0x57: {  	p2 =	por @!p2 p4, p3;
	s6 =	simm.s32 @!p5 $0x0;
	s21 =	simm.s32 @!p5 $0x4C80  }
0x58: {  	[tilespmem:s21], [sflag:$0x2] =	stream.linear.gather @!p5 [hbm4b:s14+s6], $0x4000, $0x38;
	[tilespmem:$0x1AF80] =	vst v63  }
0x59: {  	p1 =	por @!p0 p2, p1;
	s6 =	sshrl.u32 s24, $0x2  }
0x5a: {  	p0 =	por p1, p0;
	s21 =	smul.u32 $0xFFFA0000, s6  }
0x5b: {  	s28 =	simm.s32 @!p0 $0x8C80;
	s24 =	simm.s32 @!p0 $0x0;
	s6 =	smul.u32 $0xFFFFFFFA, s6  }
0x5c: {  	[tilespmem:s28], [sflag:$0x3] =	stream.linear.gather @!p0 [hbm4b:s14+s24], $0x4000, $0x38;
	[tilespmem:$0x1AF80] =	vst v63  }
0x5d: {  	s6 =	sadd.s32 s6, s30  }
0x5e: {  	p0 =	sgt.s32 s6, $0x2  }
0x5f: {  	p2 =	seq.s32 @p0 s6, $0x3;
	p1 =	seq.s32 @!p0 s6, $0x0  }
0x60: {  	p3 =	por p2, !p0;
	p4 =	por p1, p0  }
0x61: {  	p3 =	seq.s32 @!p3 s6, $0x4;
	p4 =	seq.s32 @!p4 s6, $0x1  }
0x62: {  	p5 =	por @p0 p3, p2;
	p6 =	por @!p0 p4, p1  }
0x63: {  	p3 =	por @p0 !p3, p2;
	p4 =	por @!p0 !p4, p1;
	p5 =	por p5, !p0  }
0x64: {  	p2 =	por !p2, !p0;
	s6 =	simm.s32 @!p5 $0x6;
	p5 =	por p6, p0  }
0x65: {  	p3 =	por !p3, !p0;
	p4 =	por !p4, p0;
	s24 =	simm.s32 @!p5 $0x3  }
0x66: {  	p1 =	por !p1, p0;
	s6 =	simm.s32 @p3 $0x5;
	s24 =	simm.s32 @p4 $0x2  }
0x67: {  	s6 =	simm.s32 @!p2 $0x4;
	s24 =	simm.s32 @!p1 $0x1  }
0x68: {  	s24 =	smov.u32 @p0 s6  }
0x69: {  	s14 =	smov.u32 s22;
	p0 =	slt.u32 s30, s5;
	_ =	swait.ge [sflag:s24], $0x4000  }
0x6a: {  	s14 =	smov.u32 @p0 s18;
	[sflag:s24] =	ssyncset.done $0x0  }
0x6b: {  	[sflag:s24] =	ssyncadd.s32 $0xFFFFC000;
	s24 =	ssub.s32 s14, s7  }
0x6c: {  	v8 =	vld [tilespmem:s24+$0x0];
	_ =	sdelay $0x4  }
0x6d: {  	v9 =	vshll.u32 v8, $0x3  }
0x6e: {  	v10 =	vand.u32 $0x7F, v8;
	v9 =	vand.u32 $0xFFFFFC00, v9  }
0x6f: {  	v9 =	vor.u32 v10, v9  }
0x70: {  	v9 =	vadd.s32 v2, v9;
	_ =	sdelay $0x2  }
0x71: {  	s28 =	sshra.s32 s21, $0x2  }
0x72: {  	s21 =	sadd.s32 s28, s31;
	v44 =	vld.idx.msk [tilespmem:v8+s20+$0x0], $0xffff  }
0x73: {  	v9 =	vld.idx.msk [tilespmem:v9+s21+$0x0], $0xffff;
	_ =	sdelay $0x4  }
0x74: {  	v9 =	vsub.f32 v44, v9;
	_ =	sdelay $0x1  }
0x75: {  	v10 =	vand.u32 $0x7FFFFFFF, v9  }
0x76: {  	v10 =	vsub.f32 $0.0e+00, v10;
	_ =	sdelay $0x1  }
0x77: {  	v10 =	vmul.f32 $1.442695020e+00, v10;
	_ =	sdelay $0x1  }
0x78: {  	(erf) = vpow2.f32 v10;
	_ =	sdelay $0x8  }
0x79: {  	v10 =	vpop (erf)  }
0x7a: {  	v11 =	vadd.f32 $2.000000000e+00, v10;
	_ =	sdelay $0x1  }
0x7b: {  	(erf) = vrcp.f32 v11;
	_ =	sdelay $0x8  }
0x7c: {  	v11 =	vpop (erf)  }
0x7d: {  	v10 =	vmul.f32 v11, v10;
	_ =	sdelay $0x1  }
0x7e: {  	v11 =	vmul.f32 v10, v10;
	_ =	sdelay $0x1  }
0x7f: {  	v12 =	vmul.f32 $1.111111120e-01, v11;
	_ =	sdelay $0x1  }
0x80: {  	v12 =	vadd.f32 $1.428571490e-01, v12;
	_ =	sdelay $0x1  }
0x81: {  	v12 =	vmul.f32 v12, v11;
	_ =	sdelay $0x1  }
0x82: {  	v12 =	vadd.f32 $2.000000030e-01, v12;
	_ =	sdelay $0x1  }
0x83: {  	v12 =	vmul.f32 v12, v11;
	_ =	sdelay $0x1  }
0x84: {  	v12 =	vadd.f32 $3.333333430e-01, v12;
	_ =	sdelay $0x1  }
0x85: {  	v11 =	vmul.f32 v12, v11;
	_ =	sdelay $0x1  }
0x86: {  	s6 =	smov.u32 s23;
	v10 =	vadd.f32 v10, v10;
	v11 =	vadd.f32 $1.000000000e+00, v11  }
0x87: {  	s6 =	simm.s32 @p0 $0x0;
	v45 =	vadd.s32 s14, v1  }
0x88: {  	vm0 =	vge.s32 v45, s6;
	v10 =	vmul.f32 v11, v10  }
0x89: {  	v8 =	vadd.s32 v4, v8;
	v9 =	vmax.f32 v9, $0.0e+00  }
0x8a: {  	v9 =	vadd.f32 v10, v9;
	_ =	sdelay $0x1  }
0x8b: {  	v9 =	vmax.f32 v9, $1.192093040e-07  }
0x8c: {  	v9 =	vmin.f32 v9, $1.611809540e+01  }
0x8d: {  	[tilespmem:v8+s25+$0x0] =	vst.idx.add.f32.msk vm0, v9  }
0x8e: {  	[tilespmem:v8+s26+$0x0] =	vst.idx.add.f32.msk vm0, v3  }
0x8f: {  	v8 =	vld [tilespmem:s24+$0x10];
	_ =	sdelay $0x4  }
0x90: {  	v46 =	vshll.u32 v8, $0x3  }
0x91: {  	v47 =	vand.u32 $0x7F, v8;
	v9 =	vand.u32 $0xFFFFFC00, v46  }
0x92: {  	v9 =	vor.u32 v47, v9  }
0x93: {  	v9 =	vadd.s32 v5, v9;
	_ =	sdelay $0x3  }
0x94: {  	v48 =	vld.idx.msk [tilespmem:v8+s20+$0x0], $0xffff  }
0x95: {  	v9 =	vld.idx.msk [tilespmem:v9+s21+$0x0], $0xffff;
	_ =	sdelay $0x4  }
0x96: {  	v9 =	vsub.f32 v48, v9;
	_ =	sdelay $0x1  }
0x97: {  	v10 =	vand.u32 $0x7FFFFFFF, v9  }
0x98: {  	v10 =	vsub.f32 $0.0e+00, v10;
	_ =	sdelay $0x1  }
0x99: {  	v10 =	vmul.f32 $1.442695020e+00, v10;
	_ =	sdelay $0x1  }
0x9a: {  	(erf) = vpow2.f32 v10;
	_ =	sdelay $0x8  }
0x9b: {  	v10 =	vpop (erf)  }
0x9c: {  	v49 =	vadd.f32 $2.000000000e+00, v10;
	_ =	sdelay $0x1  }
0x9d: {  	(erf) = vrcp.f32 v49;
	_ =	sdelay $0x8  }
0x9e: {  	v11 =	vpop (erf)  }
0x9f: {  	v10 =	vmul.f32 v11, v10;
	_ =	sdelay $0x1  }
0xa0: {  	v11 =	vmul.f32 v10, v10;
	_ =	sdelay $0x1  }
0xa1: {  	v50 =	vmul.f32 $1.111111120e-01, v11;
	_ =	sdelay $0x1  }
0xa2: {  	v12 =	vadd.f32 $1.428571490e-01, v50;
	_ =	sdelay $0x1  }
0xa3: {  	v12 =	vmul.f32 v12, v11;
	_ =	sdelay $0x1  }
0xa4: {  	v12 =	vadd.f32 $2.000000030e-01, v12;
	_ =	sdelay $0x1  }
0xa5: {  	v12 =	vmul.f32 v12, v11;
	_ =	sdelay $0x1  }
0xa6: {  	v12 =	vadd.f32 $3.333333430e-01, v12;
	_ =	sdelay $0x1  }
0xa7: {  	v11 =	vmul.f32 v12, v11;
	_ =	sdelay $0x1  }
0xa8: {  	s28 =	sadd.s32 $0x10, s14;
	v10 =	vadd.f32 v10, v10;
	v11 =	vadd.f32 $1.000000000e+00, v11  }
0xa9: {  	v51 =	vadd.s32 s28, v1  }
0xaa: {  	vm13 =	vge.s32 v51, s6;
	v10 =	vmul.f32 v11, v10  }
0xab: {  	v8 =	vadd.s32 v4, v8;
	v9 =	vmax.f32 v9, $0.0e+00  }
0xac: {  	v9 =	vadd.f32 v10, v9;
	_ =	sdelay $0x1  }
0xad: {  	v9 =	vmax.f32 v9, $1.192093040e-07  }
0xae: {  	v9 =	vmin.f32 v9, $1.611809540e+01  }
0xaf: {  	[tilespmem:v8+s25+$0x0] =	vst.idx.add.f32.msk vm13, v9  }
0xb0: {  	[tilespmem:v8+s26+$0x0] =	vst.idx.add.f32.msk vm13, v3  }
0xb1: {  	v8 =	vld [tilespmem:s24+$0x20];
	_ =	sdelay $0x4  }
0xb2: {  	v52 =	vshll.u32 v8, $0x3  }
0xb3: {  	v53 =	vand.u32 $0x7F, v8;
	v9 =	vand.u32 $0xFFFFFC00, v52  }
0xb4: {  	v9 =	vor.u32 v53, v9  }
0xb5: {  	v9 =	vadd.s32 v6, v9;
	_ =	sdelay $0x3  }
0xb6: {  	v54 =	vld.idx.msk [tilespmem:v8+s20+$0x0], $0xffff  }
0xb7: {  	v9 =	vld.idx.msk [tilespmem:v9+s21+$0x0], $0xffff;
	_ =	sdelay $0x4  }
0xb8: {  	v9 =	vsub.f32 v54, v9;
	_ =	sdelay $0x1  }
0xb9: {  	v10 =	vand.u32 $0x7FFFFFFF, v9  }
0xba: {  	v10 =	vsub.f32 $0.0e+00, v10;
	_ =	sdelay $0x1  }
0xbb: {  	v10 =	vmul.f32 $1.442695020e+00, v10;
	_ =	sdelay $0x1  }
0xbc: {  	(erf) = vpow2.f32 v10;
	_ =	sdelay $0x8  }
0xbd: {  	v10 =	vpop (erf)  }
0xbe: {  	v55 =	vadd.f32 $2.000000000e+00, v10;
	_ =	sdelay $0x1  }
0xbf: {  	(erf) = vrcp.f32 v55;
	_ =	sdelay $0x8  }
0xc0: {  	v11 =	vpop (erf)  }
0xc1: {  	v10 =	vmul.f32 v11, v10;
	_ =	sdelay $0x1  }
0xc2: {  	v11 =	vmul.f32 v10, v10;
	_ =	sdelay $0x1  }
0xc3: {  	v56 =	vmul.f32 $1.111111120e-01, v11;
	_ =	sdelay $0x1  }
0xc4: {  	v12 =	vadd.f32 $1.428571490e-01, v56;
	_ =	sdelay $0x1  }
0xc5: {  	v12 =	vmul.f32 v12, v11;
	_ =	sdelay $0x1  }
0xc6: {  	v12 =	vadd.f32 $2.000000030e-01, v12;
	_ =	sdelay $0x1  }
0xc7: {  	v12 =	vmul.f32 v12, v11;
	_ =	sdelay $0x1  }
0xc8: {  	v12 =	vadd.f32 $3.333333430e-01, v12;
	_ =	sdelay $0x1  }
0xc9: {  	v11 =	vmul.f32 v12, v11;
	_ =	sdelay $0x1  }
0xca: {  	s28 =	sadd.s32 $0x20, s14;
	v10 =	vadd.f32 v10, v10;
	v11 =	vadd.f32 $1.000000000e+00, v11  }
0xcb: {  	v57 =	vadd.s32 s28, v1  }
0xcc: {  	vm14 =	vge.s32 v57, s6;
	v10 =	vmul.f32 v11, v10  }
0xcd: {  	v8 =	vadd.s32 v4, v8;
	v9 =	vmax.f32 v9, $0.0e+00  }
0xce: {  	v9 =	vadd.f32 v10, v9;
	_ =	sdelay $0x1  }
0xcf: {  	v9 =	vmax.f32 v9, $1.192093040e-07  }
0xd0: {  	v9 =	vmin.f32 v9, $1.611809540e+01  }
0xd1: {  	[tilespmem:v8+s25+$0x0] =	vst.idx.add.f32.msk vm14, v9  }
0xd2: {  	[tilespmem:v8+s26+$0x0] =	vst.idx.add.f32.msk vm14, v3  }
0xd3: {  	v8 =	vld [tilespmem:s24+$0x30];
	_ =	sdelay $0x4  }
0xd4: {  	v58 =	vshll.u32 v8, $0x3  }
0xd5: {  	v59 =	vand.u32 $0x7F, v8;
	v9 =	vand.u32 $0xFFFFFC00, v58  }
0xd6: {  	v9 =	vor.u32 v59, v9  }
0xd7: {  	v9 =	vadd.s32 v7, v9;
	_ =	sdelay $0x3  }
0xd8: {  	v60 =	vld.idx.msk [tilespmem:v8+s20+$0x0], $0xffff  }
0xd9: {  	v9 =	vld.idx.msk [tilespmem:v9+s21+$0x0], $0xffff;
	_ =	sdelay $0x4  }
0xda: {  	v9 =	vsub.f32 v60, v9;
	_ =	sdelay $0x1  }
0xdb: {  	v10 =	vand.u32 $0x7FFFFFFF, v9  }
0xdc: {  	v10 =	vsub.f32 $0.0e+00, v10;
	_ =	sdelay $0x1  }
0xdd: {  	v10 =	vmul.f32 $1.442695020e+00, v10;
	_ =	sdelay $0x1  }
0xde: {  	(erf) = vpow2.f32 v10;
	_ =	sdelay $0x8  }
0xdf: {  	v10 =	vpop (erf)  }
0xe0: {  	v61 =	vadd.f32 $2.000000000e+00, v10;
	_ =	sdelay $0x1  }
0xe1: {  	(erf) = vrcp.f32 v61;
	_ =	sdelay $0x8  }
0xe2: {  	v11 =	vpop (erf)  }
0xe3: {  	v10 =	vmul.f32 v11, v10;
	_ =	sdelay $0x1  }
0xe4: {  	v11 =	vmul.f32 v10, v10;
	_ =	sdelay $0x1  }
0xe5: {  	v62 =	vmul.f32 $1.111111120e-01, v11;
	_ =	sdelay $0x1  }
0xe6: {  	v12 =	vadd.f32 $1.428571490e-01, v62;
	_ =	sdelay $0x1  }
0xe7: {  	v12 =	vmul.f32 v12, v11;
	_ =	sdelay $0x1  }
0xe8: {  	v12 =	vadd.f32 $2.000000030e-01, v12;
	_ =	sdelay $0x1  }
0xe9: {  	v12 =	vmul.f32 v12, v11;
	_ =	sdelay $0x1  }
0xea: {  	v12 =	vadd.f32 $3.333333430e-01, v12;
	_ =	sdelay $0x1  }
0xeb: {  	v11 =	vmul.f32 v12, v11;
	_ =	sdelay $0x1  }
0xec: {  	s14 =	sadd.s32 $0x30, s14;
	v10 =	vadd.f32 v10, v10;
	v11 =	vadd.f32 $1.000000000e+00, v11  }
0xed: {  	v63 =	vadd.s32 s14, v1  }
0xee: {  	vm15 =	vge.s32 v63, s6;
	v10 =	vmul.f32 v11, v10  }
0xef: {  	s30 =	sadd.s32 $0x1, s30;
	v8 =	vadd.s32 v4, v8;
	v9 =	vmax.f32 v9, $0.0e+00  }
0xf0: {  	p0 =	sne.s32 s17, s30;
	v9 =	vadd.f32 v10, v9  }
.Ltmp1:
0xf1: {  	_ = 	snop;
	(pc) =	sbr.rel @p0 .LBB2_4-.Ltmp1, $4  }
0xf2: {  	v9 =	vmax.f32 v9, $1.192093040e-07  }
0xf3: {  	v9 =	vmin.f32 v9, $1.611809540e+01  }
0xf4: {  	[tilespmem:v8+s25+$0x0] =	vst.idx.add.f32.msk vm15, v9  }
0xf5: {  	s2 =	sadd.s32 $0x1, s2;
	s31 =	sadd.s32 $0x4000, s31;
	s18 =	sadd.s32 $0x40, s18;
	[tilespmem:v8+s26+$0x0] =	vst.idx.add.f32.msk vm15, v3  }
0xf6: {  	s2 =	simm.s32 $0x0  }
0xf7: {  	v8 =	vld [tilespmem:s2+$0x19D80]  }
0xf8: {  	v9 =	vld [tilespmem:s2+$0x18D80]  }
0xf9: {  	v10 =	vld [tilespmem:s2+$0x19E80]  }
0xfa: {  	v11 =	vld [tilespmem:s2+$0x18E80]  }
0xfb: {  	v12 =	vld [tilespmem:s2+$0x19F80]  }
0xfc: {  	v13 =	vld [tilespmem:s2+$0x18F80];
	v8 =	vadd.f32 $0.0e+00, v8  }
0xfd: {  	v14 =	vld [tilespmem:s2+$0x1A080];
	v9 =	vadd.f32 $0.0e+00, v9  }
0xfe: {  	v8 =	vadd.f32 v10, v8;
	v10 =	vld [tilespmem:s2+$0x19080]  }
0xff: {  	v15 =	vld [tilespmem:s2+$0x1A180];
	v9 =	vadd.f32 v11, v9  }
0x100: {  	v11 =	vld [tilespmem:s2+$0x19180];
	v8 =	vadd.f32 v12, v8  }
0x101: {  	v12 =	vld [tilespmem:s2+$0x1A280];
	v9 =	vadd.f32 v13, v9  }
0x102: {  	v13 =	vld [tilespmem:s2+$0x19280];
	v8 =	vadd.f32 v14, v8  }
0x103: {  	v14 =	vld [tilespmem:s2+$0x1A380];
	v9 =	vadd.f32 v10, v9  }
0x104: {  	v10 =	vld [tilespmem:s2+$0x19380];
	v8 =	vadd.f32 v15, v8  }
0x105: {  	v15 =	vld [tilespmem:s2+$0x1A480];
	v9 =	vadd.f32 v11, v9  }
0x106: {  	v11 =	vld [tilespmem:s2+$0x19480];
	v8 =	vadd.f32 v12, v8  }
0x107: {  	v12 =	vld [tilespmem:s2+$0x1A580];
	v9 =	vadd.f32 v13, v9  }
0x108: {  	v13 =	vld [tilespmem:s2+$0x19580];
	v8 =	vadd.f32 v14, v8  }
0x109: {  	v14 =	vld [tilespmem:s2+$0x1A680];
	v9 =	vadd.f32 v10, v9  }
0x10a: {  	v10 =	vld [tilespmem:s2+$0x19680];
	v8 =	vadd.f32 v15, v8  }
0x10b: {  	v15 =	vld [tilespmem:s2+$0x1A780];
	v9 =	vadd.f32 v11, v9  }
0x10c: {  	v11 =	vld [tilespmem:s2+$0x19780];
	v8 =	vadd.f32 v12, v8  }
0x10d: {  	v12 =	vld [tilespmem:s2+$0x1A880];
	v9 =	vadd.f32 v13, v9  }
0x10e: {  	v13 =	vld [tilespmem:s2+$0x19880];
	v8 =	vadd.f32 v14, v8  }
0x10f: {  	v14 =	vld [tilespmem:s2+$0x1A980];
	v9 =	vadd.f32 v10, v9  }
0x110: {  	v8 =	vadd.f32 v15, v8;
	v15 =	vld [tilespmem:s2+$0x19980]  }
0x111: {  	v16 =	vld [tilespmem:s2+$0x1AA80];
	v10 =	vadd.f32 v11, v9  }
0x112: {  	v11 =	vadd.f32 v12, v8;
	v8 =	vld [tilespmem:s2+$0x19A80]  }
0x113: {  	v9 =	vld [tilespmem:s2+$0x1AB80];
	v12 =	vadd.f32 v13, v10  }
0x114: {  	v10 =	vld [tilespmem:s2+$0x19B80];
	v14 =	vadd.f32 v14, v11  }
0x115: {  	v11 =	vld [tilespmem:s2+$0x1AC80];
	v13 =	vadd.f32 v15, v12  }
0x116: {  	s6 =	simm.s32 $0x10;
	s14 =	simm.s32 $0x80;
	v12 =	vld [tilespmem:s2+$0x19C80];
	v14 =	vadd.f32 v16, v14  }
.LBB2_6:
0x117: {  	p0 =	sne.s32 s14, $0x3C0;
	v15 =	vld [tilespmem:s6+$0x19D80];
	v8 =	vadd.f32 v8, v13  }
0x118: {  	v13 =	vld [tilespmem:s6+$0x18D80];
	v9 =	vadd.f32 v9, v14  }
0x119: {  	v14 =	vld [tilespmem:s6+$0x19E80];
	v8 =	vadd.f32 v10, v8  }
0x11a: {  	v10 =	vld [tilespmem:s6+$0x18E80];
	v9 =	vadd.f32 v11, v9  }
0x11b: {  	v11 =	vld [tilespmem:s6+$0x19F80];
	v8 =	vadd.f32 v12, v8  }
0x11c: {  	v12 =	vadd.f32 $0.0e+00, v15;
	v15 =	vld [tilespmem:s6+$0x18F80];
	[tilespmem:s2+$0x1AE80] =	vst v9  }
0x11d: {  	v9 =	vadd.f32 $0.0e+00, v13;
	v13 =	vld [tilespmem:s6+$0x1A080];
	[tilespmem:s2+$0x1AD80] =	vst v8;
	s2 =	smov.u32 s6  }
0x11e: {  	v8 =	vadd.f32 v14, v12;
	v12 =	vld [tilespmem:s2+$0x19080]  }
0x11f: {  	v9 =	vadd.f32 v10, v9;
	v10 =	vld [tilespmem:s2+$0x1A180]  }
0x120: {  	v8 =	vadd.f32 v11, v8;
	v11 =	vld [tilespmem:s2+$0x19180]  }
0x121: {  	v9 =	vadd.f32 v15, v9;
	v14 =	vld [tilespmem:s2+$0x1A280]  }
0x122: {  	v8 =	vadd.f32 v13, v8;
	v13 =	vld [tilespmem:s2+$0x19280]  }
0x123: {  	v9 =	vadd.f32 v12, v9;
	v12 =	vld [tilespmem:s2+$0x1A380]  }
0x124: {  	v8 =	vadd.f32 v10, v8;
	v10 =	vld [tilespmem:s2+$0x19380]  }
0x125: {  	v9 =	vadd.f32 v11, v9;
	v11 =	vld [tilespmem:s2+$0x1A480]  }
0x126: {  	v8 =	vadd.f32 v14, v8;
	v14 =	vld [tilespmem:s2+$0x19480]  }
0x127: {  	v9 =	vadd.f32 v13, v9;
	v13 =	vld [tilespmem:s2+$0x1A580]  }
0x128: {  	v8 =	vadd.f32 v12, v8;
	v12 =	vld [tilespmem:s2+$0x19580]  }
0x129: {  	v9 =	vadd.f32 v10, v9;
	v10 =	vld [tilespmem:s2+$0x1A680]  }
0x12a: {  	v8 =	vadd.f32 v11, v8;
	v11 =	vld [tilespmem:s2+$0x19680]  }
0x12b: {  	v9 =	vadd.f32 v14, v9;
	v14 =	vld [tilespmem:s2+$0x1A780]  }
0x12c: {  	v8 =	vadd.f32 v13, v8;
	v13 =	vld [tilespmem:s2+$0x19780]  }
0x12d: {  	v9 =	vadd.f32 v12, v9;
	v12 =	vld [tilespmem:s2+$0x1A880]  }
0x12e: {  	v8 =	vadd.f32 v10, v8;
	v10 =	vld [tilespmem:s2+$0x19880]  }
0x12f: {  	v9 =	vadd.f32 v11, v9;
	v11 =	vld [tilespmem:s2+$0x1A980]  }
0x130: {  	v8 =	vadd.f32 v14, v8;
	v14 =	vld [tilespmem:s2+$0x19980]  }
0x131: {  	v9 =	vadd.f32 v13, v9;
	v15 =	vld [tilespmem:s2+$0x1AA80]  }
.Ltmp2:
0x132: {  	v12 =	vadd.f32 v12, v8;
	v8 =	vld [tilespmem:s2+$0x19A80];
	(pc) =	sbr.rel @p0 .LBB2_6-.Ltmp2, $4  }
0x133: {  	v13 =	vadd.f32 v10, v9;
	v9 =	vld [tilespmem:s2+$0x1AB80]  }
0x134: {  	v12 =	vadd.f32 v11, v12;
	v10 =	vld [tilespmem:s2+$0x19B80]  }
0x135: {  	v13 =	vadd.f32 v14, v13;
	v11 =	vld [tilespmem:s2+$0x1AC80]  }
0x136: {  	s6 =	sshra.s32 s14, $0x2;
	s14 =	sadd.s32 $0x40, s14;
	v14 =	vadd.f32 v15, v12;
	v12 =	vld [tilespmem:s2+$0x19C80]  }
0x137: {  	v15 =	vld [tilespmem:s6+$0x19D80];
	v8 =	vadd.f32 v8, v13  }
0x138: {  	v16 =	vld [tilespmem:s6+$0x18D80];
	v9 =	vadd.f32 v9, v14  }
0x139: {  	v31 =	vld [tilespmem:s6+$0x19E80];
	v8 =	vadd.f32 v10, v8  }
0x13a: {  	v32 =	vld [tilespmem:s6+$0x18E80];
	v9 =	vadd.f32 v11, v9  }
0x13b: {  	v33 =	vld [tilespmem:s6+$0x19F80];
	v8 =	vadd.f32 v12, v8  }
0x13c: {  	v34 =	vld [tilespmem:s6+$0x18F80];
	[tilespmem:s2+$0x1AE80] =	vst v9;
	v35 =	vadd.f32 $0.0e+00, v15  }
0x13d: {  	v37 =	vadd.f32 $0.0e+00, v16;
	v36 =	vld [tilespmem:s6+$0x1A080];
	[tilespmem:s2+$0x1AD80] =	vst v8  }
0x13e: {  	v8 =	vadd.f32 v31, v35;
	v38 =	vld [tilespmem:s6+$0x19080]  }
0x13f: {  	v39 =	vadd.f32 v32, v37;
	v40 =	vld [tilespmem:s6+$0x1A180]  }
0x140: {  	v41 =	vld [tilespmem:s6+$0x19180];
	v8 =	vadd.f32 v33, v8  }
0x141: {  	v42 =	vld [tilespmem:s6+$0x1A280];
	v11 =	vadd.f32 v34, v39  }
0x142: {  	v43 =	vld [tilespmem:s6+$0x19280];
	v8 =	vadd.f32 v36, v8  }
0x143: {  	v44 =	vld [tilespmem:s6+$0x1A380];
	v9 =	vadd.f32 v38, v11  }
0x144: {  	v45 =	vld [tilespmem:s6+$0x19380];
	v8 =	vadd.f32 v40, v8  }
0x145: {  	v46 =	vld [tilespmem:s6+$0x1A480];
	v9 =	vadd.f32 v41, v9  }
0x146: {  	v47 =	vld [tilespmem:s6+$0x19480];
	v8 =	vadd.f32 v42, v8  }
0x147: {  	v48 =	vld [tilespmem:s6+$0x1A580];
	v9 =	vadd.f32 v43, v9  }
0x148: {  	v49 =	vld [tilespmem:s6+$0x19580];
	v8 =	vadd.f32 v44, v8  }
0x149: {  	v50 =	vld [tilespmem:s6+$0x1A680];
	v9 =	vadd.f32 v45, v9  }
0x14a: {  	v51 =	vld [tilespmem:s6+$0x19680];
	v8 =	vadd.f32 v46, v8  }
0x14b: {  	v52 =	vld [tilespmem:s6+$0x1A780];
	v9 =	vadd.f32 v47, v9  }
0x14c: {  	v53 =	vld [tilespmem:s6+$0x19780];
	v8 =	vadd.f32 v48, v8  }
0x14d: {  	v54 =	vld [tilespmem:s6+$0x1A880];
	v9 =	vadd.f32 v49, v9  }
0x14e: {  	v55 =	vld [tilespmem:s6+$0x19880];
	v8 =	vadd.f32 v50, v8  }
0x14f: {  	v56 =	vld [tilespmem:s6+$0x1A980];
	v9 =	vadd.f32 v51, v9  }
0x150: {  	v57 =	vld [tilespmem:s6+$0x19980];
	v8 =	vadd.f32 v52, v8  }
0x151: {  	v58 =	vld [tilespmem:s6+$0x1AA80];
	v9 =	vadd.f32 v53, v9  }
0x152: {  	v59 =	vld [tilespmem:s6+$0x19A80];
	v8 =	vadd.f32 v54, v8  }
0x153: {  	v60 =	vld [tilespmem:s6+$0x1AB80];
	v9 =	vadd.f32 v55, v9  }
0x154: {  	v61 =	vld [tilespmem:s6+$0x19B80];
	v8 =	vadd.f32 v56, v8  }
0x155: {  	v62 =	vld [tilespmem:s6+$0x1AC80];
	v9 =	vadd.f32 v57, v9  }
0x156: {  	v63 =	vld [tilespmem:s6+$0x19C80];
	v8 =	vadd.f32 v58, v8  }
0x157: {  	v9 =	vadd.f32 v59, v9  }
0x158: {  	v8 =	vadd.f32 v60, v8  }
0x159: {  	v9 =	vadd.f32 v61, v9  }
0x15a: {  	v8 =	vadd.f32 v62, v8  }
0x15b: {  	s29 =	sadd.s32 $0x1, s29;
	v9 =	vadd.f32 v63, v9  }
0x15c: {  	p0 =	sne.s32 s29, s16;
	[tilespmem:s6+$0x1AE80] =	vst v8  }
.Ltmp3:
0x15d: {  	s31 =	simm.s32 $0x1AD80;
	[tilespmem:s6+$0x1AD80] =	vst v9;
	(pc) =	sbr.rel @p0 .LBB2_1-.Ltmp3, $4  }
0x15e: {  	[hbm4b:s15+s3] =	stream.linear.scatter [tilespmem:s31], [sflag:$0x7], $0x200, $0x38;
	[tilespmem:$0x1AF80] =	vst v63  }
0x15f: {  	_ =	swait.ge [sflag:s19], $0x200  }
0x160: {  	[sflag:s19] =	ssyncset.done $0x0  }
0x161: {  	[sflag:s19] =	ssyncadd.s32 $0xFFFFFE00  }
0x162: {  	_ =	sfence.sel $0x180000  }
0x163: {  	[bflag:$0x0] =	sbarrier.arrive $0xFFFF  }
0x164: {  	_ =	strace $0x90000047  }
0x165: {  	s0 =	stileid.u32;
	[bflag:$0x2] =	sbarrier.arrive $0xFFFF  }
0x166: {  	p0 =	sne.s32 s0, $0x0;
	s0 =	rddreg [dreg:$0x3]  }
0x167: {  	s0 =	sadd.s32 @!p0 $0x100000, s0  }
0x168: {  	[sflag:s0] =	ssyncadd.tile.s32 @!p0 $0x1;
	_ =	shalt  }
.Lfunc_end2:
_tile_overlayer_lowered:
.L_overlay_start_2:
0x169: {  	(tag) =	ssettag $0x2  }
0x16a: {  	s0 =	rddreg [dreg:$0x0];
	s2 =	stileid.u32  }
0x16b: {  	s1 =	rddreg [dreg:$0x1];
	p0 =	sne.s32 s2, $0x0  }
0x16c: {  	s3 =	rddreg [dreg:$0x2];
	[bflag:$0x3] =	sbarrier.arrive $0xFFFF;
	s2 =	simm.s32 @!p0 $0x1C07  }
0x16d: {  	[timem:s3], [sflag:s2] =	dma.local @!p0 [hbm:s0], s1  }
0x16e: {  	s0 =	simm.s32 @!p0 $0x7  }
0x16f: {  	_ =	swait.ge @!p0 [sflag:s0], s1  }
0x170: {  	s1 =	ssub.s32 @!p0 $0x0, s1;
	[sflag:s0] =	ssyncset.done @!p0 $0x0  }
0x171: {  	[sflag:s0] =	ssyncadd.s32 @!p0 s1  }
0x172: {  	[bflag:$0x3] =	sbarrier.arrive $0xFFFF  }
0x173: {  	_ =	shalt  }

// kernel: kernel.7.cloned.1.call-start
scs
__scs_entry_jumppad:
0x0: {  	(pc) =	sbr.rel $0x88, $3  }
0x1: {  	(tag) =	ssettag $0x0;
	lr =	simm.s32 $0x1  }
0x2: {  	[smem:$0x3F9D] =	sst lr;
	_ =	strace $0xD0000000  }
0x3: {  	_ = 	snop  }
0x4: {  	_ = 	snop  }
0x5: {  	_ = 	snop  }
0x6: {  	_ = 	snop  }
0x7: {  	_ = 	snop  }
__scs_overlays_trampoline_lowered:
0x8: {  	[smem:$0x3FAC] =	sst s0  }
0x9: {  	[smem:$0x3FAD] =	sst s1  }
0xa: {  	[smem:$0x3FAE] =	sst s2  }
0xb: {  	[smem:$0x3FAF] =	sst s3  }
0xc: {  	[smem:$0x3FB0] =	sst s4  }
0xd: {  	[smem:$0x3FB1] =	sst s5  }
0xe: {  	[smem:$0x3FB2] =	sst s6  }
0xf: {  	[smem:$0x3FB3] =	sst s7  }
0x10: {  	[smem:$0x3FB4] =	sst s8  }
0x11: {  	[smem:$0x3FB5] =	sst s9;
	s0 =	simm.s32 @!p0 $0x0  }
0x12: {  	s1 =	sld [smem:$0x3F9B];
	s0 =	simm.s32 @p0 $0x1  }
0x13: {  	[smem:$0x3FB6] =	sst s0;
	s0 =	simm.s32 @!p1 $0x0  }
0x14: {  	s2 =	sld [smem:$0x3F9A];
	s0 =	simm.s32 @p1 $0x1  }
0x15: {  	[smem:$0x3FB7] =	sst s0;
	s0 =	simm.s32 @!p2 $0x0  }
0x16: {  	s3 =	sld [smem:$0x3FDB];
	s0 =	simm.s32 @p2 $0x1  }
0x17: {  	s4 =	simm.s32 $0x1BF5;
	[smem:$0x3FB9] =	sst s0  }
0x18: {  	s0 =	sld [smem:$0x3F9C];
	_ =	swait.ge [sflag:s4], $0x0  }
0x19: {  	s7 =	sld [smem:$0x3F9D]  }
0x1a: {  	s8 =	sadd.s32 $0xFFFFE003, lr  }
0x1b: {  	s9 =	sadd.s32 $0xFFFFFEF7, lr;
	s5 =	simm.s32 $0xFFFFFFFF;
	p2 =	slt.u32 s8, $0xFFFFF086  }
0x1c: {  	p1 =	slt.u32 s9, $0xF7A;
	s5 =	simm.s32 @!p2 $0x0  }
0x1d: {  	s5 =	simm.s32 @p1 $0x1;
	p0 =	seq.s32 s7, s2  }
0x1e: {  	s7 =	smul.u32 @!p0 $0xF7A, s2;
	p2 =	seq.s32 @!p0 s5, $0x0  }
0x1f: {  	s9 =	smul.u32 $0xF7A, s1;
	s8 =	simm.s32 @!p0 $0x1BF5;
	p2 =	por !p2, p0  }
0x20: {  	[sflag:s8] =	ssyncset.s32 @!p0 $0xFFFFF086;
	s6 =	sadd.s32 @!p0 s3, s7;
	s7 =	simm.s32 @!p0 $0x108  }
0x21: {  	s3 =	sadd.s32 s3, s9;
	s6 =	sadd.s32 @!p0 $0x88, s6;
	s7 =	simm.s32 @p2 $0x1082  }
0x22: {  	[simem:s7], [sflag:s8] =	dma.local @!p0 [hbm:s6], $0xF7A  }
0x23: {  	s9 =	sor.u32 $0xD0000000, s2;
	s6 =	simm.s32 $0x108;
	_ =	swait.ge @!p0 [sflag:s8], $0x0  }
0x24: {  	s3 =	sadd.s32 $0x88, s3;
	s6 =	simm.s32 @!p1 $0x1082;
	[sflag:s4] =	ssyncset.s32 $0xFFFFF086  }
0x25: {  	[simem:s6], [sflag:s4] =	dma.local [hbm:s3], $0xF7A  }
0x26: {  	[smem:$0x3F9D] =	sst s1;
	(tag) =	ssettag s2;
	_ =	strace s9  }
0x27: {  	s1 =	sld [smem:$0x3FAD]  }
0x28: {  	s2 =	sld [smem:$0x3FAE]  }
0x29: {  	s4 =	sld [smem:$0x3FB0]  }
0x2a: {  	p0 =	seq.s32 s5, $0x0;
	s5 =	sld [smem:$0x3FB1]  }
0x2b: {  	s6 =	sld [smem:$0x3FB2]  }
0x2c: {  	s7 =	sld [smem:$0x3FB3]  }
0x2d: {  	s3 =	simm.s32 $0x108;
	s8 =	sld [smem:$0x3FB4]  }
0x2e: {  	s3 =	simm.s32 @!p0 $0x1082;
	s9 =	sld [smem:$0x3FB5]  }
0x2f: {  	lr =	sadd.s32 s0, s3;
	s0 =	sld [smem:$0x3FAC]  }
0x30: {  	s3 =	sld [smem:$0x3FAF]  }
0x31: {  	[smem:$0x3FB8] =	sst s10  }
0x32: {  	s10 =	sld [smem:$0x3FB6];
	_ =	sdelay $0x3  }
0x33: {  	p0 =	seq.s32 s10, $0x1;
	s10 =	sld [smem:$0x3FB8];
	_ =	sdelay $0x3  }
0x34: {  	[smem:$0x3FB8] =	sst s10  }
0x35: {  	s10 =	sld [smem:$0x3FB7];
	_ =	sdelay $0x3  }
0x36: {  	p1 =	seq.s32 s10, $0x1;
	s10 =	sld [smem:$0x3FB8];
	_ =	sdelay $0x3  }
0x37: {  	[smem:$0x3FB8] =	sst s10  }
0x38: {  	s10 =	sld [smem:$0x3FB9]  }
0x39: {  	_ = 	snop;
	(pc) =	sbr.ind lr, $3  }
0x3a: {  	_ = 	snop  }
0x3b: {  	_ = 	snop  }
0x3c: {  	p2 =	seq.s32 s10, $0x1;
	s10 =	sld [smem:$0x3FB8]  }
0x3d: {  	_ =	shalt  }
0x3e: {  	_ =	shalt  }
0x3f: {  	_ =	shalt  }
0x40: {  	_ =	shalt  }
0x41: {  	_ =	shalt  }
0x42: {  	_ =	shalt  }
0x43: {  	_ =	shalt  }
0x44: {  	_ =	shalt  }
0x45: {  	_ =	shalt  }
0x46: {  	_ =	shalt  }
0x47: {  	_ =	shalt  }
0x48: {  	_ =	shalt  }
0x49: {  	_ =	shalt  }
0x4a: {  	_ =	shalt  }
0x4b: {  	_ =	shalt  }
0x4c: {  	_ =	shalt  }
0x4d: {  	_ =	shalt  }
0x4e: {  	_ =	shalt  }
0x4f: {  	_ =	shalt  }
0x50: {  	_ =	shalt  }
0x51: {  	_ =	shalt  }
0x52: {  	_ =	shalt  }
0x53: {  	_ =	shalt  }
0x54: {  	_ =	shalt  }
0x55: {  	_ =	shalt  }
0x56: {  	_ =	shalt  }
0x57: {  	_ =	shalt  }
0x58: {  	_ =	shalt  }
0x59: {  	_ =	shalt  }
0x5a: {  	_ =	shalt  }
0x5b: {  	_ =	shalt  }
0x5c: {  	_ =	shalt  }
0x5d: {  	_ =	shalt  }
0x5e: {  	_ =	shalt  }
0x5f: {  	_ =	shalt  }
0x60: {  	_ =	shalt  }
0x61: {  	_ =	shalt  }
0x62: {  	_ =	shalt  }
0x63: {  	_ =	shalt  }
0x64: {  	_ =	shalt  }
0x65: {  	_ =	shalt  }
0x66: {  	_ =	shalt  }
0x67: {  	_ =	shalt  }
0x68: {  	_ =	shalt  }
0x69: {  	_ =	shalt  }
0x6a: {  	_ =	shalt  }
0x6b: {  	_ =	shalt  }
0x6c: {  	_ =	shalt  }
0x6d: {  	_ =	shalt  }
0x6e: {  	_ =	shalt  }
0x6f: {  	_ =	shalt  }
0x70: {  	_ =	shalt  }
0x71: {  	_ =	shalt  }
0x72: {  	_ =	shalt  }
0x73: {  	_ =	shalt  }
0x74: {  	_ =	shalt  }
0x75: {  	_ =	shalt  }
0x76: {  	_ =	shalt  }
0x77: {  	_ =	shalt  }
0x78: {  	_ =	shalt  }
0x79: {  	_ =	shalt  }
0x7a: {  	_ =	shalt  }
0x7b: {  	_ =	shalt  }
0x7c: {  	_ =	shalt  }
0x7d: {  	_ =	shalt  }
0x7e: {  	_ =	shalt  }
0x7f: {  	_ =	shalt  }
0x80: {  	_ =	shalt  }
0x81: {  	_ =	shalt  }
0x82: {  	_ =	shalt  }
0x83: {  	_ =	shalt  }
0x84: {  	_ =	shalt  }
0x85: {  	_ =	shalt  }
0x86: {  	_ =	shalt  }
0x87: {  	_ =	shalt  }
.Lfunc_end0:
.L_simem_size_0:
called_computation.1_lowered:
.L_overlay_start_0:
0x88: {  	s2 =	sld [smem:$0x3FD9]  }
0x89: {  	s3 =	sld [smem:$0x3FFE];
	_ =	sdelay $0x1  }
0x8a: {  	s1 =	srdreg.scid  }
0x8b: {  	s0 =	sand.u32 $0x1, s1  }
0x8c: {  	s17 =	sshll.u32 s0, $0xA;
	s2 =	sadd.s32 s3, s2  }
0x8d: {  	s2 =	sadd.s32 s2, s17  }
0x8e: {  	[smem:$0x3FC4] =	sst s2  }
0x8f: {  	_ = 	snop  }
0x90: {  	s2 =	sld [smem:$0x3FD0];
	(tm) =	ssettm $0x1  }
0x91: {  	s18 =	sld [smem:$0x3FFB];
	_ =	sdelay $0x3  }
0x92: {  	_ =	strace s18  }
0x93: {  	s3 =	sld [smem:$0x3FFC];
	_ =	sdelay $0x3  }
0x94: {  	_ =	strace s3  }
0x95: {  	s3 =	sld [smem:$0x3FFD];
	_ =	sdelay $0x3  }
0x96: {  	_ =	strace s3  }
0x97: {  	_ =	strace $0x8FFFFFFF  }
0x98: {  	s19 =	sld [smem:$0x3FDB];
	_ =	sdelay $0x1  }
0x99: {  	s4 =	simm.s32 $_scs_section_size  }
0x9a: {  	s5 =	simm.s32 $_size__tile_overlayer_lowered;
	s6 =	simm.s32 $_tile_overlayer_lowered  }
0x9b: {  	s22 =	simm.s32 $0x1BFF;
	s21 =	sshll.u32 s6, $0x1;
	s3 =	sadd.s32 s4, s19  }
0x9c: {  	s7 =	simm.s32 $0x0;
	s20 =	sshll.u32 s5, $0x1;
	s5 =	sadd.s32 s21, s3  }
0x9d: {  	[timem:s7], [sflag:s22] =	dma.local [hbm:s5], s20  }
0x9e: {  	_ =	swait.ge [sflag:s22], s20  }
0x9f: {  	s4 =	ssub.s32 $0x0, s20;
	[sflag:s22] =	ssyncset.done $0x0  }
0xa0: {  	[sflag:s22] =	ssyncadd.s32 s4;
	_ =	sdelay $0x1  }
0xa1: {  	s23 =	simm.s32 $0x1B8B  }
0xa2: {  	_ =	swait.ge [sflag:s23], $0x1  }
0xa3: {  	[sflag:s23] =	ssyncset.done $0x0  }
0xa4: {  	s25 =	simm.s32 $0x1B8E;
	s24 =	sld [smem:$0x3FFE];
	[sflag:s23] =	ssyncadd.s32 $0xFFFFFFFF  }
0xa5: {  	s26 =	simm.s32 $execute0_lowered;
	[smem:$0x3FD2] =	sst s25  }
0xa6: {  	s5 =	sshll.u32 s26, $0x1;
	_ =	strace $0x80000049;
	[dreg:$0x1] =	wrdreg $0xFFFFFFFF  }
0xa7: {  	s28 =	simm.s32 $_size_execute0_lowered;
	s3 =	sadd.s32 s3, s5;
	[dreg:$0x0] =	wrdreg $0x0  }
0xa8: {  	s5 =	sshll.u32 s28, $0x1;
	[dreg:$0x2] =	wrdreg s3  }
0xa9: {  	[dreg:$0x3] =	wrdreg s5  }
0xaa: {  	[dreg:$0x4] =	wrdreg $0xC0  }
0xab: {  	_ =	task [dreg:s7], $0x5FFFF  }
0xac: {  	[dreg:$0x1] =	wrdreg $0xFFFFFFFF  }
0xad: {  	[dreg:$0x0] =	wrdreg $0x60  }
0xae: {  	[dreg:$0x2] =	wrdreg s24  }
0xaf: {  	[dreg:$0x3] =	wrdreg s2  }
0xb0: {  	[dreg:$0x4] =	wrdreg $0x9  }
0xb1: {  	_ =	task.clear_ibuf [dreg:s7], $0x5FFFF;
	_ =	strace $0x90000049  }
0xb2: {  	s29 =	simm.s32 $0x9;
	_ =	strace $0x8000004B  }
0xb3: {  	_ =	swait.ge [sflag:s29], $0x1  }
0xb4: {  	[sflag:s29] =	ssyncadd.s32 $0xFFFFFFFF  }
0xb5: {  	_ =	strace $0x9000004B  }
0xb6: {  	_ =	sfence  }
0xb7: {  	s30 =	sld [smem:$0x0];
	_ =	sdelay $0x2  }
0xb8: {  	s31 =	sshll.u32 s1, $0xD;
	s1 =	sshrl.u32 s1, $0x2  }
0xb9: {  	s3 =	sand.u32 $0x4000, s31;
	s1 =	sadd.s32 s1, s30  }
0xba: {  	s0 =	sor.u32 s3, s0;
	s1 =	sshll.u32 s1, $0x11  }
0xbb: {  	s0 =	sor.u32 s1, s0  }
0xbc: {  	s0 =	sadd.s32 $0x8F2B, s0  }
0xbd: {  	[sflag:s0] =	ssyncadd.remote.s32 $0x1  }
0xbe: {  	_ =	sfence.sel $0xFFFF  }
0xbf: {  	[dreg:$0x0] =	wrdreg $0xFFFFFFFF;
	(pc) =	sbr.abs _section_cstart, $3  }
0xc0: {  	[dreg:$0x1] =	wrdreg $0xFFFFFFFF  }
0xc1: {  	_ =	task.clear_ibuf [dreg:s7], $0x2FFFF;
	_ =	strace $0x9FFFFFFF  }
0xc2: {  	(tm) =	ssettm $0x7FFFFFFF  }
0xc3: {  	_ =	shalt  }
tec
execute0_lowered:
.L_overlay_start_1:
0x0: {  	(tag) =	ssettag $0x1  }
0x1: {  	s0 =	srdreg.scid  }
0x2: {  	s4 =	sand.u32 $0x1, s0;
	s0 =	stileid.u32  }
0x3: {  	s5 =	sshll.u32 s0, $0x1;
	s6 =	ssub.s32 $0x0, s4  }
0x4: {  	p0 =	sne.s32 s5, s6  }
.Ltmp0:
0x5: {  	_ = 	snop;
	(pc) =	sbr.rel @p0 .LBB2_5-.Ltmp0, $4  }
0x6: {  	_ = 	snop  }
0x7: {  	s3 =	rddreg [dreg:$0x0]  }
0x8: {  	s2 =	rddreg [dreg:$0x1]  }
0x9: {  	s1 =	rddreg [dreg:$0x2];
	_ =	strace $0x8000004A  }
0xa: {  	s4 =	ssub.s32 $0x2, s4  }
0xb: {  	s3 =	sadd.s32 $0xA00, s3;
	s5 =	sshrl.u32 s4, $0x1  }
0xc: {  	s6 =	simm.s32 $0x1;
	s7 =	simm.s32 $0x4000;
	s4 =	ssub.s32 s4, s5  }
0xd: {  	v0 =	vimm.f32 $0.0e+00;
	s8 =	simm.s32 $0x0;
	s5 =	simm.s32 $0x0;
	s4 =	smax.u32 s4, $0x1  }
.LBB2_2:
0xe: {  	[tilespmem:s5], [sflag:$0x1] =	stream.linear.gather [hbm4b:s3+s5], $0x4000, $0x38;
	[tilespmem:$0x4080] =	vst v63  }
0xf: {  	_ =	swait.ge [sflag:s6], $0x4000  }
0x10: {  	[sflag:s6] =	ssyncset.done $0x0  }
0x11: {  	s9 =	sand.u32 $0xF0, s5;
	[sflag:s6] =	ssyncadd.s32 $0xFFFFC000  }
0x12: {  	v1 =	vld [tilespmem:s9+$0x100];
	_ =	sdelay $0x1  }
0x13: {  	v2 =	vld [tilespmem:s9+$0x300];
	_ =	sdelay $0x1  }
0x14: {  	v3 =	vld [tilespmem:s9+$0x500]  }
0x15: {  	v1 =	vadd.f32 $0.0e+00, v1  }
0x16: {  	v4 =	vld [tilespmem:s9+$0x700]  }
0x17: {  	v1 =	vadd.f32 v2, v1  }
0x18: {  	v2 =	vld [tilespmem:s9+$0x900]  }
0x19: {  	v1 =	vadd.f32 v3, v1  }
0x1a: {  	v3 =	vld [tilespmem:s9+$0xB00]  }
0x1b: {  	v5 =	vld [tilespmem:s5+$0x0];
	v1 =	vadd.f32 v4, v1  }
0x1c: {  	v4 =	vld [tilespmem:s9+$0xD00]  }
0x1d: {  	v6 =	vld [tilespmem:s9+$0x200];
	v1 =	vadd.f32 v2, v1  }
0x1e: {  	v2 =	vld [tilespmem:s9+$0xF00]  }
0x1f: {  	v7 =	vld [tilespmem:s9+$0x400];
	v1 =	vadd.f32 v3, v1  }
0x20: {  	v3 =	vadd.f32 $0.0e+00, v5;
	v5 =	vld [tilespmem:s9+$0x1100]  }
0x21: {  	v8 =	vld [tilespmem:s9+$0x600];
	v1 =	vadd.f32 v4, v1  }
0x22: {  	v3 =	vadd.f32 v6, v3;
	v4 =	vld [tilespmem:s9+$0x1300]  }
0x23: {  	v6 =	vld [tilespmem:s9+$0x800];
	v1 =	vadd.f32 v2, v1  }
0x24: {  	v2 =	vadd.f32 v7, v3;
	v3 =	vld [tilespmem:s9+$0x1500]  }
0x25: {  	v7 =	vld [tilespmem:s9+$0xA00];
	v1 =	vadd.f32 v5, v1  }
0x26: {  	v2 =	vadd.f32 v8, v2;
	v5 =	vld [tilespmem:s9+$0x1700]  }
0x27: {  	v8 =	vld [tilespmem:s9+$0xC00];
	v1 =	vadd.f32 v4, v1  }
0x28: {  	v2 =	vadd.f32 v6, v2;
	v4 =	vld [tilespmem:s9+$0x1900]  }
0x29: {  	v6 =	vld [tilespmem:s9+$0xE00];
	v1 =	vadd.f32 v3, v1  }
0x2a: {  	v2 =	vadd.f32 v7, v2;
	v3 =	vld [tilespmem:s9+$0x1B00]  }
0x2b: {  	v7 =	vld [tilespmem:s9+$0x1000];
	v1 =	vadd.f32 v5, v1  }
0x2c: {  	v2 =	vadd.f32 v8, v2;
	v5 =	vld [tilespmem:s9+$0x1D00]  }
0x2d: {  	v8 =	vld [tilespmem:s9+$0x1200];
	v1 =	vadd.f32 v4, v1  }
0x2e: {  	v2 =	vadd.f32 v6, v2;
	v4 =	vld [tilespmem:s9+$0x1F00]  }
0x2f: {  	v6 =	vld [tilespmem:s9+$0x1400];
	v1 =	vadd.f32 v3, v1  }
0x30: {  	v2 =	vadd.f32 v7, v2;
	v3 =	vld [tilespmem:s9+$0x2100]  }
0x31: {  	v7 =	vld [tilespmem:s9+$0x1600];
	v1 =	vadd.f32 v5, v1  }
0x32: {  	v2 =	vadd.f32 v8, v2;
	v5 =	vld [tilespmem:s9+$0x2300]  }
0x33: {  	v8 =	vld [tilespmem:s9+$0x1800];
	v1 =	vadd.f32 v4, v1  }
0x34: {  	v2 =	vadd.f32 v6, v2;
	v4 =	vld [tilespmem:s9+$0x2500]  }
0x35: {  	v6 =	vld [tilespmem:s9+$0x1A00];
	v1 =	vadd.f32 v3, v1  }
0x36: {  	v2 =	vadd.f32 v7, v2;
	v3 =	vld [tilespmem:s9+$0x2700]  }
0x37: {  	v7 =	vld [tilespmem:s9+$0x1C00];
	v1 =	vadd.f32 v5, v1  }
0x38: {  	v2 =	vadd.f32 v8, v2;
	v5 =	vld [tilespmem:s9+$0x2900]  }
0x39: {  	v8 =	vld [tilespmem:s9+$0x1E00];
	v1 =	vadd.f32 v4, v1  }
0x3a: {  	v2 =	vadd.f32 v6, v2;
	v4 =	vld [tilespmem:s9+$0x2B00]  }
0x3b: {  	v6 =	vld [tilespmem:s9+$0x2000];
	v1 =	vadd.f32 v3, v1  }
0x3c: {  	v2 =	vadd.f32 v7, v2;
	v3 =	vld [tilespmem:s9+$0x2D00]  }
0x3d: {  	v7 =	vld [tilespmem:s9+$0x2200];
	v1 =	vadd.f32 v5, v1  }
0x3e: {  	v2 =	vadd.f32 v8, v2;
	v5 =	vld [tilespmem:s9+$0x2F00]  }
0x3f: {  	v8 =	vld [tilespmem:s9+$0x2400];
	v1 =	vadd.f32 v4, v1  }
0x40: {  	v2 =	vadd.f32 v6, v2;
	v4 =	vld [tilespmem:s9+$0x3100]  }
0x41: {  	v6 =	vld [tilespmem:s9+$0x2600];
	v1 =	vadd.f32 v3, v1  }
0x42: {  	v2 =	vadd.f32 v7, v2;
	v3 =	vld [tilespmem:s9+$0x3300]  }
0x43: {  	v7 =	vld [tilespmem:s9+$0x2800];
	v1 =	vadd.f32 v5, v1  }
0x44: {  	v2 =	vadd.f32 v8, v2;
	v5 =	vld [tilespmem:s9+$0x3500]  }
0x45: {  	v8 =	vld [tilespmem:s9+$0x2A00];
	v1 =	vadd.f32 v4, v1  }
0x46: {  	v2 =	vadd.f32 v6, v2;
	v6 =	vld [tilespmem:s9+$0x3700]  }
0x47: {  	v9 =	vld [tilespmem:s9+$0x2C00];
	v1 =	vadd.f32 v3, v1  }
0x48: {  	v2 =	vadd.f32 v7, v2;
	v7 =	vld [tilespmem:s9+$0x3900]  }
0x49: {  	v10 =	vld [tilespmem:s9+$0x2E00];
	v1 =	vadd.f32 v5, v1  }
0x4a: {  	v11 =	vld [tilespmem:s9+$0x3B00];
	v2 =	vadd.f32 v8, v2  }
0x4b: {  	v4 =	vld [tilespmem:s9+$0x3000];
	v1 =	vadd.f32 v6, v1  }
0x4c: {  	v2 =	vadd.f32 v9, v2;
	v6 =	vld [tilespmem:s9+$0x3D00]  }
0x4d: {  	v3 =	vld [tilespmem:s9+$0x3200];
	v1 =	vadd.f32 v7, v1  }
0x4e: {  	s10 =	simm.s32 $0x10;
	v5 =	vld [tilespmem:s9+$0x3F00];
	v8 =	vadd.f32 v10, v2  }
0x4f: {  	s11 =	simm.s32 $0x20;
	s12 =	sand.u32 $0xF0, s10;
	s10 =	simm.s32 $0x0;
	v7 =	vld [tilespmem:s9+$0x3400];
	v2 =	vimm.f32 $0.0e+00;
	v9 =	vadd.f32 v11, v1;
	v1 =	vimm.f32 $0.0e+00  }
.LBB2_3:
0x50: {  	p0 =	sne.s32 s11, $0xF0;
	v10 =	vld [tilespmem:s12+$0x100];
	v4 =	vadd.f32 v4, v8  }
0x51: {  	v8 =	vld [tilespmem:s9+$0x3600];
	v6 =	vadd.f32 v6, v9  }
0x52: {  	v9 =	vld [tilespmem:s12+$0x300];
	v3 =	vadd.f32 v3, v4  }
0x53: {  	v4 =	vld [tilespmem:s9+$0x3800];
	v5 =	vadd.f32 v5, v6  }
0x54: {  	v6 =	vld [tilespmem:s12+$0x500];
	v3 =	vadd.f32 v7, v3  }
0x55: {  	v7 =	vadd.f32 $0.0e+00, v10;
	v10 =	vld [tilespmem:s9+$0x3A00];
	v11 =	vmax.f32 v5, $1.000000000e+00  }
0x56: {  	v12 =	vld [tilespmem:s12+$0x700];
	v3 =	vadd.f32 v8, v3;
	(erf) = vrcp.f32 v11  }
0x57: {  	v7 =	vadd.f32 v9, v7;
	v8 =	vld [tilespmem:s9+$0x3C00]  }
0x58: {  	v9 =	vld [tilespmem:s12+$0x900];
	v3 =	vadd.f32 v4, v3  }
0x59: {  	v4 =	vadd.f32 v6, v7;
	v6 =	vld [tilespmem:s9+$0x3E00];
	s9 =	smov.u32 s12  }
0x5a: {  	s10 =	sadd.s32 $0x10, s10;
	v7 =	vld [tilespmem:s9+$0xB00];
	v3 =	vadd.f32 v10, v3  }
0x5b: {  	v10 =	vld [tilespmem:s10+$0x0];
	v4 =	vadd.f32 v12, v4  }
0x5c: {  	v11 =	vld [tilespmem:s9+$0xD00];
	v3 =	vadd.f32 v8, v3  }
0x5d: {  	v8 =	vld [tilespmem:s9+$0x200];
	v4 =	vadd.f32 v9, v4  }
0x5e: {  	v9 =	vld [tilespmem:s9+$0xF00];
	v3 =	vadd.f32 v6, v3  }
0x5f: {  	v6 =	vld [tilespmem:s9+$0x400];
	v4 =	vadd.f32 v7, v4;
	v7 =	vpop (erf)  }
0x60: {  	v10 =	vadd.f32 $0.0e+00, v10;
	v12 =	vld [tilespmem:s9+$0x1100];
	v3 =	vmul.f32 v7, v3  }
0x61: {  	vm0 =	vgt.f32 v5, $0.0e+00;
	v7 =	vld [tilespmem:s9+$0x600];
	v4 =	vadd.f32 v11, v4  }
0x62: {  	v5 =	vadd.f32 v8, v10;
	v8 =	vld [tilespmem:s9+$0x1300];
	v3 =	vnsel vm0, $0x0, v3;
	v10 =	vsel vm0, $0x3F800000, v0  }
0x63: {  	v11 =	vld [tilespmem:s9+$0x800];
	v4 =	vadd.f32 v9, v4;
	v2 =	vadd.f32 v3, v2  }
0x64: {  	v1 =	vadd.f32 v10, v1;
	v3 =	vadd.f32 v6, v5;
	v5 =	vld [tilespmem:s9+$0x1500]  }
0x65: {  	v6 =	vld [tilespmem:s9+$0xA00];
	v4 =	vadd.f32 v12, v4  }
0x66: {  	v3 =	vadd.f32 v7, v3;
	v7 =	vld [tilespmem:s9+$0x1700]  }
0x67: {  	v9 =	vld [tilespmem:s9+$0xC00];
	v4 =	vadd.f32 v8, v4  }
0x68: {  	v3 =	vadd.f32 v11, v3;
	v8 =	vld [tilespmem:s9+$0x1900]  }
0x69: {  	v10 =	vld [tilespmem:s9+$0xE00];
	v4 =	vadd.f32 v5, v4  }
0x6a: {  	v3 =	vadd.f32 v6, v3;
	v5 =	vld [tilespmem:s9+$0x1B00]  }
0x6b: {  	v6 =	vld [tilespmem:s9+$0x1000];
	v4 =	vadd.f32 v7, v4  }
0x6c: {  	v3 =	vadd.f32 v9, v3;
	v7 =	vld [tilespmem:s9+$0x1D00]  }
0x6d: {  	v9 =	vld [tilespmem:s9+$0x1200];
	v4 =	vadd.f32 v8, v4  }
0x6e: {  	v3 =	vadd.f32 v10, v3;
	v8 =	vld [tilespmem:s9+$0x1F00]  }
0x6f: {  	v10 =	vld [tilespmem:s9+$0x1400];
	v4 =	vadd.f32 v5, v4  }
0x70: {  	v3 =	vadd.f32 v6, v3;
	v5 =	vld [tilespmem:s9+$0x2100]  }
0x71: {  	v6 =	vld [tilespmem:s9+$0x1600];
	v4 =	vadd.f32 v7, v4  }
0x72: {  	v3 =	vadd.f32 v9, v3;
	v7 =	vld [tilespmem:s9+$0x2300]  }
0x73: {  	v9 =	vld [tilespmem:s9+$0x1800];
	v4 =	vadd.f32 v8, v4  }
0x74: {  	v3 =	vadd.f32 v10, v3;
	v8 =	vld [tilespmem:s9+$0x2500]  }
0x75: {  	v10 =	vld [tilespmem:s9+$0x1A00];
	v4 =	vadd.f32 v5, v4  }
0x76: {  	v3 =	vadd.f32 v6, v3;
	v5 =	vld [tilespmem:s9+$0x2700]  }
0x77: {  	v6 =	vld [tilespmem:s9+$0x1C00];
	v4 =	vadd.f32 v7, v4  }
0x78: {  	v3 =	vadd.f32 v9, v3;
	v7 =	vld [tilespmem:s9+$0x2900]  }
0x79: {  	v9 =	vld [tilespmem:s9+$0x1E00];
	v4 =	vadd.f32 v8, v4  }
0x7a: {  	v3 =	vadd.f32 v10, v3;
	v8 =	vld [tilespmem:s9+$0x2B00]  }
0x7b: {  	v10 =	vld [tilespmem:s9+$0x2000];
	v4 =	vadd.f32 v5, v4  }
0x7c: {  	v3 =	vadd.f32 v6, v3;
	v5 =	vld [tilespmem:s9+$0x2D00]  }
0x7d: {  	v6 =	vld [tilespmem:s9+$0x2200];
	v4 =	vadd.f32 v7, v4  }
0x7e: {  	v3 =	vadd.f32 v9, v3;
	v7 =	vld [tilespmem:s9+$0x2F00]  }
0x7f: {  	v9 =	vld [tilespmem:s9+$0x2400];
	v4 =	vadd.f32 v8, v4  }
0x80: {  	v3 =	vadd.f32 v10, v3;
	v8 =	vld [tilespmem:s9+$0x3100]  }
0x81: {  	v10 =	vld [tilespmem:s9+$0x2600];
	v4 =	vadd.f32 v5, v4  }
0x82: {  	v3 =	vadd.f32 v6, v3;
	v5 =	vld [tilespmem:s9+$0x3300]  }
0x83: {  	v6 =	vld [tilespmem:s9+$0x2800];
	v4 =	vadd.f32 v7, v4  }
0x84: {  	v3 =	vadd.f32 v9, v3;
	v7 =	vld [tilespmem:s9+$0x3500]  }
0x85: {  	v9 =	vld [tilespmem:s9+$0x2A00];
	v4 =	vadd.f32 v8, v4  }
0x86: {  	v3 =	vadd.f32 v10, v3;
	v8 =	vld [tilespmem:s9+$0x3700]  }
0x87: {  	v10 =	vld [tilespmem:s9+$0x2C00];
	v4 =	vadd.f32 v5, v4  }
0x88: {  	v3 =	vadd.f32 v6, v3;
	v5 =	vld [tilespmem:s9+$0x3900]  }
0x89: {  	v11 =	vld [tilespmem:s9+$0x2E00];
	v6 =	vadd.f32 v7, v4  }
0x8a: {  	v3 =	vadd.f32 v9, v3;
	v9 =	vld [tilespmem:s9+$0x3B00]  }
.Ltmp1:
0x8b: {  	v4 =	vld [tilespmem:s9+$0x3000];
	v7 =	vadd.f32 v8, v6;
	(pc) =	sbr.rel @p0 .LBB2_3-.Ltmp1, $4  }
0x8c: {  	v8 =	vadd.f32 v10, v3;
	v6 =	vld [tilespmem:s9+$0x3D00]  }
0x8d: {  	v3 =	vld [tilespmem:s9+$0x3200];
	v10 =	vadd.f32 v5, v7  }
0x8e: {  	v8 =	vadd.f32 v11, v8;
	v5 =	vld [tilespmem:s9+$0x3F00]  }
0x8f: {  	s12 =	sand.u32 $0xF0, s11;
	s11 =	sadd.s32 $0x10, s11;
	v7 =	vld [tilespmem:s9+$0x3400];
	v9 =	vadd.f32 v9, v10  }
0x90: {  	v10 =	vld [tilespmem:s12+$0x100];
	_ =	sdelay $0x1  }
0x91: {  	v11 =	vld [tilespmem:s12+$0x300];
	_ =	sdelay $0x1  }
0x92: {  	v12 =	vld [tilespmem:s12+$0x500]  }
0x93: {  	v10 =	vadd.f32 $0.0e+00, v10  }
0x94: {  	v13 =	vld [tilespmem:s12+$0x700]  }
0x95: {  	v10 =	vadd.f32 v11, v10  }
0x96: {  	v36 =	vld [tilespmem:s12+$0x900]  }
0x97: {  	v14 =	vld [tilespmem:s9+$0x3600];
	v10 =	vadd.f32 v12, v10  }
0x98: {  	v37 =	vld [tilespmem:s12+$0xB00];
	s10 =	sadd.s32 $0x10, s10  }
0x99: {  	v15 =	vld [tilespmem:s10+$0x0];
	v10 =	vadd.f32 v13, v10  }
0x9a: {  	v38 =	vld [tilespmem:s12+$0xD00]  }
0x9b: {  	v16 =	vld [tilespmem:s12+$0x200];
	v10 =	vadd.f32 v36, v10  }
0x9c: {  	v39 =	vld [tilespmem:s12+$0xF00]  }
0x9d: {  	v17 =	vld [tilespmem:s12+$0x400];
	v10 =	vadd.f32 v37, v10  }
0x9e: {  	v41 =	vld [tilespmem:s12+$0x1100];
	v40 =	vadd.f32 $0.0e+00, v15  }
0x9f: {  	v42 =	vld [tilespmem:s12+$0x600];
	v10 =	vadd.f32 v38, v10  }
0xa0: {  	v43 =	vld [tilespmem:s12+$0x1300];
	v12 =	vadd.f32 v16, v40  }
0xa1: {  	v44 =	vld [tilespmem:s12+$0x800];
	v10 =	vadd.f32 v39, v10  }
0xa2: {  	v45 =	vld [tilespmem:s12+$0x1500];
	v12 =	vadd.f32 v17, v12  }
0xa3: {  	v46 =	vld [tilespmem:s12+$0xA00];
	v10 =	vadd.f32 v41, v10  }
0xa4: {  	v47 =	vld [tilespmem:s12+$0x1700];
	v12 =	vadd.f32 v42, v12  }
0xa5: {  	v48 =	vld [tilespmem:s12+$0xC00];
	v10 =	vadd.f32 v43, v10  }
0xa6: {  	v49 =	vld [tilespmem:s12+$0x1900];
	v11 =	vadd.f32 v44, v12  }
0xa7: {  	v50 =	vld [tilespmem:s12+$0xE00];
	v10 =	vadd.f32 v45, v10  }
0xa8: {  	v51 =	vld [tilespmem:s12+$0x1B00];
	v11 =	vadd.f32 v46, v11  }
0xa9: {  	v52 =	vld [tilespmem:s12+$0x1000];
	v10 =	vadd.f32 v47, v10  }
0xaa: {  	v53 =	vld [tilespmem:s12+$0x1D00];
	v11 =	vadd.f32 v48, v11  }
0xab: {  	v54 =	vld [tilespmem:s12+$0x1200];
	v10 =	vadd.f32 v49, v10  }
0xac: {  	v55 =	vld [tilespmem:s12+$0x1F00];
	v11 =	vadd.f32 v50, v11  }
0xad: {  	v56 =	vld [tilespmem:s12+$0x1400];
	v10 =	vadd.f32 v51, v10  }
0xae: {  	v57 =	vld [tilespmem:s12+$0x2100];
	v11 =	vadd.f32 v52, v11  }
0xaf: {  	v58 =	vld [tilespmem:s12+$0x1600];
	v10 =	vadd.f32 v53, v10  }
0xb0: {  	v59 =	vld [tilespmem:s12+$0x2300];
	v11 =	vadd.f32 v54, v11  }
0xb1: {  	v60 =	vld [tilespmem:s12+$0x1800];
	v10 =	vadd.f32 v55, v10  }
0xb2: {  	v61 =	vld [tilespmem:s12+$0x2500];
	v11 =	vadd.f32 v56, v11  }
0xb3: {  	v62 =	vld [tilespmem:s12+$0x1A00];
	v10 =	vadd.f32 v57, v10  }
0xb4: {  	v63 =	vld [tilespmem:s12+$0x2700];
	v11 =	vadd.f32 v58, v11  }
0xb5: {  	v20 =	vld [tilespmem:s12+$0x1C00];
	v10 =	vadd.f32 v59, v10  }
0xb6: {  	v21 =	vld [tilespmem:s12+$0x2900];
	v11 =	vadd.f32 v60, v11  }
0xb7: {  	v22 =	vld [tilespmem:s12+$0x1E00];
	v10 =	vadd.f32 v61, v10  }
0xb8: {  	v23 =	vld [tilespmem:s12+$0x2B00];
	v11 =	vadd.f32 v62, v11  }
0xb9: {  	v24 =	vld [tilespmem:s12+$0x2000];
	v10 =	vadd.f32 v63, v10  }
0xba: {  	v25 =	vld [tilespmem:s12+$0x2D00];
	v11 =	vadd.f32 v20, v11  }
0xbb: {  	v26 =	vld [tilespmem:s12+$0x2200];
	v10 =	vadd.f32 v21, v10  }
0xbc: {  	v27 =	vld [tilespmem:s12+$0x2F00];
	v11 =	vadd.f32 v22, v11  }
0xbd: {  	v28 =	vld [tilespmem:s12+$0x2400];
	v10 =	vadd.f32 v23, v10  }
0xbe: {  	v29 =	vld [tilespmem:s12+$0x3100];
	v11 =	vadd.f32 v24, v11  }
0xbf: {  	v30 =	vld [tilespmem:s12+$0x2600];
	v10 =	vadd.f32 v25, v10  }
0xc0: {  	v31 =	vld [tilespmem:s12+$0x3300];
	v11 =	vadd.f32 v26, v11  }
0xc1: {  	v32 =	vld [tilespmem:s12+$0x2800];
	v10 =	vadd.f32 v27, v10  }
0xc2: {  	v33 =	vld [tilespmem:s12+$0x3500];
	v11 =	vadd.f32 v28, v11  }
0xc3: {  	v34 =	vld [tilespmem:s12+$0x2A00];
	v10 =	vadd.f32 v29, v10  }
0xc4: {  	v35 =	vld [tilespmem:s12+$0x3700];
	v11 =	vadd.f32 v30, v11  }
0xc5: {  	v36 =	vld [tilespmem:s12+$0x2C00];
	v10 =	vadd.f32 v31, v10  }
0xc6: {  	v37 =	vld [tilespmem:s12+$0x3900];
	v11 =	vadd.f32 v32, v11  }
0xc7: {  	v38 =	vld [tilespmem:s12+$0x2E00];
	v10 =	vadd.f32 v33, v10  }
0xc8: {  	v39 =	vld [tilespmem:s12+$0x3B00];
	v11 =	vadd.f32 v34, v11  }
0xc9: {  	v40 =	vld [tilespmem:s12+$0x3000];
	v10 =	vadd.f32 v35, v10  }
0xca: {  	v41 =	vld [tilespmem:s12+$0x3D00];
	v11 =	vadd.f32 v36, v11  }
0xcb: {  	v42 =	vld [tilespmem:s12+$0x3200];
	v10 =	vadd.f32 v37, v10  }
0xcc: {  	v4 =	vadd.f32 v4, v8;
	v44 =	vld [tilespmem:s12+$0x3F00];
	v43 =	vadd.f32 v38, v11  }
0xcd: {  	v6 =	vadd.f32 v6, v9;
	v46 =	vld [tilespmem:s12+$0x3400];
	v45 =	vadd.f32 v39, v10  }
0xce: {  	v3 =	vadd.f32 v3, v4;
	v48 =	vld [tilespmem:s9+$0x3800];
	v47 =	vadd.f32 v40, v43  }
0xcf: {  	v5 =	vadd.f32 v5, v6;
	v50 =	vld [tilespmem:s12+$0x3600];
	v49 =	vadd.f32 v41, v45  }
0xd0: {  	v3 =	vadd.f32 v7, v3;
	v51 =	vld [tilespmem:s9+$0x3A00];
	v4 =	vadd.f32 v42, v47  }
0xd1: {  	v52 =	vmax.f32 v5, $1.000000000e+00;
	v53 =	vld [tilespmem:s12+$0x3800];
	v6 =	vadd.f32 v44, v49  }
0xd2: {  	v3 =	vadd.f32 v14, v3;
	(erf) = vrcp.f32 v52;
	v54 =	vld [tilespmem:s9+$0x3C00];
	v4 =	vadd.f32 v46, v4  }
0xd3: {  	v55 =	vld [tilespmem:s12+$0x3A00];
	v56 =	vmax.f32 v6, $1.000000000e+00  }
0xd4: {  	v3 =	vadd.f32 v48, v3;
	v58 =	vld [tilespmem:s12+$0x3C00];
	v4 =	vadd.f32 v50, v4;
	(erf) = vrcp.f32 v56  }
0xd5: {  	v57 =	vld [tilespmem:s9+$0x3E00]  }
0xd6: {  	v3 =	vadd.f32 v51, v3;
	v4 =	vadd.f32 v53, v4  }
0xd7: {  	v59 =	vld [tilespmem:s12+$0x3E00]  }
0xd8: {  	v3 =	vadd.f32 v54, v3;
	v4 =	vadd.f32 v55, v4;
	_ =	sdelay $0x1  }
0xd9: {  	v3 =	vadd.f32 v57, v3;
	v4 =	vadd.f32 v58, v4  }
0xda: {  	v60 =	vpop (erf)  }
0xdb: {  	v3 =	vmul.f32 v60, v3;
	v4 =	vadd.f32 v59, v4  }
0xdc: {  	vm0 =	vgt.f32 v5, $0.0e+00;
	v61 =	vpop (erf)  }
0xdd: {  	v3 =	vnsel vm0, $0x0, v3;
	v4 =	vmul.f32 v61, v4  }
0xde: {  	v62 =	vsel vm0, $0x3F800000, v0;
	v2 =	vadd.f32 v3, v2;
	vm15 =	vgt.f32 v6, $0.0e+00  }
0xdf: {  	v1 =	vadd.f32 v62, v1;
	v3 =	vnsel vm15, $0x0, v4  }
0xe0: {  	v63 =	vsel vm15, $0x3F800000, v0;
	v2 =	vadd.f32 v3, v2  }
0xe1: {  	v1 =	vadd.f32 v63, v1  }
0xe2: {  	(xrf2) =	vadd.scan.msk.f32 $0xffff, v2  }
0xe3: {  	(xrf2) =	vadd.scan.msk.f32 $0xffff, v1;
	_ =	sdelay $0x8  }
0xe4: {  	v1, _, _ =	vpop (xrf2)  }
0xe5: {  	v2, _, _ =	vpop (xrf2)  }
0xe6: {  	v2 =	vadd.f32 $0.0e+00, v2;
	_ =	sdelay $0x1  }
0xe7: {  	v2 =	vmax.f32 v2, $1.000000000e+00  }
0xe8: {  	v2 =	vbroadcast v2, $0xF;
	_ =	sdelay $0x1  }
0xe9: {  	(erf) = vrcp.f32 v2;
	_ =	sdelay $0x5  }
0xea: {  	v1 =	vadd.f32 $0.0e+00, v1;
	_ =	sdelay $0x1  }
0xeb: {  	v1 =	vbroadcast v1, $0xF  }
0xec: {  	v2 =	vpop (erf)  }
0xed: {  	s8 =	sadd.s32 $0x1, s8;
	v1 =	vmul.f32 v2, v1  }
0xee: {  	p0 =	sne.s32 s8, s4  }
.Ltmp2:
0xef: {  	[tilespmem:$0x4000] =	vst v1;
	(pc) =	sbr.rel @p0 .LBB2_2-.Ltmp2, $4  }
0xf0: {  	[hbm4b:s2+s5] =	stream.linear.scatter [tilespmem:s7], [sflag:$0x1], $0x80, $0x38;
	[tilespmem:$0x4080] =	vst v63  }
0xf1: {  	_ =	swait.ge [sflag:s6], $0x80  }
0xf2: {  	[sflag:s6] =	ssyncset.done $0x0  }
0xf3: {  	[sflag:s6] =	ssyncadd.s32 $0xFFFFFF80  }
.LBB2_5:
0xf4: {  	_ =	sfence.sel $0x180000  }
0xf5: {  	[bflag:$0x0] =	sbarrier.arrive $0xFFFF  }
0xf6: {  	p0 =	sne.s32 s0, $0x0;
	_ =	strace $0x9000004A  }
0xf7: {  	s0 =	sadd.s32 @!p0 $0x100000, s1;
	[bflag:$0x2] =	sbarrier.arrive $0xFFFF  }
0xf8: {  	[sflag:s0] =	ssyncadd.tile.s32 @!p0 $0x1;
	_ =	shalt  }
.Lfunc_end2:
_tile_overlayer_lowered:
.L_overlay_start_2:
0xf9: {  	(tag) =	ssettag $0x2  }
0xfa: {  	s0 =	rddreg [dreg:$0x0];
	s2 =	stileid.u32  }
0xfb: {  	s1 =	rddreg [dreg:$0x1];
	p0 =	sne.s32 s2, $0x0  }
0xfc: {  	s3 =	rddreg [dreg:$0x2];
	[bflag:$0x3] =	sbarrier.arrive $0xFFFF;
	s2 =	simm.s32 @!p0 $0x1C01  }
0xfd: {  	[timem:s3], [sflag:s2] =	dma.local @!p0 [hbm:s0], s1  }
0xfe: {  	s0 =	simm.s32 @!p0 $0x1  }
0xff: {  	_ =	swait.ge @!p0 [sflag:s0], s1  }
0x100: {  	s1 =	ssub.s32 @!p0 $0x0, s1;
	[sflag:s0] =	ssyncset.done @!p0 $0x0  }
0x101: {  	[sflag:s0] =	ssyncadd.s32 @!p0 s1  }
0x102: {  	[bflag:$0x3] =	sbarrier.arrive $0xFFFF  }
0x103: {  	_ =	shalt  }

</sc_bundles>
